<compile_context>
chip_gen: v7x
topology: tpu7x:2x2x1
jax: 0.10.2.dev20260603
libtpu: 0.0.44.dev20260713+nightly
codegen_flags: <defaults>
</compile_context>

<pallas_src>
import jax
import jax.numpy as jnp
from jax import lax
from jax.experimental import pallas as pl
from jax.experimental.pallas import tpu as pltpu
from jax.experimental.pallas import tpu_sc as plsc

D = 1024
H = 2048
E = 64
T = 4096

BLOCK = 128
NB = 2 * T // BLOCK + E
P_MAX = NB * BLOCK

NC, NS = 2, 16
NW = NC * NS

RT = 256



NT = T // RT


def _router_body(x_ref, wg_ref, ei_ref, ws_ref, hist_ref):
    s = lax.dot_general(x_ref[...], wg_ref[...], (((1,), (1,)), ((), ())),
                        preferred_element_type=jnp.float32)
    ecol = lax.broadcasted_iota(jnp.int32, (RT, E), 1)
    m1 = jnp.max(s, axis=1, keepdims=True)
    i1 = jnp.min(jnp.where(s == m1, ecol, E), axis=1, keepdims=True)
    s2 = jnp.where(ecol == i1, -1e30, s)
    m2 = jnp.max(s2, axis=1, keepdims=True)
    i2 = jnp.min(jnp.where(s2 == m2, ecol, E), axis=1, keepdims=True)
    w1 = 1.0 / (1.0 + jnp.exp(m2 - m1))
    ei_ref[...] = jnp.concatenate([i1, i2], axis=1)
    ws_ref[...] = jnp.concatenate([w1, 1.0 - w1], axis=1)
    cnt = jnp.sum(((ecol == i1) | (ecol == i2)).astype(jnp.float32), axis=0,
                  keepdims=True)
    hist_ref[...] = jnp.concatenate(
        [cnt, jnp.zeros((7, E), jnp.float32)], axis=0)[None]


def _router(x2d, Wg):
    return pl.pallas_call(
        _router_body,
        grid=(NT,),
        in_specs=[
            pl.BlockSpec((RT, D), lambda i: (i, 0)),
            pl.BlockSpec((E, D), lambda i: (0, 0)),
        ],
        out_specs=[
            pl.BlockSpec((RT, 2), lambda i: (i, 0)),
            pl.BlockSpec((RT, 2), lambda i: (i, 0)),
            pl.BlockSpec((1, 8, E), lambda i: (i, 0, 0)),
        ],
        out_shape=[
            jax.ShapeDtypeStruct((T, 2), jnp.int32),
            jax.ShapeDtypeStruct((T, 2), jnp.float32),
            jax.ShapeDtypeStruct((NT, 8, E), jnp.float32),
        ],
    )(x2d, Wg)


def _rank_body(ei_ref, cb_ref, qp_ref):
    e0 = ei_ref[:, 0:1]
    e1 = ei_ref[:, 1:2]
    ecol = lax.broadcasted_iota(jnp.int32, (RT, E), 1)
    oh0 = (ecol == e0).astype(jnp.float32)
    oh1 = (ecol == e1).astype(jnp.float32)
    rowcnt = oh0 + oh1
    ri = lax.broadcasted_iota(jnp.int32, (RT, RT), 0)
    ci = lax.broadcasted_iota(jnp.int32, (RT, RT), 1)
    ltri = (ci < ri).astype(jnp.float32)
    prior = lax.dot_general(ltri, rowcnt, (((1,), (0,)), ((), ())),
                            preferred_element_type=jnp.float32)
    base = cb_ref[0, 0:1, :] + prior
    q0 = jnp.sum(base * oh0, axis=1, keepdims=True)
    q1 = jnp.sum(base * oh1, axis=1, keepdims=True) + (e0 == e1)
    qp_ref[...] = jnp.concatenate([q0, q1], axis=1).astype(jnp.int32)


def _rank(ei, cbase):
    return pl.pallas_call(
        _rank_body,
        grid=(NT,),
        in_specs=[
            pl.BlockSpec((RT, 2), lambda i: (i, 0)),
            pl.BlockSpec((1, 8, E), lambda i: (i, 0, 0)),
        ],
        out_specs=pl.BlockSpec((RT, 2), lambda i: (i, 0)),
        out_shape=jax.ShapeDtypeStruct((T, 2), jnp.int32),
    )(ei, cbase)




def _bookkeep(ei, ws, hist3):
    i32 = jnp.int32
    hist = hist3[:, 0, :]
    counts = jnp.sum(hist, axis=0).astype(i32)
    tilebase = jnp.cumsum(hist, axis=0) - hist
    nblk = (counts + BLOCK - 1) // BLOCK
    pstart = (jnp.cumsum(nblk) - nblk) * BLOCK
    cbase = pstart.astype(jnp.float32)[None, :] + tilebase
    cbase3 = jnp.broadcast_to(cbase[:, None, :], (NT, 8, E))
    qp = _rank(ei, cbase3)
    qf = qp.reshape(-1)
    wpad = jnp.zeros((P_MAX,), jnp.float32).at[qf].set(ws.reshape(-1))
    bids = jnp.arange(NB, dtype=i32)
    be = jnp.clip(
        jnp.searchsorted(pstart, bids * BLOCK, side="right").astype(i32) - 1,
        0, E - 1)
    bvalid = (bids * BLOCK < jnp.sum(nblk) * BLOCK).astype(i32)
    return wpad, qp[:, 0], qp[:, 1], be, bvalid



NBG = NB

_D_CH = 32
_D_PER_W = T // NW
_D_NCH = _D_PER_W // _D_CH


def _dispatch_body(x_hbm, q1_hbm, q2_hbm, xs_hbm, q1_v, q2_v, b0, b1, s0, s1):
    wid = lax.axis_index("s") * NC + lax.axis_index("c")
    pltpu.sync_copy(q1_hbm.at[wid], q1_v)
    pltpu.sync_copy(q2_hbm.at[wid], q2_v)
    base = wid * _D_PER_W
    bufs, sems, qvs = (b0, b1), (s0, s1), (q1_v, q2_v)

    def wait_scatters(c, b):
        for qv in qvs:
            pltpu.make_async_copy(bufs[b], xs_hbm.at[qv.at[c]], sems[b]).wait()

    for c in range(_D_NCH):
        b = c % 2
        if c >= 2:
            wait_scatters(c - 2, b)
        pltpu.sync_copy(x_hbm.at[pl.ds(base + c * _D_CH, _D_CH)], bufs[b])
        for qv in qvs:
            pltpu.async_copy(bufs[b], xs_hbm.at[qv.at[c]], sems[b])
    for c in range(max(_D_NCH - 2, 0), _D_NCH):
        wait_scatters(c, c % 2)


def _dispatch(x2d, q1, q2):
    mesh = plsc.VectorSubcoreMesh(core_axis_name="c", subcore_axis_name="s")
    f = pl.kernel(
        _dispatch_body,
        out_type=jax.ShapeDtypeStruct((P_MAX, D), jnp.float32),
        mesh=mesh,
        scratch_types=[
            pltpu.VMEM((_D_NCH, _D_CH), jnp.int32),
            pltpu.VMEM((_D_NCH, _D_CH), jnp.int32),
            pltpu.VMEM((_D_CH, D), jnp.float32),
            pltpu.VMEM((_D_CH, D), jnp.float32),
            pltpu.SemaphoreType.DMA,
            pltpu.SemaphoreType.DMA,
        ],
    )
    return f(x2d, q1.reshape(NW, _D_NCH, _D_CH), q2.reshape(NW, _D_NCH, _D_CH))




def _ffn_body(be_ref, bv_ref, xs_ref, w1_ref, w3_ref, w2_ref, wp_ref, *rest):
    ys_ref = rest[-1]
    i = pl.program_id(0)

    @pl.when(bv_ref[i] == 1)
    def _():
        xt = xs_ref[...]
        a = lax.dot_general(xt, w1_ref[0], (((1,), (1,)), ((), ())),
                            preferred_element_type=jnp.float32)
        g = lax.dot_general(xt, w3_ref[0], (((1,), (1,)), ((), ())),
                            preferred_element_type=jnp.float32)
        h = (a / (1.0 + jnp.exp(-a))) * g
        o = lax.dot_general(h, w2_ref[0], (((1,), (1,)), ((), ())),
                            preferred_element_type=jnp.float32)
        ys_ref[...] = o * wp_ref[0]


def _ffn_group(g, xs_g, wpad_g, be_g, bv_g, W1, W3, W2, ys_prev):
    in_specs = [
        pl.BlockSpec((BLOCK, D), lambda i, be, bv: (i, 0)),
        pl.BlockSpec((1, H, D), lambda i, be, bv: (be[i], 0, 0)),
        pl.BlockSpec((1, H, D), lambda i, be, bv: (be[i], 0, 0)),
        pl.BlockSpec((1, D, H), lambda i, be, bv: (be[i], 0, 0)),
        pl.BlockSpec((1, BLOCK, 1), lambda i, be, bv: (i, 0, 0)),
    ]
    args = [be_g, bv_g, xs_g, W1, W3, W2, wpad_g.reshape(NBG, BLOCK, 1)]
    aliases = {}
    if ys_prev is not None:
        in_specs.append(pl.BlockSpec(memory_space=pl.ANY))
        args.append(ys_prev)
        aliases = {7: 0}
    grid_spec = pltpu.PrefetchScalarGridSpec(
        num_scalar_prefetch=2,
        grid=(NBG,),
        in_specs=in_specs,
        out_specs=pl.BlockSpec((BLOCK, D),
                               lambda i, be, bv, g=g: (i + g * NBG, 0)),
    )
    return pl.pallas_call(
        _ffn_body,
        grid_spec=grid_spec,
        out_shape=jax.ShapeDtypeStruct((P_MAX, D), jnp.float32),
        input_output_aliases=aliases,
        compiler_params=pltpu.CompilerParams(
            dimension_semantics=("arbitrary",),
            vmem_limit_bytes=128 * 1024 * 1024,
        ),
    )(*args)



_C_CH = 16
_C_PER_W = T // NW
_C_NCH = _C_PER_W // _C_CH


def _combine_body(ys_hbm, q1_hbm, q2_hbm, out_hbm, q1_v, q2_v,
                  a0, b0, a1, b1, s0, s1):
    wid = lax.axis_index("s") * NC + lax.axis_index("c")
    pltpu.sync_copy(q1_hbm.at[wid], q1_v)
    pltpu.sync_copy(q2_hbm.at[wid], q2_v)
    base = wid * _C_PER_W
    abufs, bbufs, sems = (a0, a1), (b0, b1), (s0, s1)

    def issue(c, k):
        pltpu.async_copy(ys_hbm.at[q1_v.at[c]], abufs[k], sems[k])
        pltpu.async_copy(ys_hbm.at[q2_v.at[c]], bbufs[k], sems[k])

    def drain(c, k):
        pltpu.make_async_copy(ys_hbm.at[q1_v.at[c]], abufs[k], sems[k]).wait()
        pltpu.make_async_copy(ys_hbm.at[q2_v.at[c]], bbufs[k], sems[k]).wait()

    issue(0, 0)
    for c in range(_C_NCH):
        k = c % 2
        drain(c, k)
        if c + 1 < _C_NCH:
            issue(c + 1, 1 - k)
        bufa, bufb = abufs[k], bbufs[k]

        def row(r, carry):
            def vec(v, carry2):
                sl = pl.ds(v * 16, 16)
                bufa[r, sl] = bufa[r, sl] + bufb[r, sl]
                return carry2
            return lax.fori_loop(0, D // 16, vec, carry)

        lax.fori_loop(0, _C_CH, row, 0)
        pltpu.sync_copy(bufa, out_hbm.at[pl.ds(base + c * _C_CH, _C_CH)])


def _combine(ys, q1, q2):
    mesh = plsc.VectorSubcoreMesh(core_axis_name="c", subcore_axis_name="s")
    f = pl.kernel(
        _combine_body,
        out_type=jax.ShapeDtypeStruct((T, D), jnp.float32),
        mesh=mesh,
        scratch_types=[
            pltpu.VMEM((_C_NCH, _C_CH), jnp.int32),
            pltpu.VMEM((_C_NCH, _C_CH), jnp.int32),
            pltpu.VMEM((_C_CH, D), jnp.float32),
            pltpu.VMEM((_C_CH, D), jnp.float32),
            pltpu.VMEM((_C_CH, D), jnp.float32),
            pltpu.VMEM((_C_CH, D), jnp.float32),
            pltpu.SemaphoreType.DMA,
            pltpu.SemaphoreType.DMA,
        ],
    )
    return f(ys, q1.reshape(NW, _C_NCH, _C_CH), q2.reshape(NW, _C_NCH, _C_CH))




def kernel(x, Wg, W1, W3, W2):
    B, S, _ = x.shape
    x2d = x.reshape(T, D)
    ei, ws, hist3 = _router(x2d, Wg)
    wpad, q1, q2, be, bvalid = _bookkeep(ei, ws, hist3)
    xs = _dispatch(x2d, q1, q2)
    ys = _ffn_group(0, xs, wpad, be, bvalid, W1, W3, W2, None)
    out = _combine(ys, q1, q2)
    return out.reshape(B, S, D)

# --- scband reference (transcript-rebuilt; emitter-appended) ---
"""Pipeline reference for scband-mo-e-48962627174702 (READ-ONLY COPY).

The authoritative reference and input builder live on the scoring server;
editing this copy changes nothing except your own understanding.
"""

import jax, jax.numpy as jnp
import numpy as np

DIM = 1024
HIDDEN = 2048
NUM_EXPERTS = 64
TOP_K = 2
BATCH = 2
SEQ = 2048


def setup_inputs(seed: int = 0) -> dict:
    key = jax.random.key(seed)
    ks = jax.random.split(key, 5)
    std = DIM ** -0.5
    x = jax.random.normal(ks[0], (BATCH, SEQ, DIM), dtype=jnp.float32)
    Wg = jax.random.normal(ks[1], (NUM_EXPERTS, DIM), dtype=jnp.float32) * std
    W1 = jax.random.normal(ks[2], (NUM_EXPERTS, HIDDEN, DIM), dtype=jnp.float32) * std
    W3 = jax.random.normal(ks[3], (NUM_EXPERTS, HIDDEN, DIM), dtype=jnp.float32) * std
    W2 = jax.random.normal(ks[4], (NUM_EXPERTS, DIM, HIDDEN), dtype=jnp.float32) * (HIDDEN ** -0.5)
    return {"x": x, "Wg": Wg, "W1": W1, "W3": W3, "W2": W2}


def reference(x, Wg, W1, W3, W2):
    B, S, D = x.shape
    T = B * S
    xf = x.reshape(T, D)
    # gate: nn.Linear(dim, num_experts, bias=False)
    scores = xf @ Wg.T  # [T, E]
    expert_weights, expert_indices = jax.lax.top_k(scores, TOP_K)  # [T, k]
    expert_weights = jax.nn.softmax(expert_weights, axis=-1)  # [T, k]
    # per-expert swiglu MLP applied to its assigned token slots, then weighted sum over k.
    # Mathematically identical to the torch scatter loop: out[t] = sum_j w[t,j] * expert_{ei[t,j]}(x[t])
    out = jnp.zeros((T, D), dtype=x.dtype)
    for e in range(NUM_EXPERTS):
        h = jax.nn.silu(xf @ W1[e].T) * (xf @ W3[e].T)  # [T, HIDDEN]
        o = h @ W2[e].T  # [T, D]
        we = jnp.sum(jnp.where(expert_indices == e, expert_weights, 0.0), axis=-1)  # [T]
        out = out + o * we[:, None]
    return out.reshape(B, S, D)

if __name__ == "__main__":
    import jax
    _d = setup_inputs()
    print(jax.jit(kernel)(*tuple(_d.values())))

</pallas_src>

<mosaic_0001>
#map = affine_map<(d0, d1) -> (0, 0)>
#map1 = affine_map<(d0, d1) -> (0, 0, 0)>
module attributes {stable_mosaic.version = 14 : i64} {
  func.func @_combine_body(%arg0: i32, %arg1: i32, %arg2: memref<16384x1024xf32, #tpu.memory_space<hbm>>, %arg3: memref<32x8x16xi32, #tpu.memory_space<hbm>>, %arg4: memref<32x8x16xi32, #tpu.memory_space<hbm>>, %arg5: memref<4096x1024xf32, #tpu.memory_space<hbm>>, %arg6: memref<8x16xi32, #tpu.memory_space<vmem>>, %arg7: memref<8x16xi32, #tpu.memory_space<vmem>>, %arg8: memref<16x1024xf32, #tpu.memory_space<vmem>>, %arg9: memref<16x1024xf32, #tpu.memory_space<vmem>>, %arg10: memref<16x1024xf32, #tpu.memory_space<vmem>>, %arg11: memref<16x1024xf32, #tpu.memory_space<vmem>>, %arg12: memref<!tpu.dma_semaphore, #tpu.memory_space<semaphore_mem>>, %arg13: memref<!tpu.dma_semaphore, #tpu.memory_space<semaphore_mem>>) attributes {dimension_semantics = [#tpu.dimension_semantics<core_parallel>, #tpu.dimension_semantics<subcore_parallel>], iteration_bounds = array<i64: 2, 16>, scalar_prefetch = 0 : i64, scratch_operands = 8 : i64, tpu.core_type = #tpu.core_type<sc_vector_subcore>, window_params = [{transform_indices = #map}, {transform_indices = #map1}, {transform_indices = #map1}, {transform_indices = #map}]} {
    %mul3A = arith.constant 2 : i32
    %mul3A_0 = arith.muli %arg1, %mul3A : i32
    %add3A = arith.addi %mul3A_0, %arg0 : i32
    "tpu.region"() ({
      %run_scoped3A = tpu.sem_alloc : memref<!tpu.dma_semaphore, #tpu.memory_space<semaphore_mem>>
      %dma_start3A_288 = arith.constant 0 : i32
      %dma_start3A_289 = arith.constant 0 : i32
      %dma_start3A_290 = tpu.memref_slice %arg3[%add3A, %dma_start3A_288, %dma_start3A_289] : memref<32x8x16xi32, #tpu.memory_space<hbm>> -> memref<1x8x16xi32, #tpu.memory_space<hbm>>
      %dma_start3A_291 = tpu.memref_squeeze %dma_start3A_290 : memref<1x8x16xi32, #tpu.memory_space<hbm>> -> memref<8x16xi32, #tpu.memory_space<hbm>>
      %dma_start3A_292 = arith.constant 0 : i32
      %dma_start3A_293 = arith.constant 0 : i32
      %dma_start3A_294 = tpu.memref_slice %arg3[%add3A, %dma_start3A_292, %dma_start3A_293] : memref<32x8x16xi32, #tpu.memory_space<hbm>> -> memref<1x8x16xi32, #tpu.memory_space<hbm>>
      %dma_start3A_295 = tpu.memref_squeeze %dma_start3A_294 : memref<1x8x16xi32, #tpu.memory_space<hbm>> -> memref<8x16xi32, #tpu.memory_space<hbm>>
      tpu.enqueue_dma source(%dma_start3A_295 : memref<8x16xi32, #tpu.memory_space<hbm>>) target(%arg6 : memref<8x16xi32, #tpu.memory_space<vmem>>) target_semaphore(%run_scoped3A : memref<!tpu.dma_semaphore, #tpu.memory_space<semaphore_mem>>)
      %dma_wait3A_296 = arith.constant 0 : i32
      %dma_wait3A_297 = arith.constant 0 : i32
      %dma_wait3A_298 = tpu.memref_slice %arg3[%add3A, %dma_wait3A_296, %dma_wait3A_297] : memref<32x8x16xi32, #tpu.memory_space<hbm>> -> memref<1x8x16xi32, #tpu.memory_space<hbm>>
      %dma_wait3A_299 = tpu.memref_squeeze %dma_wait3A_298 : memref<1x8x16xi32, #tpu.memory_space<hbm>> -> memref<8x16xi32, #tpu.memory_space<hbm>>
      %dma_wait3A_300 = arith.constant 0 : i32
      %dma_wait3A_301 = arith.constant 0 : i32
      %dma_wait3A_302 = tpu.memref_slice %arg3[%add3A, %dma_wait3A_300, %dma_wait3A_301] : memref<32x8x16xi32, #tpu.memory_space<hbm>> -> memref<1x8x16xi32, #tpu.memory_space<hbm>>
      %dma_wait3A_303 = tpu.memref_squeeze %dma_wait3A_302 : memref<1x8x16xi32, #tpu.memory_space<hbm>> -> memref<8x16xi32, #tpu.memory_space<hbm>>
      tpu.wait_dma2 semaphore(%run_scoped3A : memref<!tpu.dma_semaphore, #tpu.memory_space<semaphore_mem>>) src(%dma_wait3A_303 : memref<8x16xi32, #tpu.memory_space<hbm>>) dst(%arg6 : memref<8x16xi32, #tpu.memory_space<vmem>>)
      tpu.yield
    }) : () -> ()
    "tpu.region"() ({
      %run_scoped3A = tpu.sem_alloc : memref<!tpu.dma_semaphore, #tpu.memory_space<semaphore_mem>>
      %dma_start3A_288 = arith.constant 0 : i32
      %dma_start3A_289 = arith.constant 0 : i32
      %dma_start3A_290 = tpu.memref_slice %arg4[%add3A, %dma_start3A_288, %dma_start3A_289] : memref<32x8x16xi32, #tpu.memory_space<hbm>> -> memref<1x8x16xi32, #tpu.memory_space<hbm>>
      %dma_start3A_291 = tpu.memref_squeeze %dma_start3A_290 : memref<1x8x16xi32, #tpu.memory_space<hbm>> -> memref<8x16xi32, #tpu.memory_space<hbm>>
      %dma_start3A_292 = arith.constant 0 : i32
      %dma_start3A_293 = arith.constant 0 : i32
      %dma_start3A_294 = tpu.memref_slice %arg4[%add3A, %dma_start3A_292, %dma_start3A_293] : memref<32x8x16xi32, #tpu.memory_space<hbm>> -> memref<1x8x16xi32, #tpu.memory_space<hbm>>
      %dma_start3A_295 = tpu.memref_squeeze %dma_start3A_294 : memref<1x8x16xi32, #tpu.memory_space<hbm>> -> memref<8x16xi32, #tpu.memory_space<hbm>>
      tpu.enqueue_dma source(%dma_start3A_295 : memref<8x16xi32, #tpu.memory_space<hbm>>) target(%arg7 : memref<8x16xi32, #tpu.memory_space<vmem>>) target_semaphore(%run_scoped3A : memref<!tpu.dma_semaphore, #tpu.memory_space<semaphore_mem>>)
      %dma_wait3A_296 = arith.constant 0 : i32
      %dma_wait3A_297 = arith.constant 0 : i32
      %dma_wait3A_298 = tpu.memref_slice %arg4[%add3A, %dma_wait3A_296, %dma_wait3A_297] : memref<32x8x16xi32, #tpu.memory_space<hbm>> -> memref<1x8x16xi32, #tpu.memory_space<hbm>>
      %dma_wait3A_299 = tpu.memref_squeeze %dma_wait3A_298 : memref<1x8x16xi32, #tpu.memory_space<hbm>> -> memref<8x16xi32, #tpu.memory_space<hbm>>
      %dma_wait3A_300 = arith.constant 0 : i32
      %dma_wait3A_301 = arith.constant 0 : i32
      %dma_wait3A_302 = tpu.memref_slice %arg4[%add3A, %dma_wait3A_300, %dma_wait3A_301] : memref<32x8x16xi32, #tpu.memory_space<hbm>> -> memref<1x8x16xi32, #tpu.memory_space<hbm>>
      %dma_wait3A_303 = tpu.memref_squeeze %dma_wait3A_302 : memref<1x8x16xi32, #tpu.memory_space<hbm>> -> memref<8x16xi32, #tpu.memory_space<hbm>>
      tpu.wait_dma2 semaphore(%run_scoped3A : memref<!tpu.dma_semaphore, #tpu.memory_space<semaphore_mem>>) src(%dma_wait3A_303 : memref<8x16xi32, #tpu.memory_space<hbm>>) dst(%arg7 : memref<8x16xi32, #tpu.memory_space<vmem>>)
      tpu.yield
    }) : () -> ()
    %mul3A_1 = arith.constant 128 : i32
    %mul3A_2 = arith.muli %add3A, %mul3A_1 : i32
    %dma_start3A = arith.constant 0 : i32
    %dma_start3A_3 = arith.constant 0 : i32
    %dma_start3A_4 = tpu.memref_slice %arg6[%dma_start3A, %dma_start3A_3] : memref<8x16xi32, #tpu.memory_space<vmem>> -> memref<1x16xi32, #tpu.memory_space<vmem>>
    %dma_start3A_5 = tpu.memref_squeeze %dma_start3A_4 : memref<1x16xi32, #tpu.memory_space<vmem>> -> memref<16xi32, #tpu.memory_space<vmem>>
    %dma_start3A_6 = arith.constant 0 : i32
    %dma_start3A_7 = arith.constant 0 : i32
    %dma_start3A_8 = tpu.memref_slice %arg2[%dma_start3A_6, %dma_start3A_7] : memref<16384x1024xf32, #tpu.memory_space<hbm>> -> memref<16384x1024xf32, #tpu.memory_space<hbm>>
    tpu.enqueue_indirect_dma source(%dma_start3A_8 : memref<16384x1024xf32, #tpu.memory_space<hbm>>) target(%arg8 : memref<16x1024xf32, #tpu.memory_space<vmem>>) offsets(%dma_start3A_5 : memref<16xi32, #tpu.memory_space<vmem>>) semaphore(%arg12 : memref<!tpu.dma_semaphore, #tpu.memory_space<semaphore_mem>>)
    %dma_start3A_9 = arith.constant 0 : i32
    %dma_start3A_10 = arith.constant 0 : i32
    %dma_start3A_11 = tpu.memref_slice %arg7[%dma_start3A_9, %dma_start3A_10] : memref<8x16xi32, #tpu.memory_space<vmem>> -> memref<1x16xi32, #tpu.memory_space<vmem>>
    %dma_start3A_12 = tpu.memref_squeeze %dma_start3A_11 : memref<1x16xi32, #tpu.memory_space<vmem>> -> memref<16xi32, #tpu.memory_space<vmem>>
    %dma_start3A_13 = arith.constant 0 : i32
    %dma_start3A_14 = arith.constant 0 : i32
    %dma_start3A_15 = tpu.memref_slice %arg2[%dma_start3A_13, %dma_start3A_14] : memref<16384x1024xf32, #tpu.memory_space<hbm>> -> memref<16384x1024xf32, #tpu.memory_space<hbm>>
    tpu.enqueue_indirect_dma source(%dma_start3A_15 : memref<16384x1024xf32, #tpu.memory_space<hbm>>) target(%arg9 : memref<16x1024xf32, #tpu.memory_space<vmem>>) offsets(%dma_start3A_12 : memref<16xi32, #tpu.memory_space<vmem>>) semaphore(%arg12 : memref<!tpu.dma_semaphore, #tpu.memory_space<semaphore_mem>>)
    %dma_wait3A = arith.constant 0 : i32
    %dma_wait3A_16 = arith.constant 0 : i32
    %dma_wait3A_17 = tpu.memref_slice %arg6[%dma_wait3A, %dma_wait3A_16] : memref<8x16xi32, #tpu.memory_space<vmem>> -> memref<1x16xi32, #tpu.memory_space<vmem>>
    %dma_wait3A_18 = tpu.memref_squeeze %dma_wait3A_17 : memref<1x16xi32, #tpu.memory_space<vmem>> -> memref<16xi32, #tpu.memory_space<vmem>>
    %dma_wait3A_19 = arith.constant 0 : i32
    %dma_wait3A_20 = arith.constant 0 : i32
    %dma_wait3A_21 = tpu.memref_slice %arg2[%dma_wait3A_19, %dma_wait3A_20] : memref<16384x1024xf32, #tpu.memory_space<hbm>> -> memref<16384x1024xf32, #tpu.memory_space<hbm>>
    tpu.wait_indirect_dma semaphore(%arg12 : memref<!tpu.dma_semaphore, #tpu.memory_space<semaphore_mem>>) src(%dma_wait3A_21 : memref<16384x1024xf32, #tpu.memory_space<hbm>>) dst(%arg8 : memref<16x1024xf32, #tpu.memory_space<vmem>>)
    %dma_wait3A_22 = arith.constant 0 : i32
    %dma_wait3A_23 = arith.constant 0 : i32
    %dma_wait3A_24 = tpu.memref_slice %arg7[%dma_wait3A_22, %dma_wait3A_23] : memref<8x16xi32, #tpu.memory_space<vmem>> -> memref<1x16xi32, #tpu.memory_space<vmem>>
    %dma_wait3A_25 = tpu.memref_squeeze %dma_wait3A_24 : memref<1x16xi32, #tpu.memory_space<vmem>> -> memref<16xi32, #tpu.memory_space<vmem>>
    %dma_wait3A_26 = arith.constant 0 : i32
    %dma_wait3A_27 = arith.constant 0 : i32
    %dma_wait3A_28 = tpu.memref_slice %arg2[%dma_wait3A_26, %dma_wait3A_27] : memref<16384x1024xf32, #tpu.memory_space<hbm>> -> memref<16384x1024xf32, #tpu.memory_space<hbm>>
    tpu.wait_indirect_dma semaphore(%arg12 : memref<!tpu.dma_semaphore, #tpu.memory_space<semaphore_mem>>) src(%dma_wait3A_28 : memref<16384x1024xf32, #tpu.memory_space<hbm>>) dst(%arg9 : memref<16x1024xf32, #tpu.memory_space<vmem>>)
    %dma_start3A_29 = arith.constant 1 : i32
    %dma_start3A_30 = arith.constant 0 : i32
    %dma_start3A_31 = tpu.memref_slice %arg6[%dma_start3A_29, %dma_start3A_30] : memref<8x16xi32, #tpu.memory_space<vmem>> -> memref<1x16xi32, #tpu.memory_space<vmem>>
    %dma_start3A_32 = tpu.memref_squeeze %dma_start3A_31 : memref<1x16xi32, #tpu.memory_space<vmem>> -> memref<16xi32, #tpu.memory_space<vmem>>
    %dma_start3A_33 = arith.constant 0 : i32
    %dma_start3A_34 = arith.constant 0 : i32
    %dma_start3A_35 = tpu.memref_slice %arg2[%dma_start3A_33, %dma_start3A_34] : memref<16384x1024xf32, #tpu.memory_space<hbm>> -> memref<16384x1024xf32, #tpu.memory_space<hbm>>
    tpu.enqueue_indirect_dma source(%dma_start3A_35 : memref<16384x1024xf32, #tpu.memory_space<hbm>>) target(%arg10 : memref<16x1024xf32, #tpu.memory_space<vmem>>) offsets(%dma_start3A_32 : memref<16xi32, #tpu.memory_space<vmem>>) semaphore(%arg13 : memref<!tpu.dma_semaphore, #tpu.memory_space<semaphore_mem>>)
    %dma_start3A_36 = arith.constant 1 : i32
    %dma_start3A_37 = arith.constant 0 : i32
    %dma_start3A_38 = tpu.memref_slice %arg7[%dma_start3A_36, %dma_start3A_37] : memref<8x16xi32, #tpu.memory_space<vmem>> -> memref<1x16xi32, #tpu.memory_space<vmem>>
    %dma_start3A_39 = tpu.memref_squeeze %dma_start3A_38 : memref<1x16xi32, #tpu.memory_space<vmem>> -> memref<16xi32, #tpu.memory_space<vmem>>
    %dma_start3A_40 = arith.constant 0 : i32
    %dma_start3A_41 = arith.constant 0 : i32
    %dma_start3A_42 = tpu.memref_slice %arg2[%dma_start3A_40, %dma_start3A_41] : memref<16384x1024xf32, #tpu.memory_space<hbm>> -> memref<16384x1024xf32, #tpu.memory_space<hbm>>
    tpu.enqueue_indirect_dma source(%dma_start3A_42 : memref<16384x1024xf32, #tpu.memory_space<hbm>>) target(%arg11 : memref<16x1024xf32, #tpu.memory_space<vmem>>) offsets(%dma_start3A_39 : memref<16xi32, #tpu.memory_space<vmem>>) semaphore(%arg13 : memref<!tpu.dma_semaphore, #tpu.memory_space<semaphore_mem>>)
    %scan3A = arith.constant 0 : i32
    %scan3A_43 = arith.constant 0 : i32
    %scan3A_44 = arith.constant 16 : i32
    %scan3A_45 = arith.addi %scan3A_43, %scan3A_44 : i32
    %scan3A_46 = arith.constant 1 : i32
    scf.for %scan3A_288 = %scan3A_43 to %scan3A_45 step %scan3A_46  : i32 {
      %scan3A_289 = arith.constant 0 : i32
      %scan3A_290 = arith.constant 64 : i32
      %scan3A_291 = arith.addi %scan3A_289, %scan3A_290 : i32
      %scan3A_292 = arith.constant 1 : i32
      scf.for %scan3A_294 = %scan3A_289 to %scan3A_291 step %scan3A_292  : i32 {
        %mul3A_295 = arith.constant 16 : i32
        %mul3A_296 = arith.muli %scan3A_294, %mul3A_295 : i32
        %get3A = arith.index_cast %scan3A_288 : i32 to index
        %get3A_297 = arith.index_cast %mul3A_296 : i32 to index
        %get3A_298 = tpu.vector_load %arg8[%get3A, %get3A_297] {strides = array<i32>} : memref<16x1024xf32, #tpu.memory_space<vmem>>, vector<1x16xf32>,
        %get3A_299 = vector.shape_cast %get3A_298 : vector<1x16xf32> to vector<16xf32>
        %get3A_300 = arith.index_cast %scan3A_288 : i32 to index
        %get3A_301 = arith.index_cast %mul3A_296 : i32 to index
        %get3A_302 = tpu.vector_load %arg9[%get3A_300, %get3A_301] {strides = array<i32>} : memref<16x1024xf32, #tpu.memory_space<vmem>>, vector<1x16xf32>,
        %get3A_303 = vector.shape_cast %get3A_302 : vector<1x16xf32> to vector<16xf32>
        %add3A_304 = arith.addf %get3A_299, %get3A_303 : vector<16xf32>
        %swap3A = arith.index_cast %scan3A_288 : i32 to index
        %swap3A_305 = arith.index_cast %mul3A_296 : i32 to index
        %swap3A_306 = tpu.vector_load %arg8[%swap3A, %swap3A_305] {strides = array<i32>} : memref<16x1024xf32, #tpu.memory_space<vmem>>, vector<1x16xf32>,
        %swap3A_307 = vector.shape_cast %swap3A_306 : vector<1x16xf32> to vector<16xf32>
        %swap3A_308 = vector.shape_cast %add3A_304 : vector<16xf32> to vector<1x16xf32>
        tpu.vector_store %arg8[%swap3A, %swap3A_305], %swap3A_308 {strides = array<i32>} : memref<16x1024xf32, #tpu.memory_space<vmem>>, vector<1x16xf32>,
      }
      %scan3A_293 = arith.constant 64 : i32
    }
    %scan3A_47 = arith.constant 16 : i32
    %add3A_48 = arith.constant 0 : i32
    %add3A_49 = arith.addi %mul3A_2, %add3A_48 : i32
    "tpu.region"() ({
      %run_scoped3A = tpu.sem_alloc : memref<!tpu.dma_semaphore, #tpu.memory_space<semaphore_mem>>
      %dma_start3A_288 = arith.constant 0 : i32
      %dma_start3A_289 = tpu.memref_slice %arg5[%add3A_49, %dma_start3A_288] : memref<4096x1024xf32, #tpu.memory_space<hbm>> -> memref<16x1024xf32, #tpu.memory_space<hbm>>
      %dma_start3A_290 = arith.constant 0 : i32
      %dma_start3A_291 = tpu.memref_slice %arg5[%add3A_49, %dma_start3A_290] : memref<4096x1024xf32, #tpu.memory_space<hbm>> -> memref<16x1024xf32, #tpu.memory_space<hbm>>
      tpu.enqueue_dma source(%arg8 : memref<16x1024xf32, #tpu.memory_space<vmem>>) target(%dma_start3A_291 : memref<16x1024xf32, #tpu.memory_space<hbm>>) target_semaphore(%run_scoped3A : memref<!tpu.dma_semaphore, #tpu.memory_space<semaphore_mem>>)
      %dma_wait3A_292 = arith.constant 0 : i32
      %dma_wait3A_293 = tpu.memref_slice %arg5[%add3A_49, %dma_wait3A_292] : memref<4096x1024xf32, #tpu.memory_space<hbm>> -> memref<16x1024xf32, #tpu.memory_space<hbm>>
      %dma_wait3A_294 = arith.constant 0 : i32
      %dma_wait3A_295 = tpu.memref_slice %arg5[%add3A_49, %dma_wait3A_294] : memref<4096x1024xf32, #tpu.memory_space<hbm>> -> memref<16x1024xf32, #tpu.memory_space<hbm>>
      tpu.wait_dma2 semaphore(%run_scoped3A : memref<!tpu.dma_semaphore, #tpu.memory_space<semaphore_mem>>) src(%arg8 : memref<16x1024xf32, #tpu.memory_space<vmem>>) dst(%dma_wait3A_295 : memref<16x1024xf32, #tpu.memory_space<hbm>>)
      tpu.yield
    }) : () -> ()
    %dma_wait3A_50 = arith.constant 1 : i32
    %dma_wait3A_51 = arith.constant 0 : i32
    %dma_wait3A_52 = tpu.memref_slice %arg6[%dma_wait3A_50, %dma_wait3A_51] : memref<8x16xi32, #tpu.memory_space<vmem>> -> memref<1x16xi32, #tpu.memory_space<vmem>>
    %dma_wait3A_53 = tpu.memref_squeeze %dma_wait3A_52 : memref<1x16xi32, #tpu.memory_space<vmem>> -> memref<16xi32, #tpu.memory_space<vmem>>
    %dma_wait3A_54 = arith.constant 0 : i32
    %dma_wait3A_55 = arith.constant 0 : i32
    %dma_wait3A_56 = tpu.memref_slice %arg2[%dma_wait3A_54, %dma_wait3A_55] : memref<16384x1024xf32, #tpu.memory_space<hbm>> -> memref<16384x1024xf32, #tpu.memory_space<hbm>>
    tpu.wait_indirect_dma semaphore(%arg13 : memref<!tpu.dma_semaphore, #tpu.memory_space<semaphore_mem>>) src(%dma_wait3A_56 : memref<16384x1024xf32, #tpu.memory_space<hbm>>) dst(%arg10 : memref<16x1024xf32, #tpu.memory_space<vmem>>)
    %dma_wait3A_57 = arith.constant 1 : i32
    %dma_wait3A_58 = arith.constant 0 : i32
    %dma_wait3A_59 = tpu.memref_slice %arg7[%dma_wait3A_57, %dma_wait3A_58] : memref<8x16xi32, #tpu.memory_space<vmem>> -> memref<1x16xi32, #tpu.memory_space<vmem>>
    %dma_wait3A_60 = tpu.memref_squeeze %dma_wait3A_59 : memref<1x16xi32, #tpu.memory_space<vmem>> -> memref<16xi32, #tpu.memory_space<vmem>>
    %dma_wait3A_61 = arith.constant 0 : i32
    %dma_wait3A_62 = arith.constant 0 : i32
    %dma_wait3A_63 = tpu.memref_slice %arg2[%dma_wait3A_61, %dma_wait3A_62] : memref<16384x1024xf32, #tpu.memory_space<hbm>> -> memref<16384x1024xf32, #tpu.memory_space<hbm>>
    tpu.wait_indirect_dma semaphore(%arg13 : memref<!tpu.dma_semaphore, #tpu.memory_space<semaphore_mem>>) src(%dma_wait3A_63 : memref<16384x1024xf32, #tpu.memory_space<hbm>>) dst(%arg11 : memref<16x1024xf32, #tpu.memory_space<vmem>>)
    %dma_start3A_64 = arith.constant 2 : i32
    %dma_start3A_65 = arith.constant 0 : i32
    %dma_start3A_66 = tpu.memref_slice %arg6[%dma_start3A_64, %dma_start3A_65] : memref<8x16xi32, #tpu.memory_space<vmem>> -> memref<1x16xi32, #tpu.memory_space<vmem>>
    %dma_start3A_67 = tpu.memref_squeeze %dma_start3A_66 : memref<1x16xi32, #tpu.memory_space<vmem>> -> memref<16xi32, #tpu.memory_space<vmem>>
    %dma_start3A_68 = arith.constant 0 : i32
    %dma_start3A_69 = arith.constant 0 : i32
    %dma_start3A_70 = tpu.memref_slice %arg2[%dma_start3A_68, %dma_start3A_69] : memref<16384x1024xf32, #tpu.memory_space<hbm>> -> memref<16384x1024xf32, #tpu.memory_space<hbm>>
    tpu.enqueue_indirect_dma source(%dma_start3A_70 : memref<16384x1024xf32, #tpu.memory_space<hbm>>) target(%arg8 : memref<16x1024xf32, #tpu.memory_space<vmem>>) offsets(%dma_start3A_67 : memref<16xi32, #tpu.memory_space<vmem>>) semaphore(%arg12 : memref<!tpu.dma_semaphore, #tpu.memory_space<semaphore_mem>>)
    %dma_start3A_71 = arith.constant 2 : i32
    %dma_start3A_72 = arith.constant 0 : i32
    %dma_start3A_73 = tpu.memref_slice %arg7[%dma_start3A_71, %dma_start3A_72] : memref<8x16xi32, #tpu.memory_space<vmem>> -> memref<1x16xi32, #tpu.memory_space<vmem>>
    %dma_start3A_74 = tpu.memref_squeeze %dma_start3A_73 : memref<1x16xi32, #tpu.memory_space<vmem>> -> memref<16xi32, #tpu.memory_space<vmem>>
    %dma_start3A_75 = arith.constant 0 : i32
    %dma_start3A_76 = arith.constant 0 : i32
    %dma_start3A_77 = tpu.memref_slice %arg2[%dma_start3A_75, %dma_start3A_76] : memref<16384x1024xf32, #tpu.memory_space<hbm>> -> memref<16384x1024xf32, #tpu.memory_space<hbm>>
    tpu.enqueue_indirect_dma source(%dma_start3A_77 : memref<16384x1024xf32, #tpu.memory_space<hbm>>) target(%arg9 : memref<16x1024xf32, #tpu.memory_space<vmem>>) offsets(%dma_start3A_74 : memref<16xi32, #tpu.memory_space<vmem>>) semaphore(%arg12 : memref<!tpu.dma_semaphore, #tpu.memory_space<semaphore_mem>>)
    %scan3A_78 = arith.constant 0 : i32
    %scan3A_79 = arith.constant 0 : i32
    %scan3A_80 = arith.constant 16 : i32
    %scan3A_81 = arith.addi %scan3A_79, %scan3A_80 : i32
    %scan3A_82 = arith.constant 1 : i32
    scf.for %scan3A_288 = %scan3A_79 to %scan3A_81 step %scan3A_82  : i32 {
      %scan3A_289 = arith.constant 0 : i32
      %scan3A_290 = arith.constant 64 : i32
      %scan3A_291 = arith.addi %scan3A_289, %scan3A_290 : i32
      %scan3A_292 = arith.constant 1 : i32
      scf.for %scan3A_294 = %scan3A_289 to %scan3A_291 step %scan3A_292  : i32 {
        %mul3A_295 = arith.constant 16 : i32
        %mul3A_296 = arith.muli %scan3A_294, %mul3A_295 : i32
        %get3A = arith.index_cast %scan3A_288 : i32 to index
        %get3A_297 = arith.index_cast %mul3A_296 : i32 to index
        %get3A_298 = tpu.vector_load %arg10[%get3A, %get3A_297] {strides = array<i32>} : memref<16x1024xf32, #tpu.memory_space<vmem>>, vector<1x16xf32>,
        %get3A_299 = vector.shape_cast %get3A_298 : vector<1x16xf32> to vector<16xf32>
        %get3A_300 = arith.index_cast %scan3A_288 : i32 to index
        %get3A_301 = arith.index_cast %mul3A_296 : i32 to index
        %get3A_302 = tpu.vector_load %arg11[%get3A_300, %get3A_301] {strides = array<i32>} : memref<16x1024xf32, #tpu.memory_space<vmem>>, vector<1x16xf32>,
        %get3A_303 = vector.shape_cast %get3A_302 : vector<1x16xf32> to vector<16xf32>
        %add3A_304 = arith.addf %get3A_299, %get3A_303 : vector<16xf32>
        %swap3A = arith.index_cast %scan3A_288 : i32 to index
        %swap3A_305 = arith.index_cast %mul3A_296 : i32 to index
        %swap3A_306 = tpu.vector_load %arg10[%swap3A, %swap3A_305] {strides = array<i32>} : memref<16x1024xf32, #tpu.memory_space<vmem>>, vector<1x16xf32>,
        %swap3A_307 = vector.shape_cast %swap3A_306 : vector<1x16xf32> to vector<16xf32>
        %swap3A_308 = vector.shape_cast %add3A_304 : vector<16xf32> to vector<1x16xf32>
        tpu.vector_store %arg10[%swap3A, %swap3A_305], %swap3A_308 {strides = array<i32>} : memref<16x1024xf32, #tpu.memory_space<vmem>>, vector<1x16xf32>,
      }
      %scan3A_293 = arith.constant 64 : i32
    }
    %scan3A_83 = arith.constant 16 : i32
    %add3A_84 = arith.constant 16 : i32
    %add3A_85 = arith.addi %mul3A_2, %add3A_84 : i32
    "tpu.region"() ({
      %run_scoped3A = tpu.sem_alloc : memref<!tpu.dma_semaphore, #tpu.memory_space<semaphore_mem>>
      %dma_start3A_288 = arith.constant 0 : i32
      %dma_start3A_289 = tpu.memref_slice %arg5[%add3A_85, %dma_start3A_288] : memref<4096x1024xf32, #tpu.memory_space<hbm>> -> memref<16x1024xf32, #tpu.memory_space<hbm>>
      %dma_start3A_290 = arith.constant 0 : i32
      %dma_start3A_291 = tpu.memref_slice %arg5[%add3A_85, %dma_start3A_290] : memref<4096x1024xf32, #tpu.memory_space<hbm>> -> memref<16x1024xf32, #tpu.memory_space<hbm>>
      tpu.enqueue_dma source(%arg10 : memref<16x1024xf32, #tpu.memory_space<vmem>>) target(%dma_start3A_291 : memref<16x1024xf32, #tpu.memory_space<hbm>>) target_semaphore(%run_scoped3A : memref<!tpu.dma_semaphore, #tpu.memory_space<semaphore_mem>>)
      %dma_wait3A_292 = arith.constant 0 : i32
      %dma_wait3A_293 = tpu.memref_slice %arg5[%add3A_85, %dma_wait3A_292] : memref<4096x1024xf32, #tpu.memory_space<hbm>> -> memref<16x1024xf32, #tpu.memory_space<hbm>>
      %dma_wait3A_294 = arith.constant 0 : i32
      %dma_wait3A_295 = tpu.memref_slice %arg5[%add3A_85, %dma_wait3A_294] : memref<4096x1024xf32, #tpu.memory_space<hbm>> -> memref<16x1024xf32, #tpu.memory_space<hbm>>
      tpu.wait_dma2 semaphore(%run_scoped3A : memref<!tpu.dma_semaphore, #tpu.memory_space<semaphore_mem>>) src(%arg10 : memref<16x1024xf32, #tpu.memory_space<vmem>>) dst(%dma_wait3A_295 : memref<16x1024xf32, #tpu.memory_space<hbm>>)
      tpu.yield
    }) : () -> ()
    %dma_wait3A_86 = arith.constant 2 : i32
    %dma_wait3A_87 = arith.constant 0 : i32
    %dma_wait3A_88 = tpu.memref_slice %arg6[%dma_wait3A_86, %dma_wait3A_87] : memref<8x16xi32, #tpu.memory_space<vmem>> -> memref<1x16xi32, #tpu.memory_space<vmem>>
    %dma_wait3A_89 = tpu.memref_squeeze %dma_wait3A_88 : memref<1x16xi32, #tpu.memory_space<vmem>> -> memref<16xi32, #tpu.memory_space<vmem>>
    %dma_wait3A_90 = arith.constant 0 : i32
    %dma_wait3A_91 = arith.constant 0 : i32
    %dma_wait3A_92 = tpu.memref_slice %arg2[%dma_wait3A_90, %dma_wait3A_91] : memref<16384x1024xf32, #tpu.memory_space<hbm>> -> memref<16384x1024xf32, #tpu.memory_space<hbm>>
    tpu.wait_indirect_dma semaphore(%arg12 : memref<!tpu.dma_semaphore, #tpu.memory_space<semaphore_mem>>) src(%dma_wait3A_92 : memref<16384x1024xf32, #tpu.memory_space<hbm>>) dst(%arg8 : memref<16x1024xf32, #tpu.memory_space<vmem>>)
    %dma_wait3A_93 = arith.constant 2 : i32
    %dma_wait3A_94 = arith.constant 0 : i32
    %dma_wait3A_95 = tpu.memref_slice %arg7[%dma_wait3A_93, %dma_wait3A_94] : memref<8x16xi32, #tpu.memory_space<vmem>> -> memref<1x16xi32, #tpu.memory_space<vmem>>
    %dma_wait3A_96 = tpu.memref_squeeze %dma_wait3A_95 : memref<1x16xi32, #tpu.memory_space<vmem>> -> memref<16xi32, #tpu.memory_space<vmem>>
    %dma_wait3A_97 = arith.constant 0 : i32
    %dma_wait3A_98 = arith.constant 0 : i32
    %dma_wait3A_99 = tpu.memref_slice %arg2[%dma_wait3A_97, %dma_wait3A_98] : memref<16384x1024xf32, #tpu.memory_space<hbm>> -> memref<16384x1024xf32, #tpu.memory_space<hbm>>
    tpu.wait_indirect_dma semaphore(%arg12 : memref<!tpu.dma_semaphore, #tpu.memory_space<semaphore_mem>>) src(%dma_wait3A_99 : memref<16384x1024xf32, #tpu.memory_space<hbm>>) dst(%arg9 : memref<16x1024xf32, #tpu.memory_space<vmem>>)
    %dma_start3A_100 = arith.constant 3 : i32
    %dma_start3A_101 = arith.constant 0 : i32
    %dma_start3A_102 = tpu.memref_slice %arg6[%dma_start3A_100, %dma_start3A_101] : memref<8x16xi32, #tpu.memory_space<vmem>> -> memref<1x16xi32, #tpu.memory_space<vmem>>
    %dma_start3A_103 = tpu.memref_squeeze %dma_start3A_102 : memref<1x16xi32, #tpu.memory_space<vmem>> -> memref<16xi32, #tpu.memory_space<vmem>>
    %dma_start3A_104 = arith.constant 0 : i32
    %dma_start3A_105 = arith.constant 0 : i32
    %dma_start3A_106 = tpu.memref_slice %arg2[%dma_start3A_104, %dma_start3A_105] : memref<16384x1024xf32, #tpu.memory_space<hbm>> -> memref<16384x1024xf32, #tpu.memory_space<hbm>>
    tpu.enqueue_indirect_dma source(%dma_start3A_106 : memref<16384x1024xf32, #tpu.memory_space<hbm>>) target(%arg10 : memref<16x1024xf32, #tpu.memory_space<vmem>>) offsets(%dma_start3A_103 : memref<16xi32, #tpu.memory_space<vmem>>) semaphore(%arg13 : memref<!tpu.dma_semaphore, #tpu.memory_space<semaphore_mem>>)
    %dma_start3A_107 = arith.constant 3 : i32
    %dma_start3A_108 = arith.constant 0 : i32
    %dma_start3A_109 = tpu.memref_slice %arg7[%dma_start3A_107, %dma_start3A_108] : memref<8x16xi32, #tpu.memory_space<vmem>> -> memref<1x16xi32, #tpu.memory_space<vmem>>
    %dma_start3A_110 = tpu.memref_squeeze %dma_start3A_109 : memref<1x16xi32, #tpu.memory_space<vmem>> -> memref<16xi32, #tpu.memory_space<vmem>>
    %dma_start3A_111 = arith.constant 0 : i32
    %dma_start3A_112 = arith.constant 0 : i32
    %dma_start3A_113 = tpu.memref_slice %arg2[%dma_start3A_111, %dma_start3A_112] : memref<16384x1024xf32, #tpu.memory_space<hbm>> -> memref<16384x1024xf32, #tpu.memory_space<hbm>>
    tpu.enqueue_indirect_dma source(%dma_start3A_113 : memref<16384x1024xf32, #tpu.memory_space<hbm>>) target(%arg11 : memref<16x1024xf32, #tpu.memory_space<vmem>>) offsets(%dma_start3A_110 : memref<16xi32, #tpu.memory_space<vmem>>) semaphore(%arg13 : memref<!tpu.dma_semaphore, #tpu.memory_space<semaphore_mem>>)
    %scan3A_114 = arith.constant 0 : i32
    %scan3A_115 = arith.constant 0 : i32
    %scan3A_116 = arith.constant 16 : i32
    %scan3A_117 = arith.addi %scan3A_115, %scan3A_116 : i32
    %scan3A_118 = arith.constant 1 : i32
    scf.for %scan3A_288 = %scan3A_115 to %scan3A_117 step %scan3A_118  : i32 {
      %scan3A_289 = arith.constant 0 : i32
      %scan3A_290 = arith.constant 64 : i32
      %scan3A_291 = arith.addi %scan3A_289, %scan3A_290 : i32
      %scan3A_292 = arith.constant 1 : i32
      scf.for %scan3A_294 = %scan3A_289 to %scan3A_291 step %scan3A_292  : i32 {
        %mul3A_295 = arith.constant 16 : i32
        %mul3A_296 = arith.muli %scan3A_294, %mul3A_295 : i32
        %get3A = arith.index_cast %scan3A_288 : i32 to index
        %get3A_297 = arith.index_cast %mul3A_296 : i32 to index
        %get3A_298 = tpu.vector_load %arg8[%get3A, %get3A_297] {strides = array<i32>} : memref<16x1024xf32, #tpu.memory_space<vmem>>, vector<1x16xf32>,
        %get3A_299 = vector.shape_cast %get3A_298 : vector<1x16xf32> to vector<16xf32>
        %get3A_300 = arith.index_cast %scan3A_288 : i32 to index
        %get3A_301 = arith.index_cast %mul3A_296 : i32 to index
        %get3A_302 = tpu.vector_load %arg9[%get3A_300, %get3A_301] {strides = array<i32>} : memref<16x1024xf32, #tpu.memory_space<vmem>>, vector<1x16xf32>,
        %get3A_303 = vector.shape_cast %get3A_302 : vector<1x16xf32> to vector<16xf32>
        %add3A_304 = arith.addf %get3A_299, %get3A_303 : vector<16xf32>
        %swap3A = arith.index_cast %scan3A_288 : i32 to index
        %swap3A_305 = arith.index_cast %mul3A_296 : i32 to index
        %swap3A_306 = tpu.vector_load %arg8[%swap3A, %swap3A_305] {strides = array<i32>} : memref<16x1024xf32, #tpu.memory_space<vmem>>, vector<1x16xf32>,
        %swap3A_307 = vector.shape_cast %swap3A_306 : vector<1x16xf32> to vector<16xf32>
        %swap3A_308 = vector.shape_cast %add3A_304 : vector<16xf32> to vector<1x16xf32>
        tpu.vector_store %arg8[%swap3A, %swap3A_305], %swap3A_308 {strides = array<i32>} : memref<16x1024xf32, #tpu.memory_space<vmem>>, vector<1x16xf32>,
      }
      %scan3A_293 = arith.constant 64 : i32
    }
    %scan3A_119 = arith.constant 16 : i32
    %add3A_120 = arith.constant 32 : i32
    %add3A_121 = arith.addi %mul3A_2, %add3A_120 : i32
    "tpu.region"() ({
      %run_scoped3A = tpu.sem_alloc : memref<!tpu.dma_semaphore, #tpu.memory_space<semaphore_mem>>
      %dma_start3A_288 = arith.constant 0 : i32
      %dma_start3A_289 = tpu.memref_slice %arg5[%add3A_121, %dma_start3A_288] : memref<4096x1024xf32, #tpu.memory_space<hbm>> -> memref<16x1024xf32, #tpu.memory_space<hbm>>
      %dma_start3A_290 = arith.constant 0 : i32
      %dma_start3A_291 = tpu.memref_slice %arg5[%add3A_121, %dma_start3A_290] : memref<4096x1024xf32, #tpu.memory_space<hbm>> -> memref<16x1024xf32, #tpu.memory_space<hbm>>
      tpu.enqueue_dma source(%arg8 : memref<16x1024xf32, #tpu.memory_space<vmem>>) target(%dma_start3A_291 : memref<16x1024xf32, #tpu.memory_space<hbm>>) target_semaphore(%run_scoped3A : memref<!tpu.dma_semaphore, #tpu.memory_space<semaphore_mem>>)
      %dma_wait3A_292 = arith.constant 0 : i32
      %dma_wait3A_293 = tpu.memref_slice %arg5[%add3A_121, %dma_wait3A_292] : memref<4096x1024xf32, #tpu.memory_space<hbm>> -> memref<16x1024xf32, #tpu.memory_space<hbm>>
      %dma_wait3A_294 = arith.constant 0 : i32
      %dma_wait3A_295 = tpu.memref_slice %arg5[%add3A_121, %dma_wait3A_294] : memref<4096x1024xf32, #tpu.memory_space<hbm>> -> memref<16x1024xf32, #tpu.memory_space<hbm>>
      tpu.wait_dma2 semaphore(%run_scoped3A : memref<!tpu.dma_semaphore, #tpu.memory_space<semaphore_mem>>) src(%arg8 : memref<16x1024xf32, #tpu.memory_space<vmem>>) dst(%dma_wait3A_295 : memref<16x1024xf32, #tpu.memory_space<hbm>>)
      tpu.yield
    }) : () -> ()
    %dma_wait3A_122 = arith.constant 3 : i32
    %dma_wait3A_123 = arith.constant 0 : i32
    %dma_wait3A_124 = tpu.memref_slice %arg6[%dma_wait3A_122, %dma_wait3A_123] : memref<8x16xi32, #tpu.memory_space<vmem>> -> memref<1x16xi32, #tpu.memory_space<vmem>>
    %dma_wait3A_125 = tpu.memref_squeeze %dma_wait3A_124 : memref<1x16xi32, #tpu.memory_space<vmem>> -> memref<16xi32, #tpu.memory_space<vmem>>
    %dma_wait3A_126 = arith.constant 0 : i32
    %dma_wait3A_127 = arith.constant 0 : i32
    %dma_wait3A_128 = tpu.memref_slice %arg2[%dma_wait3A_126, %dma_wait3A_127] : memref<16384x1024xf32, #tpu.memory_space<hbm>> -> memref<16384x1024xf32, #tpu.memory_space<hbm>>
    tpu.wait_indirect_dma semaphore(%arg13 : memref<!tpu.dma_semaphore, #tpu.memory_space<semaphore_mem>>) src(%dma_wait3A_128 : memref<16384x1024xf32, #tpu.memory_space<hbm>>) dst(%arg10 : memref<16x1024xf32, #tpu.memory_space<vmem>>)
    %dma_wait3A_129 = arith.constant 3 : i32
    %dma_wait3A_130 = arith.constant 0 : i32
    %dma_wait3A_131 = tpu.memref_slice %arg7[%dma_wait3A_129, %dma_wait3A_130] : memref<8x16xi32, #tpu.memory_space<vmem>> -> memref<1x16xi32, #tpu.memory_space<vmem>>
    %dma_wait3A_132 = tpu.memref_squeeze %dma_wait3A_131 : memref<1x16xi32, #tpu.memory_space<vmem>> -> memref<16xi32, #tpu.memory_space<vmem>>
    %dma_wait3A_133 = arith.constant 0 : i32
    %dma_wait3A_134 = arith.constant 0 : i32
    %dma_wait3A_135 = tpu.memref_slice %arg2[%dma_wait3A_133, %dma_wait3A_134] : memref<16384x1024xf32, #tpu.memory_space<hbm>> -> memref<16384x1024xf32, #tpu.memory_space<hbm>>
    tpu.wait_indirect_dma semaphore(%arg13 : memref<!tpu.dma_semaphore, #tpu.memory_space<semaphore_mem>>) src(%dma_wait3A_135 : memref<16384x1024xf32, #tpu.memory_space<hbm>>) dst(%arg11 : memref<16x1024xf32, #tpu.memory_space<vmem>>)
    %dma_start3A_136 = arith.constant 4 : i32
    %dma_start3A_137 = arith.constant 0 : i32
    %dma_start3A_138 = tpu.memref_slice %arg6[%dma_start3A_136, %dma_start3A_137] : memref<8x16xi32, #tpu.memory_space<vmem>> -> memref<1x16xi32, #tpu.memory_space<vmem>>
    %dma_start3A_139 = tpu.memref_squeeze %dma_start3A_138 : memref<1x16xi32, #tpu.memory_space<vmem>> -> memref<16xi32, #tpu.memory_space<vmem>>
    %dma_start3A_140 = arith.constant 0 : i32
    %dma_start3A_141 = arith.constant 0 : i32
    %dma_start3A_142 = tpu.memref_slice %arg2[%dma_start3A_140, %dma_start3A_141] : memref<16384x1024xf32, #tpu.memory_space<hbm>> -> memref<16384x1024xf32, #tpu.memory_space<hbm>>
    tpu.enqueue_indirect_dma source(%dma_start3A_142 : memref<16384x1024xf32, #tpu.memory_space<hbm>>) target(%arg8 : memref<16x1024xf32, #tpu.memory_space<vmem>>) offsets(%dma_start3A_139 : memref<16xi32, #tpu.memory_space<vmem>>) semaphore(%arg12 : memref<!tpu.dma_semaphore, #tpu.memory_space<semaphore_mem>>)
    %dma_start3A_143 = arith.constant 4 : i32
    %dma_start3A_144 = arith.constant 0 : i32
    %dma_start3A_145 = tpu.memref_slice %arg7[%dma_start3A_143, %dma_start3A_144] : memref<8x16xi32, #tpu.memory_space<vmem>> -> memref<1x16xi32, #tpu.memory_space<vmem>>
    %dma_start3A_146 = tpu.memref_squeeze %dma_start3A_145 : memref<1x16xi32, #tpu.memory_space<vmem>> -> memref<16xi32, #tpu.memory_space<vmem>>
    %dma_start3A_147 = arith.constant 0 : i32
    %dma_start3A_148 = arith.constant 0 : i32
    %dma_start3A_149 = tpu.memref_slice %arg2[%dma_start3A_147, %dma_start3A_148] : memref<16384x1024xf32, #tpu.memory_space<hbm>> -> memref<16384x1024xf32, #tpu.memory_space<hbm>>
    tpu.enqueue_indirect_dma source(%dma_start3A_149 : memref<16384x1024xf32, #tpu.memory_space<hbm>>) target(%arg9 : memref<16x1024xf32, #tpu.memory_space<vmem>>) offsets(%dma_start3A_146 : memref<16xi32, #tpu.memory_space<vmem>>) semaphore(%arg12 : memref<!tpu.dma_semaphore, #tpu.memory_space<semaphore_mem>>)
    %scan3A_150 = arith.constant 0 : i32
    %scan3A_151 = arith.constant 0 : i32
    %scan3A_152 = arith.constant 16 : i32
    %scan3A_153 = arith.addi %scan3A_151, %scan3A_152 : i32
    %scan3A_154 = arith.constant 1 : i32
    scf.for %scan3A_288 = %scan3A_151 to %scan3A_153 step %scan3A_154  : i32 {
      %scan3A_289 = arith.constant 0 : i32
      %scan3A_290 = arith.constant 64 : i32
      %scan3A_291 = arith.addi %scan3A_289, %scan3A_290 : i32
      %scan3A_292 = arith.constant 1 : i32
      scf.for %scan3A_294 = %scan3A_289 to %scan3A_291 step %scan3A_292  : i32 {
        %mul3A_295 = arith.constant 16 : i32
        %mul3A_296 = arith.muli %scan3A_294, %mul3A_295 : i32
        %get3A = arith.index_cast %scan3A_288 : i32 to index
        %get3A_297 = arith.index_cast %mul3A_296 : i32 to index
        %get3A_298 = tpu.vector_load %arg10[%get3A, %get3A_297] {strides = array<i32>} : memref<16x1024xf32, #tpu.memory_space<vmem>>, vector<1x16xf32>,
        %get3A_299 = vector.shape_cast %get3A_298 : vector<1x16xf32> to vector<16xf32>
        %get3A_300 = arith.index_cast %scan3A_288 : i32 to index
        %get3A_301 = arith.index_cast %mul3A_296 : i32 to index
        %get3A_302 = tpu.vector_load %arg11[%get3A_300, %get3A_301] {strides = array<i32>} : memref<16x1024xf32, #tpu.memory_space<vmem>>, vector<1x16xf32>,
        %get3A_303 = vector.shape_cast %get3A_302 : vector<1x16xf32> to vector<16xf32>
        %add3A_304 = arith.addf %get3A_299, %get3A_303 : vector<16xf32>
        %swap3A = arith.index_cast %scan3A_288 : i32 to index
        %swap3A_305 = arith.index_cast %mul3A_296 : i32 to index
        %swap3A_306 = tpu.vector_load %arg10[%swap3A, %swap3A_305] {strides = array<i32>} : memref<16x1024xf32, #tpu.memory_space<vmem>>, vector<1x16xf32>,
        %swap3A_307 = vector.shape_cast %swap3A_306 : vector<1x16xf32> to vector<16xf32>
        %swap3A_308 = vector.shape_cast %add3A_304 : vector<16xf32> to vector<1x16xf32>
        tpu.vector_store %arg10[%swap3A, %swap3A_305], %swap3A_308 {strides = array<i32>} : memref<16x1024xf32, #tpu.memory_space<vmem>>, vector<1x16xf32>,
      }
      %scan3A_293 = arith.constant 64 : i32
    }
    %scan3A_155 = arith.constant 16 : i32
    %add3A_156 = arith.constant 48 : i32
    %add3A_157 = arith.addi %mul3A_2, %add3A_156 : i32
    "tpu.region"() ({
      %run_scoped3A = tpu.sem_alloc : memref<!tpu.dma_semaphore, #tpu.memory_space<semaphore_mem>>
      %dma_start3A_288 = arith.constant 0 : i32
      %dma_start3A_289 = tpu.memref_slice %arg5[%add3A_157, %dma_start3A_288] : memref<4096x1024xf32, #tpu.memory_space<hbm>> -> memref<16x1024xf32, #tpu.memory_space<hbm>>
      %dma_start3A_290 = arith.constant 0 : i32
      %dma_start3A_291 = tpu.memref_slice %arg5[%add3A_157, %dma_start3A_290] : memref<4096x1024xf32, #tpu.memory_space<hbm>> -> memref<16x1024xf32, #tpu.memory_space<hbm>>
      tpu.enqueue_dma source(%arg10 : memref<16x1024xf32, #tpu.memory_space<vmem>>) target(%dma_start3A_291 : memref<16x1024xf32, #tpu.memory_space<hbm>>) target_semaphore(%run_scoped3A : memref<!tpu.dma_semaphore, #tpu.memory_space<semaphore_mem>>)
      %dma_wait3A_292 = arith.constant 0 : i32
      %dma_wait3A_293 = tpu.memref_slice %arg5[%add3A_157, %dma_wait3A_292] : memref<4096x1024xf32, #tpu.memory_space<hbm>> -> memref<16x1024xf32, #tpu.memory_space<hbm>>
      %dma_wait3A_294 = arith.constant 0 : i32
      %dma_wait3A_295 = tpu.memref_slice %arg5[%add3A_157, %dma_wait3A_294] : memref<4096x1024xf32, #tpu.memory_space<hbm>> -> memref<16x1024xf32, #tpu.memory_space<hbm>>
      tpu.wait_dma2 semaphore(%run_scoped3A : memref<!tpu.dma_semaphore, #tpu.memory_space<semaphore_mem>>) src(%arg10 : memref<16x1024xf32, #tpu.memory_space<vmem>>) dst(%dma_wait3A_295 : memref<16x1024xf32, #tpu.memory_space<hbm>>)
      tpu.yield
    }) : () -> ()
    %dma_wait3A_158 = arith.constant 4 : i32
    %dma_wait3A_159 = arith.constant 0 : i32
    %dma_wait3A_160 = tpu.memref_slice %arg6[%dma_wait3A_158, %dma_wait3A_159] : memref<8x16xi32, #tpu.memory_space<vmem>> -> memref<1x16xi32, #tpu.memory_space<vmem>>
    %dma_wait3A_161 = tpu.memref_squeeze %dma_wait3A_160 : memref<1x16xi32, #tpu.memory_space<vmem>> -> memref<16xi32, #tpu.memory_space<vmem>>
    %dma_wait3A_162 = arith.constant 0 : i32
    %dma_wait3A_163 = arith.constant 0 : i32
    %dma_wait3A_164 = tpu.memref_slice %arg2[%dma_wait3A_162, %dma_wait3A_163] : memref<16384x1024xf32, #tpu.memory_space<hbm>> -> memref<16384x1024xf32, #tpu.memory_space<hbm>>
    tpu.wait_indirect_dma semaphore(%arg12 : memref<!tpu.dma_semaphore, #tpu.memory_space<semaphore_mem>>) src(%dma_wait3A_164 : memref<16384x1024xf32, #tpu.memory_space<hbm>>) dst(%arg8 : memref<16x1024xf32, #tpu.memory_space<vmem>>)
    %dma_wait3A_165 = arith.constant 4 : i32
    %dma_wait3A_166 = arith.constant 0 : i32
    %dma_wait3A_167 = tpu.memref_slice %arg7[%dma_wait3A_165, %dma_wait3A_166] : memref<8x16xi32, #tpu.memory_space<vmem>> -> memref<1x16xi32, #tpu.memory_space<vmem>>
    %dma_wait3A_168 = tpu.memref_squeeze %dma_wait3A_167 : memref<1x16xi32, #tpu.memory_space<vmem>> -> memref<16xi32, #tpu.memory_space<vmem>>
    %dma_wait3A_169 = arith.constant 0 : i32
    %dma_wait3A_170 = arith.constant 0 : i32
    %dma_wait3A_171 = tpu.memref_slice %arg2[%dma_wait3A_169, %dma_wait3A_170] : memref<16384x1024xf32, #tpu.memory_space<hbm>> -> memref<16384x1024xf32, #tpu.memory_space<hbm>>
    tpu.wait_indirect_dma semaphore(%arg12 : memref<!tpu.dma_semaphore, #tpu.memory_space<semaphore_mem>>) src(%dma_wait3A_171 : memref<16384x1024xf32, #tpu.memory_space<hbm>>) dst(%arg9 : memref<16x1024xf32, #tpu.memory_space<vmem>>)
    %dma_start3A_172 = arith.constant 5 : i32
    %dma_start3A_173 = arith.constant 0 : i32
    %dma_start3A_174 = tpu.memref_slice %arg6[%dma_start3A_172, %dma_start3A_173] : memref<8x16xi32, #tpu.memory_space<vmem>> -> memref<1x16xi32, #tpu.memory_space<vmem>>
    %dma_start3A_175 = tpu.memref_squeeze %dma_start3A_174 : memref<1x16xi32, #tpu.memory_space<vmem>> -> memref<16xi32, #tpu.memory_space<vmem>>
    %dma_start3A_176 = arith.constant 0 : i32
    %dma_start3A_177 = arith.constant 0 : i32
    %dma_start3A_178 = tpu.memref_slice %arg2[%dma_start3A_176, %dma_start3A_177] : memref<16384x1024xf32, #tpu.memory_space<hbm>> -> memref<16384x1024xf32, #tpu.memory_space<hbm>>
    tpu.enqueue_indirect_dma source(%dma_start3A_178 : memref<16384x1024xf32, #tpu.memory_space<hbm>>) target(%arg10 : memref<16x1024xf32, #tpu.memory_space<vmem>>) offsets(%dma_start3A_175 : memref<16xi32, #tpu.memory_space<vmem>>) semaphore(%arg13 : memref<!tpu.dma_semaphore, #tpu.memory_space<semaphore_mem>>)
    %dma_start3A_179 = arith.constant 5 : i32
    %dma_start3A_180 = arith.constant 0 : i32
    %dma_start3A_181 = tpu.memref_slice %arg7[%dma_start3A_179, %dma_start3A_180] : memref<8x16xi32, #tpu.memory_space<vmem>> -> memref<1x16xi32, #tpu.memory_space<vmem>>
    %dma_start3A_182 = tpu.memref_squeeze %dma_start3A_181 : memref<1x16xi32, #tpu.memory_space<vmem>> -> memref<16xi32, #tpu.memory_space<vmem>>
    %dma_start3A_183 = arith.constant 0 : i32
    %dma_start3A_184 = arith.constant 0 : i32
    %dma_start3A_185 = tpu.memref_slice %arg2[%dma_start3A_183, %dma_start3A_184] : memref<16384x1024xf32, #tpu.memory_space<hbm>> -> memref<16384x1024xf32, #tpu.memory_space<hbm>>
    tpu.enqueue_indirect_dma source(%dma_start3A_185 : memref<16384x1024xf32, #tpu.memory_space<hbm>>) target(%arg11 : memref<16x1024xf32, #tpu.memory_space<vmem>>) offsets(%dma_start3A_182 : memref<16xi32, #tpu.memory_space<vmem>>) semaphore(%arg13 : memref<!tpu.dma_semaphore, #tpu.memory_space<semaphore_mem>>)
    %scan3A_186 = arith.constant 0 : i32
    %scan3A_187 = arith.constant 0 : i32
    %scan3A_188 = arith.constant 16 : i32
    %scan3A_189 = arith.addi %scan3A_187, %scan3A_188 : i32
    %scan3A_190 = arith.constant 1 : i32
    scf.for %scan3A_288 = %scan3A_187 to %scan3A_189 step %scan3A_190  : i32 {
      %scan3A_289 = arith.constant 0 : i32
      %scan3A_290 = arith.constant 64 : i32
      %scan3A_291 = arith.addi %scan3A_289, %scan3A_290 : i32
      %scan3A_292 = arith.constant 1 : i32
      scf.for %scan3A_294 = %scan3A_289 to %scan3A_291 step %scan3A_292  : i32 {
        %mul3A_295 = arith.constant 16 : i32
        %mul3A_296 = arith.muli %scan3A_294, %mul3A_295 : i32
        %get3A = arith.index_cast %scan3A_288 : i32 to index
        %get3A_297 = arith.index_cast %mul3A_296 : i32 to index
        %get3A_298 = tpu.vector_load %arg8[%get3A, %get3A_297] {strides = array<i32>} : memref<16x1024xf32, #tpu.memory_space<vmem>>, vector<1x16xf32>,
        %get3A_299 = vector.shape_cast %get3A_298 : vector<1x16xf32> to vector<16xf32>
        %get3A_300 = arith.index_cast %scan3A_288 : i32 to index
        %get3A_301 = arith.index_cast %mul3A_296 : i32 to index
        %get3A_302 = tpu.vector_load %arg9[%get3A_300, %get3A_301] {strides = array<i32>} : memref<16x1024xf32, #tpu.memory_space<vmem>>, vector<1x16xf32>,
        %get3A_303 = vector.shape_cast %get3A_302 : vector<1x16xf32> to vector<16xf32>
        %add3A_304 = arith.addf %get3A_299, %get3A_303 : vector<16xf32>
        %swap3A = arith.index_cast %scan3A_288 : i32 to index
        %swap3A_305 = arith.index_cast %mul3A_296 : i32 to index
        %swap3A_306 = tpu.vector_load %arg8[%swap3A, %swap3A_305] {strides = array<i32>} : memref<16x1024xf32, #tpu.memory_space<vmem>>, vector<1x16xf32>,
        %swap3A_307 = vector.shape_cast %swap3A_306 : vector<1x16xf32> to vector<16xf32>
        %swap3A_308 = vector.shape_cast %add3A_304 : vector<16xf32> to vector<1x16xf32>
        tpu.vector_store %arg8[%swap3A, %swap3A_305], %swap3A_308 {strides = array<i32>} : memref<16x1024xf32, #tpu.memory_space<vmem>>, vector<1x16xf32>,
      }
      %scan3A_293 = arith.constant 64 : i32
    }
    %scan3A_191 = arith.constant 16 : i32
    %add3A_192 = arith.constant 64 : i32
    %add3A_193 = arith.addi %mul3A_2, %add3A_192 : i32
    "tpu.region"() ({
      %run_scoped3A = tpu.sem_alloc : memref<!tpu.dma_semaphore, #tpu.memory_space<semaphore_mem>>
      %dma_start3A_288 = arith.constant 0 : i32
      %dma_start3A_289 = tpu.memref_slice %arg5[%add3A_193, %dma_start3A_288] : memref<4096x1024xf32, #tpu.memory_space<hbm>> -> memref<16x1024xf32, #tpu.memory_space<hbm>>
      %dma_start3A_290 = arith.constant 0 : i32
      %dma_start3A_291 = tpu.memref_slice %arg5[%add3A_193, %dma_start3A_290] : memref<4096x1024xf32, #tpu.memory_space<hbm>> -> memref<16x1024xf32, #tpu.memory_space<hbm>>
      tpu.enqueue_dma source(%arg8 : memref<16x1024xf32, #tpu.memory_space<vmem>>) target(%dma_start3A_291 : memref<16x1024xf32, #tpu.memory_space<hbm>>) target_semaphore(%run_scoped3A : memref<!tpu.dma_semaphore, #tpu.memory_space<semaphore_mem>>)
      %dma_wait3A_292 = arith.constant 0 : i32
      %dma_wait3A_293 = tpu.memref_slice %arg5[%add3A_193, %dma_wait3A_292] : memref<4096x1024xf32, #tpu.memory_space<hbm>> -> memref<16x1024xf32, #tpu.memory_space<hbm>>
      %dma_wait3A_294 = arith.constant 0 : i32
      %dma_wait3A_295 = tpu.memref_slice %arg5[%add3A_193, %dma_wait3A_294] : memref<4096x1024xf32, #tpu.memory_space<hbm>> -> memref<16x1024xf32, #tpu.memory_space<hbm>>
      tpu.wait_dma2 semaphore(%run_scoped3A : memref<!tpu.dma_semaphore, #tpu.memory_space<semaphore_mem>>) src(%arg8 : memref<16x1024xf32, #tpu.memory_space<vmem>>) dst(%dma_wait3A_295 : memref<16x1024xf32, #tpu.memory_space<hbm>>)
      tpu.yield
    }) : () -> ()
    %dma_wait3A_194 = arith.constant 5 : i32
    %dma_wait3A_195 = arith.constant 0 : i32
    %dma_wait3A_196 = tpu.memref_slice %arg6[%dma_wait3A_194, %dma_wait3A_195] : memref<8x16xi32, #tpu.memory_space<vmem>> -> memref<1x16xi32, #tpu.memory_space<vmem>>
    %dma_wait3A_197 = tpu.memref_squeeze %dma_wait3A_196 : memref<1x16xi32, #tpu.memory_space<vmem>> -> memref<16xi32, #tpu.memory_space<vmem>>
    %dma_wait3A_198 = arith.constant 0 : i32
    %dma_wait3A_199 = arith.constant 0 : i32
    %dma_wait3A_200 = tpu.memref_slice %arg2[%dma_wait3A_198, %dma_wait3A_199] : memref<16384x1024xf32, #tpu.memory_space<hbm>> -> memref<16384x1024xf32, #tpu.memory_space<hbm>>
    tpu.wait_indirect_dma semaphore(%arg13 : memref<!tpu.dma_semaphore, #tpu.memory_space<semaphore_mem>>) src(%dma_wait3A_200 : memref<16384x1024xf32, #tpu.memory_space<hbm>>) dst(%arg10 : memref<16x1024xf32, #tpu.memory_space<vmem>>)
    %dma_wait3A_201 = arith.constant 5 : i32
    %dma_wait3A_202 = arith.constant 0 : i32
    %dma_wait3A_203 = tpu.memref_slice %arg7[%dma_wait3A_201, %dma_wait3A_202] : memref<8x16xi32, #tpu.memory_space<vmem>> -> memref<1x16xi32, #tpu.memory_space<vmem>>
    %dma_wait3A_204 = tpu.memref_squeeze %dma_wait3A_203 : memref<1x16xi32, #tpu.memory_space<vmem>> -> memref<16xi32, #tpu.memory_space<vmem>>
    %dma_wait3A_205 = arith.constant 0 : i32
    %dma_wait3A_206 = arith.constant 0 : i32
    %dma_wait3A_207 = tpu.memref_slice %arg2[%dma_wait3A_205, %dma_wait3A_206] : memref<16384x1024xf32, #tpu.memory_space<hbm>> -> memref<16384x1024xf32, #tpu.memory_space<hbm>>
    tpu.wait_indirect_dma semaphore(%arg13 : memref<!tpu.dma_semaphore, #tpu.memory_space<semaphore_mem>>) src(%dma_wait3A_207 : memref<16384x1024xf32, #tpu.memory_space<hbm>>) dst(%arg11 : memref<16x1024xf32, #tpu.memory_space<vmem>>)
    %dma_start3A_208 = arith.constant 6 : i32
    %dma_start3A_209 = arith.constant 0 : i32
    %dma_start3A_210 = tpu.memref_slice %arg6[%dma_start3A_208, %dma_start3A_209] : memref<8x16xi32, #tpu.memory_space<vmem>> -> memref<1x16xi32, #tpu.memory_space<vmem>>
    %dma_start3A_211 = tpu.memref_squeeze %dma_start3A_210 : memref<1x16xi32, #tpu.memory_space<vmem>> -> memref<16xi32, #tpu.memory_space<vmem>>
    %dma_start3A_212 = arith.constant 0 : i32
    %dma_start3A_213 = arith.constant 0 : i32
    %dma_start3A_214 = tpu.memref_slice %arg2[%dma_start3A_212, %dma_start3A_213] : memref<16384x1024xf32, #tpu.memory_space<hbm>> -> memref<16384x1024xf32, #tpu.memory_space<hbm>>
    tpu.enqueue_indirect_dma source(%dma_start3A_214 : memref<16384x1024xf32, #tpu.memory_space<hbm>>) target(%arg8 : memref<16x1024xf32, #tpu.memory_space<vmem>>) offsets(%dma_start3A_211 : memref<16xi32, #tpu.memory_space<vmem>>) semaphore(%arg12 : memref<!tpu.dma_semaphore, #tpu.memory_space<semaphore_mem>>)
    %dma_start3A_215 = arith.constant 6 : i32
    %dma_start3A_216 = arith.constant 0 : i32
    %dma_start3A_217 = tpu.memref_slice %arg7[%dma_start3A_215, %dma_start3A_216] : memref<8x16xi32, #tpu.memory_space<vmem>> -> memref<1x16xi32, #tpu.memory_space<vmem>>
    %dma_start3A_218 = tpu.memref_squeeze %dma_start3A_217 : memref<1x16xi32, #tpu.memory_space<vmem>> -> memref<16xi32, #tpu.memory_space<vmem>>
    %dma_start3A_219 = arith.constant 0 : i32
    %dma_start3A_220 = arith.constant 0 : i32
    %dma_start3A_221 = tpu.memref_slice %arg2[%dma_start3A_219, %dma_start3A_220] : memref<16384x1024xf32, #tpu.memory_space<hbm>> -> memref<16384x1024xf32, #tpu.memory_space<hbm>>
    tpu.enqueue_indirect_dma source(%dma_start3A_221 : memref<16384x1024xf32, #tpu.memory_space<hbm>>) target(%arg9 : memref<16x1024xf32, #tpu.memory_space<vmem>>) offsets(%dma_start3A_218 : memref<16xi32, #tpu.memory_space<vmem>>) semaphore(%arg12 : memref<!tpu.dma_semaphore, #tpu.memory_space<semaphore_mem>>)
    %scan3A_222 = arith.constant 0 : i32
    %scan3A_223 = arith.constant 0 : i32
    %scan3A_224 = arith.constant 16 : i32
    %scan3A_225 = arith.addi %scan3A_223, %scan3A_224 : i32
    %scan3A_226 = arith.constant 1 : i32
    scf.for %scan3A_288 = %scan3A_223 to %scan3A_225 step %scan3A_226  : i32 {
      %scan3A_289 = arith.constant 0 : i32
      %scan3A_290 = arith.constant 64 : i32
      %scan3A_291 = arith.addi %scan3A_289, %scan3A_290 : i32
      %scan3A_292 = arith.constant 1 : i32
      scf.for %scan3A_294 = %scan3A_289 to %scan3A_291 step %scan3A_292  : i32 {
        %mul3A_295 = arith.constant 16 : i32
        %mul3A_296 = arith.muli %scan3A_294, %mul3A_295 : i32
        %get3A = arith.index_cast %scan3A_288 : i32 to index
        %get3A_297 = arith.index_cast %mul3A_296 : i32 to index
        %get3A_298 = tpu.vector_load %arg10[%get3A, %get3A_297] {strides = array<i32>} : memref<16x1024xf32, #tpu.memory_space<vmem>>, vector<1x16xf32>,
        %get3A_299 = vector.shape_cast %get3A_298 : vector<1x16xf32> to vector<16xf32>
        %get3A_300 = arith.index_cast %scan3A_288 : i32 to index
        %get3A_301 = arith.index_cast %mul3A_296 : i32 to index
        %get3A_302 = tpu.vector_load %arg11[%get3A_300, %get3A_301] {strides = array<i32>} : memref<16x1024xf32, #tpu.memory_space<vmem>>, vector<1x16xf32>,
        %get3A_303 = vector.shape_cast %get3A_302 : vector<1x16xf32> to vector<16xf32>
        %add3A_304 = arith.addf %get3A_299, %get3A_303 : vector<16xf32>
        %swap3A = arith.index_cast %scan3A_288 : i32 to index
        %swap3A_305 = arith.index_cast %mul3A_296 : i32 to index
        %swap3A_306 = tpu.vector_load %arg10[%swap3A, %swap3A_305] {strides = array<i32>} : memref<16x1024xf32, #tpu.memory_space<vmem>>, vector<1x16xf32>,
        %swap3A_307 = vector.shape_cast %swap3A_306 : vector<1x16xf32> to vector<16xf32>
        %swap3A_308 = vector.shape_cast %add3A_304 : vector<16xf32> to vector<1x16xf32>
        tpu.vector_store %arg10[%swap3A, %swap3A_305], %swap3A_308 {strides = array<i32>} : memref<16x1024xf32, #tpu.memory_space<vmem>>, vector<1x16xf32>,
      }
      %scan3A_293 = arith.constant 64 : i32
    }
    %scan3A_227 = arith.constant 16 : i32
    %add3A_228 = arith.constant 80 : i32
    %add3A_229 = arith.addi %mul3A_2, %add3A_228 : i32
    "tpu.region"() ({
      %run_scoped3A = tpu.sem_alloc : memref<!tpu.dma_semaphore, #tpu.memory_space<semaphore_mem>>
      %dma_start3A_288 = arith.constant 0 : i32
      %dma_start3A_289 = tpu.memref_slice %arg5[%add3A_229, %dma_start3A_288] : memref<4096x1024xf32, #tpu.memory_space<hbm>> -> memref<16x1024xf32, #tpu.memory_space<hbm>>
      %dma_start3A_290 = arith.constant 0 : i32
      %dma_start3A_291 = tpu.memref_slice %arg5[%add3A_229, %dma_start3A_290] : memref<4096x1024xf32, #tpu.memory_space<hbm>> -> memref<16x1024xf32, #tpu.memory_space<hbm>>
      tpu.enqueue_dma source(%arg10 : memref<16x1024xf32, #tpu.memory_space<vmem>>) target(%dma_start3A_291 : memref<16x1024xf32, #tpu.memory_space<hbm>>) target_semaphore(%run_scoped3A : memref<!tpu.dma_semaphore, #tpu.memory_space<semaphore_mem>>)
      %dma_wait3A_292 = arith.constant 0 : i32
      %dma_wait3A_293 = tpu.memref_slice %arg5[%add3A_229, %dma_wait3A_292] : memref<4096x1024xf32, #tpu.memory_space<hbm>> -> memref<16x1024xf32, #tpu.memory_space<hbm>>
      %dma_wait3A_294 = arith.constant 0 : i32
      %dma_wait3A_295 = tpu.memref_slice %arg5[%add3A_229, %dma_wait3A_294] : memref<4096x1024xf32, #tpu.memory_space<hbm>> -> memref<16x1024xf32, #tpu.memory_space<hbm>>
      tpu.wait_dma2 semaphore(%run_scoped3A : memref<!tpu.dma_semaphore, #tpu.memory_space<semaphore_mem>>) src(%arg10 : memref<16x1024xf32, #tpu.memory_space<vmem>>) dst(%dma_wait3A_295 : memref<16x1024xf32, #tpu.memory_space<hbm>>)
      tpu.yield
    }) : () -> ()
    %dma_wait3A_230 = arith.constant 6 : i32
    %dma_wait3A_231 = arith.constant 0 : i32
    %dma_wait3A_232 = tpu.memref_slice %arg6[%dma_wait3A_230, %dma_wait3A_231] : memref<8x16xi32, #tpu.memory_space<vmem>> -> memref<1x16xi32, #tpu.memory_space<vmem>>
    %dma_wait3A_233 = tpu.memref_squeeze %dma_wait3A_232 : memref<1x16xi32, #tpu.memory_space<vmem>> -> memref<16xi32, #tpu.memory_space<vmem>>
    %dma_wait3A_234 = arith.constant 0 : i32
    %dma_wait3A_235 = arith.constant 0 : i32
    %dma_wait3A_236 = tpu.memref_slice %arg2[%dma_wait3A_234, %dma_wait3A_235] : memref<16384x1024xf32, #tpu.memory_space<hbm>> -> memref<16384x1024xf32, #tpu.memory_space<hbm>>
    tpu.wait_indirect_dma semaphore(%arg12 : memref<!tpu.dma_semaphore, #tpu.memory_space<semaphore_mem>>) src(%dma_wait3A_236 : memref<16384x1024xf32, #tpu.memory_space<hbm>>) dst(%arg8 : memref<16x1024xf32, #tpu.memory_space<vmem>>)
    %dma_wait3A_237 = arith.constant 6 : i32
    %dma_wait3A_238 = arith.constant 0 : i32
    %dma_wait3A_239 = tpu.memref_slice %arg7[%dma_wait3A_237, %dma_wait3A_238] : memref<8x16xi32, #tpu.memory_space<vmem>> -> memref<1x16xi32, #tpu.memory_space<vmem>>
    %dma_wait3A_240 = tpu.memref_squeeze %dma_wait3A_239 : memref<1x16xi32, #tpu.memory_space<vmem>> -> memref<16xi32, #tpu.memory_space<vmem>>
    %dma_wait3A_241 = arith.constant 0 : i32
    %dma_wait3A_242 = arith.constant 0 : i32
    %dma_wait3A_243 = tpu.memref_slice %arg2[%dma_wait3A_241, %dma_wait3A_242] : memref<16384x1024xf32, #tpu.memory_space<hbm>> -> memref<16384x1024xf32, #tpu.memory_space<hbm>>
    tpu.wait_indirect_dma semaphore(%arg12 : memref<!tpu.dma_semaphore, #tpu.memory_space<semaphore_mem>>) src(%dma_wait3A_243 : memref<16384x1024xf32, #tpu.memory_space<hbm>>) dst(%arg9 : memref<16x1024xf32, #tpu.memory_space<vmem>>)
    %dma_start3A_244 = arith.constant 7 : i32
    %dma_start3A_245 = arith.constant 0 : i32
    %dma_start3A_246 = tpu.memref_slice %arg6[%dma_start3A_244, %dma_start3A_245] : memref<8x16xi32, #tpu.memory_space<vmem>> -> memref<1x16xi32, #tpu.memory_space<vmem>>
    %dma_start3A_247 = tpu.memref_squeeze %dma_start3A_246 : memref<1x16xi32, #tpu.memory_space<vmem>> -> memref<16xi32, #tpu.memory_space<vmem>>
    %dma_start3A_248 = arith.constant 0 : i32
    %dma_start3A_249 = arith.constant 0 : i32
    %dma_start3A_250 = tpu.memref_slice %arg2[%dma_start3A_248, %dma_start3A_249] : memref<16384x1024xf32, #tpu.memory_space<hbm>> -> memref<16384x1024xf32, #tpu.memory_space<hbm>>
    tpu.enqueue_indirect_dma source(%dma_start3A_250 : memref<16384x1024xf32, #tpu.memory_space<hbm>>) target(%arg10 : memref<16x1024xf32, #tpu.memory_space<vmem>>) offsets(%dma_start3A_247 : memref<16xi32, #tpu.memory_space<vmem>>) semaphore(%arg13 : memref<!tpu.dma_semaphore, #tpu.memory_space<semaphore_mem>>)
    %dma_start3A_251 = arith.constant 7 : i32
    %dma_start3A_252 = arith.constant 0 : i32
    %dma_start3A_253 = tpu.memref_slice %arg7[%dma_start3A_251, %dma_start3A_252] : memref<8x16xi32, #tpu.memory_space<vmem>> -> memref<1x16xi32, #tpu.memory_space<vmem>>
    %dma_start3A_254 = tpu.memref_squeeze %dma_start3A_253 : memref<1x16xi32, #tpu.memory_space<vmem>> -> memref<16xi32, #tpu.memory_space<vmem>>
    %dma_start3A_255 = arith.constant 0 : i32
    %dma_start3A_256 = arith.constant 0 : i32
    %dma_start3A_257 = tpu.memref_slice %arg2[%dma_start3A_255, %dma_start3A_256] : memref<16384x1024xf32, #tpu.memory_space<hbm>> -> memref<16384x1024xf32, #tpu.memory_space<hbm>>
    tpu.enqueue_indirect_dma source(%dma_start3A_257 : memref<16384x1024xf32, #tpu.memory_space<hbm>>) target(%arg11 : memref<16x1024xf32, #tpu.memory_space<vmem>>) offsets(%dma_start3A_254 : memref<16xi32, #tpu.memory_space<vmem>>) semaphore(%arg13 : memref<!tpu.dma_semaphore, #tpu.memory_space<semaphore_mem>>)
    %scan3A_258 = arith.constant 0 : i32
    %scan3A_259 = arith.constant 0 : i32
    %scan3A_260 = arith.constant 16 : i32
    %scan3A_261 = arith.addi %scan3A_259, %scan3A_260 : i32
    %scan3A_262 = arith.constant 1 : i32
    scf.for %scan3A_288 = %scan3A_259 to %scan3A_261 step %scan3A_262  : i32 {
      %scan3A_289 = arith.constant 0 : i32
      %scan3A_290 = arith.constant 64 : i32
      %scan3A_291 = arith.addi %scan3A_289, %scan3A_290 : i32
      %scan3A_292 = arith.constant 1 : i32
      scf.for %scan3A_294 = %scan3A_289 to %scan3A_291 step %scan3A_292  : i32 {
        %mul3A_295 = arith.constant 16 : i32
        %mul3A_296 = arith.muli %scan3A_294, %mul3A_295 : i32
        %get3A = arith.index_cast %scan3A_288 : i32 to index
        %get3A_297 = arith.index_cast %mul3A_296 : i32 to index
        %get3A_298 = tpu.vector_load %arg8[%get3A, %get3A_297] {strides = array<i32>} : memref<16x1024xf32, #tpu.memory_space<vmem>>, vector<1x16xf32>,
        %get3A_299 = vector.shape_cast %get3A_298 : vector<1x16xf32> to vector<16xf32>
        %get3A_300 = arith.index_cast %scan3A_288 : i32 to index
        %get3A_301 = arith.index_cast %mul3A_296 : i32 to index
        %get3A_302 = tpu.vector_load %arg9[%get3A_300, %get3A_301] {strides = array<i32>} : memref<16x1024xf32, #tpu.memory_space<vmem>>, vector<1x16xf32>,
        %get3A_303 = vector.shape_cast %get3A_302 : vector<1x16xf32> to vector<16xf32>
        %add3A_304 = arith.addf %get3A_299, %get3A_303 : vector<16xf32>
        %swap3A = arith.index_cast %scan3A_288 : i32 to index
        %swap3A_305 = arith.index_cast %mul3A_296 : i32 to index
        %swap3A_306 = tpu.vector_load %arg8[%swap3A, %swap3A_305] {strides = array<i32>} : memref<16x1024xf32, #tpu.memory_space<vmem>>, vector<1x16xf32>,
        %swap3A_307 = vector.shape_cast %swap3A_306 : vector<1x16xf32> to vector<16xf32>
        %swap3A_308 = vector.shape_cast %add3A_304 : vector<16xf32> to vector<1x16xf32>
        tpu.vector_store %arg8[%swap3A, %swap3A_305], %swap3A_308 {strides = array<i32>} : memref<16x1024xf32, #tpu.memory_space<vmem>>, vector<1x16xf32>,
      }
      %scan3A_293 = arith.constant 64 : i32
    }
    %scan3A_263 = arith.constant 16 : i32
    %add3A_264 = arith.constant 96 : i32
    %add3A_265 = arith.addi %mul3A_2, %add3A_264 : i32
    "tpu.region"() ({
      %run_scoped3A = tpu.sem_alloc : memref<!tpu.dma_semaphore, #tpu.memory_space<semaphore_mem>>
      %dma_start3A_288 = arith.constant 0 : i32
      %dma_start3A_289 = tpu.memref_slice %arg5[%add3A_265, %dma_start3A_288] : memref<4096x1024xf32, #tpu.memory_space<hbm>> -> memref<16x1024xf32, #tpu.memory_space<hbm>>
      %dma_start3A_290 = arith.constant 0 : i32
      %dma_start3A_291 = tpu.memref_slice %arg5[%add3A_265, %dma_start3A_290] : memref<4096x1024xf32, #tpu.memory_space<hbm>> -> memref<16x1024xf32, #tpu.memory_space<hbm>>
      tpu.enqueue_dma source(%arg8 : memref<16x1024xf32, #tpu.memory_space<vmem>>) target(%dma_start3A_291 : memref<16x1024xf32, #tpu.memory_space<hbm>>) target_semaphore(%run_scoped3A : memref<!tpu.dma_semaphore, #tpu.memory_space<semaphore_mem>>)
      %dma_wait3A_292 = arith.constant 0 : i32
      %dma_wait3A_293 = tpu.memref_slice %arg5[%add3A_265, %dma_wait3A_292] : memref<4096x1024xf32, #tpu.memory_space<hbm>> -> memref<16x1024xf32, #tpu.memory_space<hbm>>
      %dma_wait3A_294 = arith.constant 0 : i32
      %dma_wait3A_295 = tpu.memref_slice %arg5[%add3A_265, %dma_wait3A_294] : memref<4096x1024xf32, #tpu.memory_space<hbm>> -> memref<16x1024xf32, #tpu.memory_space<hbm>>
      tpu.wait_dma2 semaphore(%run_scoped3A : memref<!tpu.dma_semaphore, #tpu.memory_space<semaphore_mem>>) src(%arg8 : memref<16x1024xf32, #tpu.memory_space<vmem>>) dst(%dma_wait3A_295 : memref<16x1024xf32, #tpu.memory_space<hbm>>)
      tpu.yield
    }) : () -> ()
    %dma_wait3A_266 = arith.constant 7 : i32
    %dma_wait3A_267 = arith.constant 0 : i32
    %dma_wait3A_268 = tpu.memref_slice %arg6[%dma_wait3A_266, %dma_wait3A_267] : memref<8x16xi32, #tpu.memory_space<vmem>> -> memref<1x16xi32, #tpu.memory_space<vmem>>
    %dma_wait3A_269 = tpu.memref_squeeze %dma_wait3A_268 : memref<1x16xi32, #tpu.memory_space<vmem>> -> memref<16xi32, #tpu.memory_space<vmem>>
    %dma_wait3A_270 = arith.constant 0 : i32
    %dma_wait3A_271 = arith.constant 0 : i32
    %dma_wait3A_272 = tpu.memref_slice %arg2[%dma_wait3A_270, %dma_wait3A_271] : memref<16384x1024xf32, #tpu.memory_space<hbm>> -> memref<16384x1024xf32, #tpu.memory_space<hbm>>
    tpu.wait_indirect_dma semaphore(%arg13 : memref<!tpu.dma_semaphore, #tpu.memory_space<semaphore_mem>>) src(%dma_wait3A_272 : memref<16384x1024xf32, #tpu.memory_space<hbm>>) dst(%arg10 : memref<16x1024xf32, #tpu.memory_space<vmem>>)
    %dma_wait3A_273 = arith.constant 7 : i32
    %dma_wait3A_274 = arith.constant 0 : i32
    %dma_wait3A_275 = tpu.memref_slice %arg7[%dma_wait3A_273, %dma_wait3A_274] : memref<8x16xi32, #tpu.memory_space<vmem>> -> memref<1x16xi32, #tpu.memory_space<vmem>>
    %dma_wait3A_276 = tpu.memref_squeeze %dma_wait3A_275 : memref<1x16xi32, #tpu.memory_space<vmem>> -> memref<16xi32, #tpu.memory_space<vmem>>
    %dma_wait3A_277 = arith.constant 0 : i32
    %dma_wait3A_278 = arith.constant 0 : i32
    %dma_wait3A_279 = tpu.memref_slice %arg2[%dma_wait3A_277, %dma_wait3A_278] : memref<16384x1024xf32, #tpu.memory_space<hbm>> -> memref<16384x1024xf32, #tpu.memory_space<hbm>>
    tpu.wait_indirect_dma semaphore(%arg13 : memref<!tpu.dma_semaphore, #tpu.memory_space<semaphore_mem>>) src(%dma_wait3A_279 : memref<16384x1024xf32, #tpu.memory_space<hbm>>) dst(%arg11 : memref<16x1024xf32, #tpu.memory_space<vmem>>)
    %scan3A_280 = arith.constant 0 : i32
    %scan3A_281 = arith.constant 0 : i32
    %scan3A_282 = arith.constant 16 : i32
    %scan3A_283 = arith.addi %scan3A_281, %scan3A_282 : i32
    %scan3A_284 = arith.constant 1 : i32
    scf.for %scan3A_288 = %scan3A_281 to %scan3A_283 step %scan3A_284  : i32 {
      %scan3A_289 = arith.constant 0 : i32
      %scan3A_290 = arith.constant 64 : i32
      %scan3A_291 = arith.addi %scan3A_289, %scan3A_290 : i32
      %scan3A_292 = arith.constant 1 : i32
      scf.for %scan3A_294 = %scan3A_289 to %scan3A_291 step %scan3A_292  : i32 {
        %mul3A_295 = arith.constant 16 : i32
        %mul3A_296 = arith.muli %scan3A_294, %mul3A_295 : i32
        %get3A = arith.index_cast %scan3A_288 : i32 to index
        %get3A_297 = arith.index_cast %mul3A_296 : i32 to index
        %get3A_298 = tpu.vector_load %arg10[%get3A, %get3A_297] {strides = array<i32>} : memref<16x1024xf32, #tpu.memory_space<vmem>>, vector<1x16xf32>,
        %get3A_299 = vector.shape_cast %get3A_298 : vector<1x16xf32> to vector<16xf32>
        %get3A_300 = arith.index_cast %scan3A_288 : i32 to index
        %get3A_301 = arith.index_cast %mul3A_296 : i32 to index
        %get3A_302 = tpu.vector_load %arg11[%get3A_300, %get3A_301] {strides = array<i32>} : memref<16x1024xf32, #tpu.memory_space<vmem>>, vector<1x16xf32>,
        %get3A_303 = vector.shape_cast %get3A_302 : vector<1x16xf32> to vector<16xf32>
        %add3A_304 = arith.addf %get3A_299, %get3A_303 : vector<16xf32>
        %swap3A = arith.index_cast %scan3A_288 : i32 to index
        %swap3A_305 = arith.index_cast %mul3A_296 : i32 to index
        %swap3A_306 = tpu.vector_load %arg10[%swap3A, %swap3A_305] {strides = array<i32>} : memref<16x1024xf32, #tpu.memory_space<vmem>>, vector<1x16xf32>,
        %swap3A_307 = vector.shape_cast %swap3A_306 : vector<1x16xf32> to vector<16xf32>
        %swap3A_308 = vector.shape_cast %add3A_304 : vector<16xf32> to vector<1x16xf32>
        tpu.vector_store %arg10[%swap3A, %swap3A_305], %swap3A_308 {strides = array<i32>} : memref<16x1024xf32, #tpu.memory_space<vmem>>, vector<1x16xf32>,
      }
      %scan3A_293 = arith.constant 64 : i32
    }
    %scan3A_285 = arith.constant 16 : i32
    %add3A_286 = arith.constant 112 : i32
    %add3A_287 = arith.addi %mul3A_2, %add3A_286 : i32
    "tpu.region"() ({
      %run_scoped3A = tpu.sem_alloc : memref<!tpu.dma_semaphore, #tpu.memory_space<semaphore_mem>>
      %dma_start3A_288 = arith.constant 0 : i32
      %dma_start3A_289 = tpu.memref_slice %arg5[%add3A_287, %dma_start3A_288] : memref<4096x1024xf32, #tpu.memory_space<hbm>> -> memref<16x1024xf32, #tpu.memory_space<hbm>>
      %dma_start3A_290 = arith.constant 0 : i32
      %dma_start3A_291 = tpu.memref_slice %arg5[%add3A_287, %dma_start3A_290] : memref<4096x1024xf32, #tpu.memory_space<hbm>> -> memref<16x1024xf32, #tpu.memory_space<hbm>>
      tpu.enqueue_dma source(%arg10 : memref<16x1024xf32, #tpu.memory_space<vmem>>) target(%dma_start3A_291 : memref<16x1024xf32, #tpu.memory_space<hbm>>) target_semaphore(%run_scoped3A : memref<!tpu.dma_semaphore, #tpu.memory_space<semaphore_mem>>)
      %dma_wait3A_292 = arith.constant 0 : i32
      %dma_wait3A_293 = tpu.memref_slice %arg5[%add3A_287, %dma_wait3A_292] : memref<4096x1024xf32, #tpu.memory_space<hbm>> -> memref<16x1024xf32, #tpu.memory_space<hbm>>
      %dma_wait3A_294 = arith.constant 0 : i32
      %dma_wait3A_295 = tpu.memref_slice %arg5[%add3A_287, %dma_wait3A_294] : memref<4096x1024xf32, #tpu.memory_space<hbm>> -> memref<16x1024xf32, #tpu.memory_space<hbm>>
      tpu.wait_dma2 semaphore(%run_scoped3A : memref<!tpu.dma_semaphore, #tpu.memory_space<semaphore_mem>>) src(%arg10 : memref<16x1024xf32, #tpu.memory_space<vmem>>) dst(%dma_wait3A_295 : memref<16x1024xf32, #tpu.memory_space<hbm>>)
      tpu.yield
    }) : () -> ()
    return
  }
}

#map = affine_map<(d0, d1) -> (0, 0)>
#map1 = affine_map<(d0, d1) -> (0, 0, 0)>
module attributes {stable_mosaic.version = 14 : i64} {
  func.func @_dispatch_body(%arg0: i32, %arg1: i32, %arg2: memref<4096x1024xf32, #tpu.memory_space<hbm>>, %arg3: memref<32x4x32xi32, #tpu.memory_space<hbm>>, %arg4: memref<32x4x32xi32, #tpu.memory_space<hbm>>, %arg5: memref<16384x1024xf32, #tpu.memory_space<hbm>>, %arg6: memref<4x32xi32, #tpu.memory_space<vmem>>, %arg7: memref<4x32xi32, #tpu.memory_space<vmem>>, %arg8: memref<32x1024xf32, #tpu.memory_space<vmem>>, %arg9: memref<32x1024xf32, #tpu.memory_space<vmem>>, %arg10: memref<!tpu.dma_semaphore, #tpu.memory_space<semaphore_mem>>, %arg11: memref<!tpu.dma_semaphore, #tpu.memory_space<semaphore_mem>>) attributes {dimension_semantics = [#tpu.dimension_semantics<core_parallel>, #tpu.dimension_semantics<subcore_parallel>], iteration_bounds = array<i64: 2, 16>, scalar_prefetch = 0 : i64, scratch_operands = 6 : i64, tpu.core_type = #tpu.core_type<sc_vector_subcore>, window_params = [{transform_indices = #map}, {transform_indices = #map1}, {transform_indices = #map1}, {transform_indices = #map}]} {
    %mul3A = arith.constant 2 : i32
    %mul3A_0 = arith.muli %arg1, %mul3A : i32
    %add3A = arith.addi %mul3A_0, %arg0 : i32
    "tpu.region"() ({
      %run_scoped3A = tpu.sem_alloc : memref<!tpu.dma_semaphore, #tpu.memory_space<semaphore_mem>>
      %dma_start3A_121 = arith.constant 0 : i32
      %dma_start3A_122 = arith.constant 0 : i32
      %dma_start3A_123 = tpu.memref_slice %arg3[%add3A, %dma_start3A_121, %dma_start3A_122] : memref<32x4x32xi32, #tpu.memory_space<hbm>> -> memref<1x4x32xi32, #tpu.memory_space<hbm>>
      %dma_start3A_124 = tpu.memref_squeeze %dma_start3A_123 : memref<1x4x32xi32, #tpu.memory_space<hbm>> -> memref<4x32xi32, #tpu.memory_space<hbm>>
      %dma_start3A_125 = arith.constant 0 : i32
      %dma_start3A_126 = arith.constant 0 : i32
      %dma_start3A_127 = tpu.memref_slice %arg3[%add3A, %dma_start3A_125, %dma_start3A_126] : memref<32x4x32xi32, #tpu.memory_space<hbm>> -> memref<1x4x32xi32, #tpu.memory_space<hbm>>
      %dma_start3A_128 = tpu.memref_squeeze %dma_start3A_127 : memref<1x4x32xi32, #tpu.memory_space<hbm>> -> memref<4x32xi32, #tpu.memory_space<hbm>>
      tpu.enqueue_dma source(%dma_start3A_128 : memref<4x32xi32, #tpu.memory_space<hbm>>) target(%arg6 : memref<4x32xi32, #tpu.memory_space<vmem>>) target_semaphore(%run_scoped3A : memref<!tpu.dma_semaphore, #tpu.memory_space<semaphore_mem>>)
      %dma_wait3A_129 = arith.constant 0 : i32
      %dma_wait3A_130 = arith.constant 0 : i32
      %dma_wait3A_131 = tpu.memref_slice %arg3[%add3A, %dma_wait3A_129, %dma_wait3A_130] : memref<32x4x32xi32, #tpu.memory_space<hbm>> -> memref<1x4x32xi32, #tpu.memory_space<hbm>>
      %dma_wait3A_132 = tpu.memref_squeeze %dma_wait3A_131 : memref<1x4x32xi32, #tpu.memory_space<hbm>> -> memref<4x32xi32, #tpu.memory_space<hbm>>
      %dma_wait3A_133 = arith.constant 0 : i32
      %dma_wait3A_134 = arith.constant 0 : i32
      %dma_wait3A_135 = tpu.memref_slice %arg3[%add3A, %dma_wait3A_133, %dma_wait3A_134] : memref<32x4x32xi32, #tpu.memory_space<hbm>> -> memref<1x4x32xi32, #tpu.memory_space<hbm>>
      %dma_wait3A_136 = tpu.memref_squeeze %dma_wait3A_135 : memref<1x4x32xi32, #tpu.memory_space<hbm>> -> memref<4x32xi32, #tpu.memory_space<hbm>>
      tpu.wait_dma2 semaphore(%run_scoped3A : memref<!tpu.dma_semaphore, #tpu.memory_space<semaphore_mem>>) src(%dma_wait3A_136 : memref<4x32xi32, #tpu.memory_space<hbm>>) dst(%arg6 : memref<4x32xi32, #tpu.memory_space<vmem>>)
      tpu.yield
    }) : () -> ()
    "tpu.region"() ({
      %run_scoped3A = tpu.sem_alloc : memref<!tpu.dma_semaphore, #tpu.memory_space<semaphore_mem>>
      %dma_start3A_121 = arith.constant 0 : i32
      %dma_start3A_122 = arith.constant 0 : i32
      %dma_start3A_123 = tpu.memref_slice %arg4[%add3A, %dma_start3A_121, %dma_start3A_122] : memref<32x4x32xi32, #tpu.memory_space<hbm>> -> memref<1x4x32xi32, #tpu.memory_space<hbm>>
      %dma_start3A_124 = tpu.memref_squeeze %dma_start3A_123 : memref<1x4x32xi32, #tpu.memory_space<hbm>> -> memref<4x32xi32, #tpu.memory_space<hbm>>
      %dma_start3A_125 = arith.constant 0 : i32
      %dma_start3A_126 = arith.constant 0 : i32
      %dma_start3A_127 = tpu.memref_slice %arg4[%add3A, %dma_start3A_125, %dma_start3A_126] : memref<32x4x32xi32, #tpu.memory_space<hbm>> -> memref<1x4x32xi32, #tpu.memory_space<hbm>>
      %dma_start3A_128 = tpu.memref_squeeze %dma_start3A_127 : memref<1x4x32xi32, #tpu.memory_space<hbm>> -> memref<4x32xi32, #tpu.memory_space<hbm>>
      tpu.enqueue_dma source(%dma_start3A_128 : memref<4x32xi32, #tpu.memory_space<hbm>>) target(%arg7 : memref<4x32xi32, #tpu.memory_space<vmem>>) target_semaphore(%run_scoped3A : memref<!tpu.dma_semaphore, #tpu.memory_space<semaphore_mem>>)
      %dma_wait3A_129 = arith.constant 0 : i32
      %dma_wait3A_130 = arith.constant 0 : i32
      %dma_wait3A_131 = tpu.memref_slice %arg4[%add3A, %dma_wait3A_129, %dma_wait3A_130] : memref<32x4x32xi32, #tpu.memory_space<hbm>> -> memref<1x4x32xi32, #tpu.memory_space<hbm>>
      %dma_wait3A_132 = tpu.memref_squeeze %dma_wait3A_131 : memref<1x4x32xi32, #tpu.memory_space<hbm>> -> memref<4x32xi32, #tpu.memory_space<hbm>>
      %dma_wait3A_133 = arith.constant 0 : i32
      %dma_wait3A_134 = arith.constant 0 : i32
      %dma_wait3A_135 = tpu.memref_slice %arg4[%add3A, %dma_wait3A_133, %dma_wait3A_134] : memref<32x4x32xi32, #tpu.memory_space<hbm>> -> memref<1x4x32xi32, #tpu.memory_space<hbm>>
      %dma_wait3A_136 = tpu.memref_squeeze %dma_wait3A_135 : memref<1x4x32xi32, #tpu.memory_space<hbm>> -> memref<4x32xi32, #tpu.memory_space<hbm>>
      tpu.wait_dma2 semaphore(%run_scoped3A : memref<!tpu.dma_semaphore, #tpu.memory_space<semaphore_mem>>) src(%dma_wait3A_136 : memref<4x32xi32, #tpu.memory_space<hbm>>) dst(%arg7 : memref<4x32xi32, #tpu.memory_space<vmem>>)
      tpu.yield
    }) : () -> ()
    %mul3A_1 = arith.constant 128 : i32
    %mul3A_2 = arith.muli %add3A, %mul3A_1 : i32
    %add3A_3 = arith.constant 0 : i32
    %add3A_4 = arith.addi %mul3A_2, %add3A_3 : i32
    "tpu.region"() ({
      %run_scoped3A = tpu.sem_alloc : memref<!tpu.dma_semaphore, #tpu.memory_space<semaphore_mem>>
      %dma_start3A_121 = arith.constant 0 : i32
      %dma_start3A_122 = tpu.memref_slice %arg2[%add3A_4, %dma_start3A_121] : memref<4096x1024xf32, #tpu.memory_space<hbm>> -> memref<32x1024xf32, #tpu.memory_space<hbm>>
      %dma_start3A_123 = arith.constant 0 : i32
      %dma_start3A_124 = tpu.memref_slice %arg2[%add3A_4, %dma_start3A_123] : memref<4096x1024xf32, #tpu.memory_space<hbm>> -> memref<32x1024xf32, #tpu.memory_space<hbm>>
      tpu.enqueue_dma source(%dma_start3A_124 : memref<32x1024xf32, #tpu.memory_space<hbm>>) target(%arg8 : memref<32x1024xf32, #tpu.memory_space<vmem>>) target_semaphore(%run_scoped3A : memref<!tpu.dma_semaphore, #tpu.memory_space<semaphore_mem>>)
      %dma_wait3A_125 = arith.constant 0 : i32
      %dma_wait3A_126 = tpu.memref_slice %arg2[%add3A_4, %dma_wait3A_125] : memref<4096x1024xf32, #tpu.memory_space<hbm>> -> memref<32x1024xf32, #tpu.memory_space<hbm>>
      %dma_wait3A_127 = arith.constant 0 : i32
      %dma_wait3A_128 = tpu.memref_slice %arg2[%add3A_4, %dma_wait3A_127] : memref<4096x1024xf32, #tpu.memory_space<hbm>> -> memref<32x1024xf32, #tpu.memory_space<hbm>>
      tpu.wait_dma2 semaphore(%run_scoped3A : memref<!tpu.dma_semaphore, #tpu.memory_space<semaphore_mem>>) src(%dma_wait3A_128 : memref<32x1024xf32, #tpu.memory_space<hbm>>) dst(%arg8 : memref<32x1024xf32, #tpu.memory_space<vmem>>)
      tpu.yield
    }) : () -> ()
    %dma_start3A = arith.constant 0 : i32
    %dma_start3A_5 = arith.constant 0 : i32
    %dma_start3A_6 = tpu.memref_slice %arg6[%dma_start3A, %dma_start3A_5] : memref<4x32xi32, #tpu.memory_space<vmem>> -> memref<1x32xi32, #tpu.memory_space<vmem>>
    %dma_start3A_7 = tpu.memref_squeeze %dma_start3A_6 : memref<1x32xi32, #tpu.memory_space<vmem>> -> memref<32xi32, #tpu.memory_space<vmem>>
    %dma_start3A_8 = arith.constant 0 : i32
    %dma_start3A_9 = arith.constant 0 : i32
    %dma_start3A_10 = tpu.memref_slice %arg5[%dma_start3A_8, %dma_start3A_9] : memref<16384x1024xf32, #tpu.memory_space<hbm>> -> memref<16384x1024xf32, #tpu.memory_space<hbm>>
    tpu.enqueue_indirect_dma source(%arg8 : memref<32x1024xf32, #tpu.memory_space<vmem>>) target(%dma_start3A_10 : memref<16384x1024xf32, #tpu.memory_space<hbm>>) offsets(%dma_start3A_7 : memref<32xi32, #tpu.memory_space<vmem>>) semaphore(%arg10 : memref<!tpu.dma_semaphore, #tpu.memory_space<semaphore_mem>>)
    %dma_start3A_11 = arith.constant 0 : i32
    %dma_start3A_12 = arith.constant 0 : i32
    %dma_start3A_13 = tpu.memref_slice %arg7[%dma_start3A_11, %dma_start3A_12] : memref<4x32xi32, #tpu.memory_space<vmem>> -> memref<1x32xi32, #tpu.memory_space<vmem>>
    %dma_start3A_14 = tpu.memref_squeeze %dma_start3A_13 : memref<1x32xi32, #tpu.memory_space<vmem>> -> memref<32xi32, #tpu.memory_space<vmem>>
    %dma_start3A_15 = arith.constant 0 : i32
    %dma_start3A_16 = arith.constant 0 : i32
    %dma_start3A_17 = tpu.memref_slice %arg5[%dma_start3A_15, %dma_start3A_16] : memref<16384x1024xf32, #tpu.memory_space<hbm>> -> memref<16384x1024xf32, #tpu.memory_space<hbm>>
    tpu.enqueue_indirect_dma source(%arg8 : memref<32x1024xf32, #tpu.memory_space<vmem>>) target(%dma_start3A_17 : memref<16384x1024xf32, #tpu.memory_space<hbm>>) offsets(%dma_start3A_14 : memref<32xi32, #tpu.memory_space<vmem>>) semaphore(%arg10 : memref<!tpu.dma_semaphore, #tpu.memory_space<semaphore_mem>>)
    %add3A_18 = arith.constant 32 : i32
    %add3A_19 = arith.addi %mul3A_2, %add3A_18 : i32
    "tpu.region"() ({
      %run_scoped3A = tpu.sem_alloc : memref<!tpu.dma_semaphore, #tpu.memory_space<semaphore_mem>>
      %dma_start3A_121 = arith.constant 0 : i32
      %dma_start3A_122 = tpu.memref_slice %arg2[%add3A_19, %dma_start3A_121] : memref<4096x1024xf32, #tpu.memory_space<hbm>> -> memref<32x1024xf32, #tpu.memory_space<hbm>>
      %dma_start3A_123 = arith.constant 0 : i32
      %dma_start3A_124 = tpu.memref_slice %arg2[%add3A_19, %dma_start3A_123] : memref<4096x1024xf32, #tpu.memory_space<hbm>> -> memref<32x1024xf32, #tpu.memory_space<hbm>>
      tpu.enqueue_dma source(%dma_start3A_124 : memref<32x1024xf32, #tpu.memory_space<hbm>>) target(%arg9 : memref<32x1024xf32, #tpu.memory_space<vmem>>) target_semaphore(%run_scoped3A : memref<!tpu.dma_semaphore, #tpu.memory_space<semaphore_mem>>)
      %dma_wait3A_125 = arith.constant 0 : i32
      %dma_wait3A_126 = tpu.memref_slice %arg2[%add3A_19, %dma_wait3A_125] : memref<4096x1024xf32, #tpu.memory_space<hbm>> -> memref<32x1024xf32, #tpu.memory_space<hbm>>
      %dma_wait3A_127 = arith.constant 0 : i32
      %dma_wait3A_128 = tpu.memref_slice %arg2[%add3A_19, %dma_wait3A_127] : memref<4096x1024xf32, #tpu.memory_space<hbm>> -> memref<32x1024xf32, #tpu.memory_space<hbm>>
      tpu.wait_dma2 semaphore(%run_scoped3A : memref<!tpu.dma_semaphore, #tpu.memory_space<semaphore_mem>>) src(%dma_wait3A_128 : memref<32x1024xf32, #tpu.memory_space<hbm>>) dst(%arg9 : memref<32x1024xf32, #tpu.memory_space<vmem>>)
      tpu.yield
    }) : () -> ()
    %dma_start3A_20 = arith.constant 1 : i32
    %dma_start3A_21 = arith.constant 0 : i32
    %dma_start3A_22 = tpu.memref_slice %arg6[%dma_start3A_20, %dma_start3A_21] : memref<4x32xi32, #tpu.memory_space<vmem>> -> memref<1x32xi32, #tpu.memory_space<vmem>>
    %dma_start3A_23 = tpu.memref_squeeze %dma_start3A_22 : memref<1x32xi32, #tpu.memory_space<vmem>> -> memref<32xi32, #tpu.memory_space<vmem>>
    %dma_start3A_24 = arith.constant 0 : i32
    %dma_start3A_25 = arith.constant 0 : i32
    %dma_start3A_26 = tpu.memref_slice %arg5[%dma_start3A_24, %dma_start3A_25] : memref<16384x1024xf32, #tpu.memory_space<hbm>> -> memref<16384x1024xf32, #tpu.memory_space<hbm>>
    tpu.enqueue_indirect_dma source(%arg9 : memref<32x1024xf32, #tpu.memory_space<vmem>>) target(%dma_start3A_26 : memref<16384x1024xf32, #tpu.memory_space<hbm>>) offsets(%dma_start3A_23 : memref<32xi32, #tpu.memory_space<vmem>>) semaphore(%arg11 : memref<!tpu.dma_semaphore, #tpu.memory_space<semaphore_mem>>)
    %dma_start3A_27 = arith.constant 1 : i32
    %dma_start3A_28 = arith.constant 0 : i32
    %dma_start3A_29 = tpu.memref_slice %arg7[%dma_start3A_27, %dma_start3A_28] : memref<4x32xi32, #tpu.memory_space<vmem>> -> memref<1x32xi32, #tpu.memory_space<vmem>>
    %dma_start3A_30 = tpu.memref_squeeze %dma_start3A_29 : memref<1x32xi32, #tpu.memory_space<vmem>> -> memref<32xi32, #tpu.memory_space<vmem>>
    %dma_start3A_31 = arith.constant 0 : i32
    %dma_start3A_32 = arith.constant 0 : i32
    %dma_start3A_33 = tpu.memref_slice %arg5[%dma_start3A_31, %dma_start3A_32] : memref<16384x1024xf32, #tpu.memory_space<hbm>> -> memref<16384x1024xf32, #tpu.memory_space<hbm>>
    tpu.enqueue_indirect_dma source(%arg9 : memref<32x1024xf32, #tpu.memory_space<vmem>>) target(%dma_start3A_33 : memref<16384x1024xf32, #tpu.memory_space<hbm>>) offsets(%dma_start3A_30 : memref<32xi32, #tpu.memory_space<vmem>>) semaphore(%arg11 : memref<!tpu.dma_semaphore, #tpu.memory_space<semaphore_mem>>)
    %dma_wait3A = arith.constant 0 : i32
    %dma_wait3A_34 = arith.constant 0 : i32
    %dma_wait3A_35 = tpu.memref_slice %arg6[%dma_wait3A, %dma_wait3A_34] : memref<4x32xi32, #tpu.memory_space<vmem>> -> memref<1x32xi32, #tpu.memory_space<vmem>>
    %dma_wait3A_36 = tpu.memref_squeeze %dma_wait3A_35 : memref<1x32xi32, #tpu.memory_space<vmem>> -> memref<32xi32, #tpu.memory_space<vmem>>
    %dma_wait3A_37 = arith.constant 0 : i32
    %dma_wait3A_38 = arith.constant 0 : i32
    %dma_wait3A_39 = tpu.memref_slice %arg5[%dma_wait3A_37, %dma_wait3A_38] : memref<16384x1024xf32, #tpu.memory_space<hbm>> -> memref<16384x1024xf32, #tpu.memory_space<hbm>>
    tpu.wait_indirect_dma semaphore(%arg10 : memref<!tpu.dma_semaphore, #tpu.memory_space<semaphore_mem>>) src(%arg8 : memref<32x1024xf32, #tpu.memory_space<vmem>>) dst(%dma_wait3A_39 : memref<16384x1024xf32, #tpu.memory_space<hbm>>)
    %dma_wait3A_40 = arith.constant 0 : i32
    %dma_wait3A_41 = arith.constant 0 : i32
    %dma_wait3A_42 = tpu.memref_slice %arg7[%dma_wait3A_40, %dma_wait3A_41] : memref<4x32xi32, #tpu.memory_space<vmem>> -> memref<1x32xi32, #tpu.memory_space<vmem>>
    %dma_wait3A_43 = tpu.memref_squeeze %dma_wait3A_42 : memref<1x32xi32, #tpu.memory_space<vmem>> -> memref<32xi32, #tpu.memory_space<vmem>>
    %dma_wait3A_44 = arith.constant 0 : i32
    %dma_wait3A_45 = arith.constant 0 : i32
    %dma_wait3A_46 = tpu.memref_slice %arg5[%dma_wait3A_44, %dma_wait3A_45] : memref<16384x1024xf32, #tpu.memory_space<hbm>> -> memref<16384x1024xf32, #tpu.memory_space<hbm>>
    tpu.wait_indirect_dma semaphore(%arg10 : memref<!tpu.dma_semaphore, #tpu.memory_space<semaphore_mem>>) src(%arg8 : memref<32x1024xf32, #tpu.memory_space<vmem>>) dst(%dma_wait3A_46 : memref<16384x1024xf32, #tpu.memory_space<hbm>>)
    %add3A_47 = arith.constant 64 : i32
    %add3A_48 = arith.addi %mul3A_2, %add3A_47 : i32
    "tpu.region"() ({
      %run_scoped3A = tpu.sem_alloc : memref<!tpu.dma_semaphore, #tpu.memory_space<semaphore_mem>>
      %dma_start3A_121 = arith.constant 0 : i32
      %dma_start3A_122 = tpu.memref_slice %arg2[%add3A_48, %dma_start3A_121] : memref<4096x1024xf32, #tpu.memory_space<hbm>> -> memref<32x1024xf32, #tpu.memory_space<hbm>>
      %dma_start3A_123 = arith.constant 0 : i32
      %dma_start3A_124 = tpu.memref_slice %arg2[%add3A_48, %dma_start3A_123] : memref<4096x1024xf32, #tpu.memory_space<hbm>> -> memref<32x1024xf32, #tpu.memory_space<hbm>>
      tpu.enqueue_dma source(%dma_start3A_124 : memref<32x1024xf32, #tpu.memory_space<hbm>>) target(%arg8 : memref<32x1024xf32, #tpu.memory_space<vmem>>) target_semaphore(%run_scoped3A : memref<!tpu.dma_semaphore, #tpu.memory_space<semaphore_mem>>)
      %dma_wait3A_125 = arith.constant 0 : i32
      %dma_wait3A_126 = tpu.memref_slice %arg2[%add3A_48, %dma_wait3A_125] : memref<4096x1024xf32, #tpu.memory_space<hbm>> -> memref<32x1024xf32, #tpu.memory_space<hbm>>
      %dma_wait3A_127 = arith.constant 0 : i32
      %dma_wait3A_128 = tpu.memref_slice %arg2[%add3A_48, %dma_wait3A_127] : memref<4096x1024xf32, #tpu.memory_space<hbm>> -> memref<32x1024xf32, #tpu.memory_space<hbm>>
      tpu.wait_dma2 semaphore(%run_scoped3A : memref<!tpu.dma_semaphore, #tpu.memory_space<semaphore_mem>>) src(%dma_wait3A_128 : memref<32x1024xf32, #tpu.memory_space<hbm>>) dst(%arg8 : memref<32x1024xf32, #tpu.memory_space<vmem>>)
      tpu.yield
    }) : () -> ()
    %dma_start3A_49 = arith.constant 2 : i32
    %dma_start3A_50 = arith.constant 0 : i32
    %dma_start3A_51 = tpu.memref_slice %arg6[%dma_start3A_49, %dma_start3A_50] : memref<4x32xi32, #tpu.memory_space<vmem>> -> memref<1x32xi32, #tpu.memory_space<vmem>>
    %dma_start3A_52 = tpu.memref_squeeze %dma_start3A_51 : memref<1x32xi32, #tpu.memory_space<vmem>> -> memref<32xi32, #tpu.memory_space<vmem>>
    %dma_start3A_53 = arith.constant 0 : i32
    %dma_start3A_54 = arith.constant 0 : i32
    %dma_start3A_55 = tpu.memref_slice %arg5[%dma_start3A_53, %dma_start3A_54] : memref<16384x1024xf32, #tpu.memory_space<hbm>> -> memref<16384x1024xf32, #tpu.memory_space<hbm>>
    tpu.enqueue_indirect_dma source(%arg8 : memref<32x1024xf32, #tpu.memory_space<vmem>>) target(%dma_start3A_55 : memref<16384x1024xf32, #tpu.memory_space<hbm>>) offsets(%dma_start3A_52 : memref<32xi32, #tpu.memory_space<vmem>>) semaphore(%arg10 : memref<!tpu.dma_semaphore, #tpu.memory_space<semaphore_mem>>)
    %dma_start3A_56 = arith.constant 2 : i32
    %dma_start3A_57 = arith.constant 0 : i32
    %dma_start3A_58 = tpu.memref_slice %arg7[%dma_start3A_56, %dma_start3A_57] : memref<4x32xi32, #tpu.memory_space<vmem>> -> memref<1x32xi32, #tpu.memory_space<vmem>>
    %dma_start3A_59 = tpu.memref_squeeze %dma_start3A_58 : memref<1x32xi32, #tpu.memory_space<vmem>> -> memref<32xi32, #tpu.memory_space<vmem>>
    %dma_start3A_60 = arith.constant 0 : i32
    %dma_start3A_61 = arith.constant 0 : i32
    %dma_start3A_62 = tpu.memref_slice %arg5[%dma_start3A_60, %dma_start3A_61] : memref<16384x1024xf32, #tpu.memory_space<hbm>> -> memref<16384x1024xf32, #tpu.memory_space<hbm>>
    tpu.enqueue_indirect_dma source(%arg8 : memref<32x1024xf32, #tpu.memory_space<vmem>>) target(%dma_start3A_62 : memref<16384x1024xf32, #tpu.memory_space<hbm>>) offsets(%dma_start3A_59 : memref<32xi32, #tpu.memory_space<vmem>>) semaphore(%arg10 : memref<!tpu.dma_semaphore, #tpu.memory_space<semaphore_mem>>)
    %dma_wait3A_63 = arith.constant 1 : i32
    %dma_wait3A_64 = arith.constant 0 : i32
    %dma_wait3A_65 = tpu.memref_slice %arg6[%dma_wait3A_63, %dma_wait3A_64] : memref<4x32xi32, #tpu.memory_space<vmem>> -> memref<1x32xi32, #tpu.memory_space<vmem>>
    %dma_wait3A_66 = tpu.memref_squeeze %dma_wait3A_65 : memref<1x32xi32, #tpu.memory_space<vmem>> -> memref<32xi32, #tpu.memory_space<vmem>>
    %dma_wait3A_67 = arith.constant 0 : i32
    %dma_wait3A_68 = arith.constant 0 : i32
    %dma_wait3A_69 = tpu.memref_slice %arg5[%dma_wait3A_67, %dma_wait3A_68] : memref<16384x1024xf32, #tpu.memory_space<hbm>> -> memref<16384x1024xf32, #tpu.memory_space<hbm>>
    tpu.wait_indirect_dma semaphore(%arg11 : memref<!tpu.dma_semaphore, #tpu.memory_space<semaphore_mem>>) src(%arg9 : memref<32x1024xf32, #tpu.memory_space<vmem>>) dst(%dma_wait3A_69 : memref<16384x1024xf32, #tpu.memory_space<hbm>>)
    %dma_wait3A_70 = arith.constant 1 : i32
    %dma_wait3A_71 = arith.constant 0 : i32
    %dma_wait3A_72 = tpu.memref_slice %arg7[%dma_wait3A_70, %dma_wait3A_71] : memref<4x32xi32, #tpu.memory_space<vmem>> -> memref<1x32xi32, #tpu.memory_space<vmem>>
    %dma_wait3A_73 = tpu.memref_squeeze %dma_wait3A_72 : memref<1x32xi32, #tpu.memory_space<vmem>> -> memref<32xi32, #tpu.memory_space<vmem>>
    %dma_wait3A_74 = arith.constant 0 : i32
    %dma_wait3A_75 = arith.constant 0 : i32
    %dma_wait3A_76 = tpu.memref_slice %arg5[%dma_wait3A_74, %dma_wait3A_75] : memref<16384x1024xf32, #tpu.memory_space<hbm>> -> memref<16384x1024xf32, #tpu.memory_space<hbm>>
    tpu.wait_indirect_dma semaphore(%arg11 : memref<!tpu.dma_semaphore, #tpu.memory_space<semaphore_mem>>) src(%arg9 : memref<32x1024xf32, #tpu.memory_space<vmem>>) dst(%dma_wait3A_76 : memref<16384x1024xf32, #tpu.memory_space<hbm>>)
    %add3A_77 = arith.constant 96 : i32
    %add3A_78 = arith.addi %mul3A_2, %add3A_77 : i32
    "tpu.region"() ({
      %run_scoped3A = tpu.sem_alloc : memref<!tpu.dma_semaphore, #tpu.memory_space<semaphore_mem>>
      %dma_start3A_121 = arith.constant 0 : i32
      %dma_start3A_122 = tpu.memref_slice %arg2[%add3A_78, %dma_start3A_121] : memref<4096x1024xf32, #tpu.memory_space<hbm>> -> memref<32x1024xf32, #tpu.memory_space<hbm>>
      %dma_start3A_123 = arith.constant 0 : i32
      %dma_start3A_124 = tpu.memref_slice %arg2[%add3A_78, %dma_start3A_123] : memref<4096x1024xf32, #tpu.memory_space<hbm>> -> memref<32x1024xf32, #tpu.memory_space<hbm>>
      tpu.enqueue_dma source(%dma_start3A_124 : memref<32x1024xf32, #tpu.memory_space<hbm>>) target(%arg9 : memref<32x1024xf32, #tpu.memory_space<vmem>>) target_semaphore(%run_scoped3A : memref<!tpu.dma_semaphore, #tpu.memory_space<semaphore_mem>>)
      %dma_wait3A_125 = arith.constant 0 : i32
      %dma_wait3A_126 = tpu.memref_slice %arg2[%add3A_78, %dma_wait3A_125] : memref<4096x1024xf32, #tpu.memory_space<hbm>> -> memref<32x1024xf32, #tpu.memory_space<hbm>>
      %dma_wait3A_127 = arith.constant 0 : i32
      %dma_wait3A_128 = tpu.memref_slice %arg2[%add3A_78, %dma_wait3A_127] : memref<4096x1024xf32, #tpu.memory_space<hbm>> -> memref<32x1024xf32, #tpu.memory_space<hbm>>
      tpu.wait_dma2 semaphore(%run_scoped3A : memref<!tpu.dma_semaphore, #tpu.memory_space<semaphore_mem>>) src(%dma_wait3A_128 : memref<32x1024xf32, #tpu.memory_space<hbm>>) dst(%arg9 : memref<32x1024xf32, #tpu.memory_space<vmem>>)
      tpu.yield
    }) : () -> ()
    %dma_start3A_79 = arith.constant 3 : i32
    %dma_start3A_80 = arith.constant 0 : i32
    %dma_start3A_81 = tpu.memref_slice %arg6[%dma_start3A_79, %dma_start3A_80] : memref<4x32xi32, #tpu.memory_space<vmem>> -> memref<1x32xi32, #tpu.memory_space<vmem>>
    %dma_start3A_82 = tpu.memref_squeeze %dma_start3A_81 : memref<1x32xi32, #tpu.memory_space<vmem>> -> memref<32xi32, #tpu.memory_space<vmem>>
    %dma_start3A_83 = arith.constant 0 : i32
    %dma_start3A_84 = arith.constant 0 : i32
    %dma_start3A_85 = tpu.memref_slice %arg5[%dma_start3A_83, %dma_start3A_84] : memref<16384x1024xf32, #tpu.memory_space<hbm>> -> memref<16384x1024xf32, #tpu.memory_space<hbm>>
    tpu.enqueue_indirect_dma source(%arg9 : memref<32x1024xf32, #tpu.memory_space<vmem>>) target(%dma_start3A_85 : memref<16384x1024xf32, #tpu.memory_space<hbm>>) offsets(%dma_start3A_82 : memref<32xi32, #tpu.memory_space<vmem>>) semaphore(%arg11 : memref<!tpu.dma_semaphore, #tpu.memory_space<semaphore_mem>>)
    %dma_start3A_86 = arith.constant 3 : i32
    %dma_start3A_87 = arith.constant 0 : i32
    %dma_start3A_88 = tpu.memref_slice %arg7[%dma_start3A_86, %dma_start3A_87] : memref<4x32xi32, #tpu.memory_space<vmem>> -> memref<1x32xi32, #tpu.memory_space<vmem>>
    %dma_start3A_89 = tpu.memref_squeeze %dma_start3A_88 : memref<1x32xi32, #tpu.memory_space<vmem>> -> memref<32xi32, #tpu.memory_space<vmem>>
    %dma_start3A_90 = arith.constant 0 : i32
    %dma_start3A_91 = arith.constant 0 : i32
    %dma_start3A_92 = tpu.memref_slice %arg5[%dma_start3A_90, %dma_start3A_91] : memref<16384x1024xf32, #tpu.memory_space<hbm>> -> memref<16384x1024xf32, #tpu.memory_space<hbm>>
    tpu.enqueue_indirect_dma source(%arg9 : memref<32x1024xf32, #tpu.memory_space<vmem>>) target(%dma_start3A_92 : memref<16384x1024xf32, #tpu.memory_space<hbm>>) offsets(%dma_start3A_89 : memref<32xi32, #tpu.memory_space<vmem>>) semaphore(%arg11 : memref<!tpu.dma_semaphore, #tpu.memory_space<semaphore_mem>>)
    %dma_wait3A_93 = arith.constant 2 : i32
    %dma_wait3A_94 = arith.constant 0 : i32
    %dma_wait3A_95 = tpu.memref_slice %arg6[%dma_wait3A_93, %dma_wait3A_94] : memref<4x32xi32, #tpu.memory_space<vmem>> -> memref<1x32xi32, #tpu.memory_space<vmem>>
    %dma_wait3A_96 = tpu.memref_squeeze %dma_wait3A_95 : memref<1x32xi32, #tpu.memory_space<vmem>> -> memref<32xi32, #tpu.memory_space<vmem>>
    %dma_wait3A_97 = arith.constant 0 : i32
    %dma_wait3A_98 = arith.constant 0 : i32
    %dma_wait3A_99 = tpu.memref_slice %arg5[%dma_wait3A_97, %dma_wait3A_98] : memref<16384x1024xf32, #tpu.memory_space<hbm>> -> memref<16384x1024xf32, #tpu.memory_space<hbm>>
    tpu.wait_indirect_dma semaphore(%arg10 : memref<!tpu.dma_semaphore, #tpu.memory_space<semaphore_mem>>) src(%arg8 : memref<32x1024xf32, #tpu.memory_space<vmem>>) dst(%dma_wait3A_99 : memref<16384x1024xf32, #tpu.memory_space<hbm>>)
    %dma_wait3A_100 = arith.constant 2 : i32
    %dma_wait3A_101 = arith.constant 0 : i32
    %dma_wait3A_102 = tpu.memref_slice %arg7[%dma_wait3A_100, %dma_wait3A_101] : memref<4x32xi32, #tpu.memory_space<vmem>> -> memref<1x32xi32, #tpu.memory_space<vmem>>
    %dma_wait3A_103 = tpu.memref_squeeze %dma_wait3A_102 : memref<1x32xi32, #tpu.memory_space<vmem>> -> memref<32xi32, #tpu.memory_space<vmem>>
    %dma_wait3A_104 = arith.constant 0 : i32
    %dma_wait3A_105 = arith.constant 0 : i32
    %dma_wait3A_106 = tpu.memref_slice %arg5[%dma_wait3A_104, %dma_wait3A_105] : memref<16384x1024xf32, #tpu.memory_space<hbm>> -> memref<16384x1024xf32, #tpu.memory_space<hbm>>
    tpu.wait_indirect_dma semaphore(%arg10 : memref<!tpu.dma_semaphore, #tpu.memory_space<semaphore_mem>>) src(%arg8 : memref<32x1024xf32, #tpu.memory_space<vmem>>) dst(%dma_wait3A_106 : memref<16384x1024xf32, #tpu.memory_space<hbm>>)
    %dma_wait3A_107 = arith.constant 3 : i32
    %dma_wait3A_108 = arith.constant 0 : i32
    %dma_wait3A_109 = tpu.memref_slice %arg6[%dma_wait3A_107, %dma_wait3A_108] : memref<4x32xi32, #tpu.memory_space<vmem>> -> memref<1x32xi32, #tpu.memory_space<vmem>>
    %dma_wait3A_110 = tpu.memref_squeeze %dma_wait3A_109 : memref<1x32xi32, #tpu.memory_space<vmem>> -> memref<32xi32, #tpu.memory_space<vmem>>
    %dma_wait3A_111 = arith.constant 0 : i32
    %dma_wait3A_112 = arith.constant 0 : i32
    %dma_wait3A_113 = tpu.memref_slice %arg5[%dma_wait3A_111, %dma_wait3A_112] : memref<16384x1024xf32, #tpu.memory_space<hbm>> -> memref<16384x1024xf32, #tpu.memory_space<hbm>>
    tpu.wait_indirect_dma semaphore(%arg11 : memref<!tpu.dma_semaphore, #tpu.memory_space<semaphore_mem>>) src(%arg9 : memref<32x1024xf32, #tpu.memory_space<vmem>>) dst(%dma_wait3A_113 : memref<16384x1024xf32, #tpu.memory_space<hbm>>)
    %dma_wait3A_114 = arith.constant 3 : i32
    %dma_wait3A_115 = arith.constant 0 : i32
    %dma_wait3A_116 = tpu.memref_slice %arg7[%dma_wait3A_114, %dma_wait3A_115] : memref<4x32xi32, #tpu.memory_space<vmem>> -> memref<1x32xi32, #tpu.memory_space<vmem>>
    %dma_wait3A_117 = tpu.memref_squeeze %dma_wait3A_116 : memref<1x32xi32, #tpu.memory_space<vmem>> -> memref<32xi32, #tpu.memory_space<vmem>>
    %dma_wait3A_118 = arith.constant 0 : i32
    %dma_wait3A_119 = arith.constant 0 : i32
    %dma_wait3A_120 = tpu.memref_slice %arg5[%dma_wait3A_118, %dma_wait3A_119] : memref<16384x1024xf32, #tpu.memory_space<hbm>> -> memref<16384x1024xf32, #tpu.memory_space<hbm>>
    tpu.wait_indirect_dma semaphore(%arg11 : memref<!tpu.dma_semaphore, #tpu.memory_space<semaphore_mem>>) src(%arg9 : memref<32x1024xf32, #tpu.memory_space<vmem>>) dst(%dma_wait3A_120 : memref<16384x1024xf32, #tpu.memory_space<hbm>>)
    return
  }
}

module attributes {stable_mosaic.version = 14 : i64} {
  func.func @_router_body(%arg0: i32, %arg1: memref<256x1024xf32, #tpu.memory_space<vmem>>, %arg2: memref<64x1024xf32, #tpu.memory_space<vmem>>, %arg3: memref<256x2xi32, #tpu.memory_space<vmem>>, %arg4: memref<256x2xf32, #tpu.memory_space<vmem>>, %arg5: memref<1x8x64xf32, #tpu.memory_space<vmem>>) attributes {dimension_semantics = [#tpu.dimension_semantics<arbitrary>], iteration_bounds = array<i64: 16>, scalar_prefetch = 0 : i64, scratch_operands = 0 : i64, tpu.core_type = #tpu.core_type<tc>, window_params = [{transform_indices = @transform_0, window_bounds = array<i64: 256, 1024>}, {pipeline_mode = #tpu.pipeline_mode<synchronous>, transform_indices = @transform_1, window_bounds = array<i64: 64, 1024>}, {transform_indices = @transform_2, window_bounds = array<i64: 256, 2>}, {transform_indices = @transform_3, window_bounds = array<i64: 256, 2>}, {transform_indices = @transform_4, window_bounds = array<i64: 1, 8, 64>}]} {
    %get3A = arith.constant 0 : index
    %get3A_0 = arith.constant 0 : index
    %get3A_1 = vector.load %arg1[%get3A, %get3A_0] : memref<256x1024xf32, #tpu.memory_space<vmem>>, vector<256x1024xf32>
    %get3A_2 = arith.constant 0 : index
    %get3A_3 = arith.constant 0 : index
    %get3A_4 = vector.load %arg2[%get3A_2, %get3A_3] : memref<64x1024xf32, #tpu.memory_space<vmem>>, vector<64x1024xf32>
    %dot_general3A = arith.constant dense<0.000000e+00> : vector<256x64xf32>
    %dot_general3A_5 = tpu.matmul %get3A_1, %get3A_4, %dot_general3A {dimension_numbers = #tpu.dot_dimension_numbers<[1], [1], [0], [0], [0, 0, 1, 0], [], []>, transpose_lhs_hint = false} : vector<256x1024xf32>, vector<64x1024xf32>, vector<256x64xf32> -> vector<256x64xf32>
    %iota3A = tpu.iota {dimensions = array<i32: 1>} : vector<256x64xi32>
    %reduce_max3A = arith.constant dense<0xFF800000> : vector<256xf32>
    %reduce_max3A_6 = vector.multi_reduction <maximumf>, %dot_general3A_5, %reduce_max3A [1] : vector<256x64xf32> to vector<256xf32>
    %broadcast_in_dim3A = vector.shape_cast %reduce_max3A_6 : vector<256xf32> to vector<256x1xf32>
    %eq3A = vector.broadcast %broadcast_in_dim3A : vector<256x1xf32> to vector<256x64xf32>
    %eq3A_7 = arith.cmpf oeq, %dot_general3A_5, %eq3A : vector<256x64xf32>
    %jit3A = arith.constant 64 : i32
    %broadcast_in_dim3A_8 = vector.broadcast %jit3A : i32 to vector<256x64xi32>
    %select_n3A = arith.select %eq3A_7, %iota3A, %broadcast_in_dim3A_8 : vector<256x64xi1>, vector<256x64xi32>
    %reduce_min3A = arith.constant dense<2147483647> : vector<256xi32>
    %reduce_min3A_9 = vector.multi_reduction <minsi>, %select_n3A, %reduce_min3A [1] : vector<256x64xi32> to vector<256xi32>
    %broadcast_in_dim3A_10 = vector.shape_cast %reduce_min3A_9 : vector<256xi32> to vector<256x1xi32>
    %eq3A_11 = vector.broadcast %broadcast_in_dim3A_10 : vector<256x1xi32> to vector<256x64xi32>
    %eq3A_12 = arith.cmpi eq, %iota3A, %eq3A_11 : vector<256x64xi32>
    %jit3A_13 = arith.constant -1.000000e+30 : f32
    %broadcast_in_dim3A_14 = vector.broadcast %jit3A_13 : f32 to vector<256x64xf32>
    %select_n3A_15 = arith.select %eq3A_12, %broadcast_in_dim3A_14, %dot_general3A_5 : vector<256x64xi1>, vector<256x64xf32>
    %reduce_max3A_16 = arith.constant dense<0xFF800000> : vector<256xf32>
    %reduce_max3A_17 = vector.multi_reduction <maximumf>, %select_n3A_15, %reduce_max3A_16 [1] : vector<256x64xf32> to vector<256xf32>
    %broadcast_in_dim3A_18 = vector.shape_cast %reduce_max3A_17 : vector<256xf32> to vector<256x1xf32>
    %eq3A_19 = vector.broadcast %broadcast_in_dim3A_18 : vector<256x1xf32> to vector<256x64xf32>
    %eq3A_20 = arith.cmpf oeq, %select_n3A_15, %eq3A_19 : vector<256x64xf32>
    %jit3A_21 = arith.constant 64 : i32
    %broadcast_in_dim3A_22 = vector.broadcast %jit3A_21 : i32 to vector<256x64xi32>
    %select_n3A_23 = arith.select %eq3A_20, %iota3A, %broadcast_in_dim3A_22 : vector<256x64xi1>, vector<256x64xi32>
    %reduce_min3A_24 = arith.constant dense<2147483647> : vector<256xi32>
    %reduce_min3A_25 = vector.multi_reduction <minsi>, %select_n3A_23, %reduce_min3A_24 [1] : vector<256x64xi32> to vector<256xi32>
    %broadcast_in_dim3A_26 = vector.shape_cast %reduce_min3A_25 : vector<256xi32> to vector<256x1xi32>
    %sub3A = arith.subf %broadcast_in_dim3A_18, %broadcast_in_dim3A : vector<256x1xf32>
    %exp3A = math.exp %sub3A : vector<256x1xf32>
    %add3A = arith.constant 1.000000e+00 : f32
    %add3A_27 = vector.broadcast %add3A : f32 to vector<256x1xf32>
    %add3A_28 = arith.addf %add3A_27, %exp3A : vector<256x1xf32>
    %div3A = arith.constant 1.000000e+00 : f32
    %div3A_29 = vector.broadcast %div3A : f32 to vector<256x1xf32>
    %div3A_30 = arith.divf %div3A_29, %add3A_28 : vector<256x1xf32>
    %concatenate3A = tpu.concatenate %broadcast_in_dim3A_10, %broadcast_in_dim3A_26 in 1 : vector<256x1xi32>, vector<256x1xi32> -> vector<256x2xi32>
    %swap3A = arith.constant 0 : index
    %swap3A_31 = arith.constant 0 : index
    %swap3A_32 = vector.load %arg3[%swap3A, %swap3A_31] : memref<256x2xi32, #tpu.memory_space<vmem>>, vector<256x2xi32>
    tpu.vector_store %arg3[%swap3A, %swap3A_31], %concatenate3A {strides = array<i32>} : memref<256x2xi32, #tpu.memory_space<vmem>>, vector<256x2xi32>,
    %sub3A_33 = arith.constant 1.000000e+00 : f32
    %sub3A_34 = vector.broadcast %sub3A_33 : f32 to vector<256x1xf32>
    %sub3A_35 = arith.subf %sub3A_34, %div3A_30 : vector<256x1xf32>
    %concatenate3A_36 = tpu.concatenate %div3A_30, %sub3A_35 in 1 : vector<256x1xf32>, vector<256x1xf32> -> vector<256x2xf32>
    %swap3A_37 = arith.constant 0 : index
    %swap3A_38 = arith.constant 0 : index
    %swap3A_39 = vector.load %arg4[%swap3A_37, %swap3A_38] : memref<256x2xf32, #tpu.memory_space<vmem>>, vector<256x2xf32>
    tpu.vector_store %arg4[%swap3A_37, %swap3A_38], %concatenate3A_36 {strides = array<i32>} : memref<256x2xf32, #tpu.memory_space<vmem>>, vector<256x2xf32>,
    %eq3A_40 = vector.broadcast %broadcast_in_dim3A_10 : vector<256x1xi32> to vector<256x64xi32>
    %eq3A_41 = arith.cmpi eq, %iota3A, %eq3A_40 : vector<256x64xi32>
    %eq3A_42 = vector.broadcast %broadcast_in_dim3A_26 : vector<256x1xi32> to vector<256x64xi32>
    %eq3A_43 = arith.cmpi eq, %iota3A, %eq3A_42 : vector<256x64xi32>
    %or3A = arith.ori %eq3A_41, %eq3A_43 : vector<256x64xi1>
    %convert_element_type3A = arith.extui %or3A : vector<256x64xi1> to vector<256x64xi32>
    %convert_element_type3A_44 = arith.sitofp %convert_element_type3A : vector<256x64xi32> to vector<256x64xf32>
    %reduce_sum3A = arith.constant dense<0.000000e+00> : vector<64xf32>
    %reduce_sum3A_45 = vector.multi_reduction <add>, %convert_element_type3A_44, %reduce_sum3A [0] : vector<256x64xf32> to vector<64xf32>
    %broadcast_in_dim3A_46 = vector.shape_cast %reduce_sum3A_45 : vector<64xf32> to vector<1x64xf32>
    %broadcast_in_dim3A_47 = arith.constant 0.000000e+00 : f32
    %broadcast_in_dim3A_48 = vector.broadcast %broadcast_in_dim3A_47 : f32 to vector<7x64xf32>
    %concatenate3A_49 = tpu.concatenate %broadcast_in_dim3A_46, %broadcast_in_dim3A_48 in 0 : vector<1x64xf32>, vector<7x64xf32> -> vector<8x64xf32>
    %broadcast_in_dim3A_50 = vector.shape_cast %concatenate3A_49 : vector<8x64xf32> to vector<1x8x64xf32>
    %swap3A_51 = arith.constant 0 : index
    %swap3A_52 = arith.constant 0 : index
    %swap3A_53 = arith.constant 0 : index
    %swap3A_54 = vector.load %arg5[%swap3A_51, %swap3A_52, %swap3A_53] : memref<1x8x64xf32, #tpu.memory_space<vmem>>, vector<1x8x64xf32>
    tpu.vector_store %arg5[%swap3A_51, %swap3A_52, %swap3A_53], %broadcast_in_dim3A_50 {strides = array<i32>} : memref<1x8x64xf32, #tpu.memory_space<vmem>>, vector<1x8x64xf32>,
    return
  }
  func.func @transform_0(%arg0: i32) -> (i32, i32) {
    %c0_i32 = arith.constant 0 : i32
    %c0_i32_0 = arith.constant 0 : i32
    return %arg0, %c0_i32 : i32, i32
  }
  func.func @transform_1(%arg0: i32) -> (i32, i32) {
    %c0_i32 = arith.constant 0 : i32
    %c0_i32_0 = arith.constant 0 : i32
    %c0_i32_1 = arith.constant 0 : i32
    return %c0_i32, %c0_i32_0 : i32, i32
  }
  func.func @transform_2(%arg0: i32) -> (i32, i32) {
    %c0_i32 = arith.constant 0 : i32
    %c0_i32_0 = arith.constant 0 : i32
    return %arg0, %c0_i32 : i32, i32
  }
  func.func @transform_3(%arg0: i32) -> (i32, i32) {
    %c0_i32 = arith.constant 0 : i32
    %c0_i32_0 = arith.constant 0 : i32
    return %arg0, %c0_i32 : i32, i32
  }
  func.func @transform_4(%arg0: i32) -> (i32, i32, i32) {
    %c0_i32 = arith.constant 0 : i32
    %c0_i32_0 = arith.constant 0 : i32
    %c0_i32_1 = arith.constant 0 : i32
    return %arg0, %c0_i32, %c0_i32_0 : i32, i32, i32
  }
}

module attributes {stable_mosaic.version = 14 : i64} {
  func.func @_rank_body(%arg0: i32, %arg1: memref<256x2xi32, #tpu.memory_space<vmem>>, %arg2: memref<1x8x64xf32, #tpu.memory_space<vmem>>, %arg3: memref<256x2xi32, #tpu.memory_space<vmem>>) attributes {dimension_semantics = [#tpu.dimension_semantics<arbitrary>], iteration_bounds = array<i64: 16>, scalar_prefetch = 0 : i64, scratch_operands = 0 : i64, tpu.core_type = #tpu.core_type<tc>, window_params = [{transform_indices = @transform_0, window_bounds = array<i64: 256, 2>}, {transform_indices = @transform_1, window_bounds = array<i64: 1, 8, 64>}, {transform_indices = @transform_2, window_bounds = array<i64: 256, 2>}]} {
    %get3A = arith.constant 0 : index
    %get3A_0 = arith.constant 0 : index
    %get3A_1 = vector.load %arg1[%get3A, %get3A_0] : memref<256x2xi32, #tpu.memory_space<vmem>>, vector<256x1xi32>
    %get3A_2 = arith.constant 0 : index
    %get3A_3 = arith.constant 1 : index
    %get3A_4 = vector.load %arg1[%get3A_2, %get3A_3] : memref<256x2xi32, #tpu.memory_space<vmem>>, vector<256x1xi32>
    %iota3A = tpu.iota {dimensions = array<i32: 1>} : vector<256x64xi32>
    %eq3A = vector.broadcast %get3A_1 : vector<256x1xi32> to vector<256x64xi32>
    %eq3A_5 = arith.cmpi eq, %iota3A, %eq3A : vector<256x64xi32>
    %convert_element_type3A = arith.extui %eq3A_5 : vector<256x64xi1> to vector<256x64xi32>
    %convert_element_type3A_6 = arith.sitofp %convert_element_type3A : vector<256x64xi32> to vector<256x64xf32>
    %eq3A_7 = vector.broadcast %get3A_4 : vector<256x1xi32> to vector<256x64xi32>
    %eq3A_8 = arith.cmpi eq, %iota3A, %eq3A_7 : vector<256x64xi32>
    %convert_element_type3A_9 = arith.extui %eq3A_8 : vector<256x64xi1> to vector<256x64xi32>
    %convert_element_type3A_10 = arith.sitofp %convert_element_type3A_9 : vector<256x64xi32> to vector<256x64xf32>
    %add3A = arith.addf %convert_element_type3A_6, %convert_element_type3A_10 : vector<256x64xf32>
    %iota3A_11 = tpu.iota {dimensions = array<i32: 0>} : vector<256x256xi32>
    %iota3A_12 = tpu.iota {dimensions = array<i32: 1>} : vector<256x256xi32>
    %lt3A = arith.cmpi slt, %iota3A_12, %iota3A_11 : vector<256x256xi32>
    %convert_element_type3A_13 = arith.extui %lt3A : vector<256x256xi1> to vector<256x256xi32>
    %convert_element_type3A_14 = arith.sitofp %convert_element_type3A_13 : vector<256x256xi32> to vector<256x256xf32>
    %dot_general3A = arith.constant dense<0.000000e+00> : vector<256x64xf32>
    %dot_general3A_15 = tpu.matmul %convert_element_type3A_14, %add3A, %dot_general3A {dimension_numbers = #tpu.dot_dimension_numbers<[1], [0], [0], [1], [0, 0, 1, 1], [], []>, transpose_lhs_hint = false} : vector<256x256xf32>, vector<256x64xf32>, vector<256x64xf32> -> vector<256x64xf32>
    %get3A_16 = arith.constant 0 : index
    %get3A_17 = arith.constant 0 : index
    %get3A_18 = arith.constant 0 : index
    %get3A_19 = vector.load %arg2[%get3A_16, %get3A_17, %get3A_18] : memref<1x8x64xf32, #tpu.memory_space<vmem>>, vector<1x1x64xf32>
    %get3A_20 = vector.shape_cast %get3A_19 : vector<1x1x64xf32> to vector<1x64xf32>
    %add3A_21 = vector.broadcast %get3A_20 : vector<1x64xf32> to vector<256x64xf32>
    %add3A_22 = arith.addf %add3A_21, %dot_general3A_15 : vector<256x64xf32>
    %mul3A = arith.mulf %add3A_22, %convert_element_type3A_6 : vector<256x64xf32>
    %reduce_sum3A = arith.constant dense<0.000000e+00> : vector<256xf32>
    %reduce_sum3A_23 = vector.multi_reduction <add>, %mul3A, %reduce_sum3A [1] : vector<256x64xf32> to vector<256xf32>
    %broadcast_in_dim3A = vector.shape_cast %reduce_sum3A_23 : vector<256xf32> to vector<256x1xf32>
    %mul3A_24 = arith.mulf %add3A_22, %convert_element_type3A_10 : vector<256x64xf32>
    %reduce_sum3A_25 = arith.constant dense<0.000000e+00> : vector<256xf32>
    %reduce_sum3A_26 = vector.multi_reduction <add>, %mul3A_24, %reduce_sum3A_25 [1] : vector<256x64xf32> to vector<256xf32>
    %broadcast_in_dim3A_27 = vector.shape_cast %reduce_sum3A_26 : vector<256xf32> to vector<256x1xf32>
    %eq3A_28 = arith.cmpi eq, %get3A_1, %get3A_4 : vector<256x1xi32>
    %convert_element_type3A_29 = arith.extui %eq3A_28 : vector<256x1xi1> to vector<256x1xi32>
    %convert_element_type3A_30 = arith.sitofp %convert_element_type3A_29 : vector<256x1xi32> to vector<256x1xf32>
    %add3A_31 = arith.addf %broadcast_in_dim3A_27, %convert_element_type3A_30 : vector<256x1xf32>
    %concatenate3A = tpu.concatenate %broadcast_in_dim3A, %add3A_31 in 1 : vector<256x1xf32>, vector<256x1xf32> -> vector<256x2xf32>
    %convert_element_type3A_32 = arith.fptosi %concatenate3A : vector<256x2xf32> to vector<256x2xi32>
    %swap3A = arith.constant 0 : index
    %swap3A_33 = arith.constant 0 : index
    %swap3A_34 = vector.load %arg3[%swap3A, %swap3A_33] : memref<256x2xi32, #tpu.memory_space<vmem>>, vector<256x2xi32>
    tpu.vector_store %arg3[%swap3A, %swap3A_33], %convert_element_type3A_32 {strides = array<i32>} : memref<256x2xi32, #tpu.memory_space<vmem>>, vector<256x2xi32>,
    return
  }
  func.func @transform_0(%arg0: i32) -> (i32, i32) {
    %c0_i32 = arith.constant 0 : i32
    %c0_i32_0 = arith.constant 0 : i32
    return %arg0, %c0_i32 : i32, i32
  }
  func.func @transform_1(%arg0: i32) -> (i32, i32, i32) {
    %c0_i32 = arith.constant 0 : i32
    %c0_i32_0 = arith.constant 0 : i32
    %c0_i32_1 = arith.constant 0 : i32
    return %arg0, %c0_i32, %c0_i32_0 : i32, i32, i32
  }
  func.func @transform_2(%arg0: i32) -> (i32, i32) {
    %c0_i32 = arith.constant 0 : i32
    %c0_i32_0 = arith.constant 0 : i32
    return %arg0, %c0_i32 : i32, i32
  }
}

module attributes {stable_mosaic.version = 14 : i64} {
  func.func @_ffn_body(%arg0: i32, %arg1: memref<128xi32, #tpu.memory_space<smem>>, %arg2: memref<128xi32, #tpu.memory_space<smem>>, %arg3: memref<128x1024xf32, #tpu.memory_space<vmem>>, %arg4: memref<1x2048x1024xf32, #tpu.memory_space<vmem>>, %arg5: memref<1x2048x1024xf32, #tpu.memory_space<vmem>>, %arg6: memref<1x1024x2048xf32, #tpu.memory_space<vmem>>, %arg7: memref<1x128x1xf32, #tpu.memory_space<vmem>>, %arg8: memref<128x1024xf32, #tpu.memory_space<vmem>>) attributes {dimension_semantics = [#tpu.dimension_semantics<arbitrary>], iteration_bounds = array<i64: 128>, scalar_prefetch = 2 : i64, scratch_operands = 0 : i64, tpu.core_type = #tpu.core_type<tc>, window_params = [{transform_indices = @transform_0, window_bounds = array<i64: 128, 1024>}, {transform_indices = @transform_1, window_bounds = array<i64: 1, 2048, 1024>}, {transform_indices = @transform_2, window_bounds = array<i64: 1, 2048, 1024>}, {transform_indices = @transform_3, window_bounds = array<i64: 1, 1024, 2048>}, {transform_indices = @transform_4, window_bounds = array<i64: 1, 128, 1>}, {transform_indices = @transform_5, window_bounds = array<i64: 128, 1024>}]} {
    %get3A = arith.index_cast %arg0 : i32 to index
    %get3A_0 = memref.load %arg2[%get3A] : memref<128xi32, #tpu.memory_space<smem>>
    %eq3A = arith.constant 1 : i32
    %eq3A_1 = arith.cmpi eq, %get3A_0, %eq3A : i32
    %convert_element_type3A = arith.extui %eq3A_1 : i1 to i32
    %cond3A = arith.constant 0 : i32
    %cond3A_2 = arith.cmpi ne, %convert_element_type3A, %cond3A : i32
    scf.if %cond3A_2 {
      %get3A_3 = arith.constant 0 : index
      %get3A_4 = arith.constant 0 : index
      %get3A_5 = vector.load %arg3[%get3A_3, %get3A_4] : memref<128x1024xf32, #tpu.memory_space<vmem>>, vector<128x1024xf32>
      %get3A_6 = arith.constant 0 : index
      %get3A_7 = arith.constant 0 : index
      %get3A_8 = arith.constant 0 : index
      %get3A_9 = vector.load %arg4[%get3A_6, %get3A_7, %get3A_8] : memref<1x2048x1024xf32, #tpu.memory_space<vmem>>, vector<1x2048x1024xf32>
      %get3A_10 = vector.shape_cast %get3A_9 : vector<1x2048x1024xf32> to vector<2048x1024xf32>
      %dot_general3A = arith.constant dense<0.000000e+00> : vector<128x2048xf32>
      %dot_general3A_11 = tpu.matmul %get3A_5, %get3A_10, %dot_general3A {dimension_numbers = #tpu.dot_dimension_numbers<[1], [1], [0], [0], [0, 0, 1, 0], [], []>, transpose_lhs_hint = false} : vector<128x1024xf32>, vector<2048x1024xf32>, vector<128x2048xf32> -> vector<128x2048xf32>
      %get3A_12 = arith.constant 0 : index
      %get3A_13 = arith.constant 0 : index
      %get3A_14 = arith.constant 0 : index
      %get3A_15 = vector.load %arg5[%get3A_12, %get3A_13, %get3A_14] : memref<1x2048x1024xf32, #tpu.memory_space<vmem>>, vector<1x2048x1024xf32>
      %get3A_16 = vector.shape_cast %get3A_15 : vector<1x2048x1024xf32> to vector<2048x1024xf32>
      %dot_general3A_17 = arith.constant dense<0.000000e+00> : vector<128x2048xf32>
      %dot_general3A_18 = tpu.matmul %get3A_5, %get3A_16, %dot_general3A_17 {dimension_numbers = #tpu.dot_dimension_numbers<[1], [1], [0], [0], [0, 0, 1, 0], [], []>, transpose_lhs_hint = false} : vector<128x1024xf32>, vector<2048x1024xf32>, vector<128x2048xf32> -> vector<128x2048xf32>
      %neg3A = arith.constant 0.000000e+00 : f32
      %neg3A_19 = vector.broadcast %neg3A : f32 to vector<128x2048xf32>
      %neg3A_20 = arith.subf %neg3A_19, %dot_general3A_11 : vector<128x2048xf32>
      %exp3A = math.exp %neg3A_20 : vector<128x2048xf32>
      %add3A = arith.constant 1.000000e+00 : f32
      %add3A_21 = vector.broadcast %add3A : f32 to vector<128x2048xf32>
      %add3A_22 = arith.addf %add3A_21, %exp3A : vector<128x2048xf32>
      %div3A = arith.divf %dot_general3A_11, %add3A_22 : vector<128x2048xf32>
      %mul3A = arith.mulf %div3A, %dot_general3A_18 : vector<128x2048xf32>
      %get3A_23 = arith.constant 0 : index
      %get3A_24 = arith.constant 0 : index
      %get3A_25 = arith.constant 0 : index
      %get3A_26 = vector.load %arg6[%get3A_23, %get3A_24, %get3A_25] : memref<1x1024x2048xf32, #tpu.memory_space<vmem>>, vector<1x1024x2048xf32>
      %get3A_27 = vector.shape_cast %get3A_26 : vector<1x1024x2048xf32> to vector<1024x2048xf32>
      %dot_general3A_28 = arith.constant dense<0.000000e+00> : vector<128x1024xf32>
      %dot_general3A_29 = tpu.matmul %mul3A, %get3A_27, %dot_general3A_28 {dimension_numbers = #tpu.dot_dimension_numbers<[1], [1], [0], [0], [0, 0, 1, 0], [], []>, transpose_lhs_hint = false} : vector<128x2048xf32>, vector<1024x2048xf32>, vector<128x1024xf32> -> vector<128x1024xf32>
      %get3A_30 = arith.constant 0 : index
      %get3A_31 = arith.constant 0 : index
      %get3A_32 = arith.constant 0 : index
      %get3A_33 = vector.load %arg7[%get3A_30, %get3A_31, %get3A_32] : memref<1x128x1xf32, #tpu.memory_space<vmem>>, vector<1x128x1xf32>
      %get3A_34 = vector.shape_cast %get3A_33 : vector<1x128x1xf32> to vector<128x1xf32>
      %mul3A_35 = vector.broadcast %get3A_34 : vector<128x1xf32> to vector<128x1024xf32>
      %mul3A_36 = arith.mulf %dot_general3A_29, %mul3A_35 : vector<128x1024xf32>
      %swap3A = arith.constant 0 : index
      %swap3A_37 = arith.constant 0 : index
      %swap3A_38 = vector.load %arg8[%swap3A, %swap3A_37] : memref<128x1024xf32, #tpu.memory_space<vmem>>, vector<128x1024xf32>
      tpu.vector_store %arg8[%swap3A, %swap3A_37], %mul3A_36 {strides = array<i32>} : memref<128x1024xf32, #tpu.memory_space<vmem>>, vector<128x1024xf32>,
    } else {
    }
    return
  }
  func.func @transform_0(%arg0: i32, %arg1: memref<128xi32, #tpu.memory_space<smem>>, %arg2: memref<128xi32, #tpu.memory_space<smem>>) -> (i32, i32) {
    %c0_i32 = arith.constant 0 : i32
    %c0_i32_0 = arith.constant 0 : i32
    return %arg0, %c0_i32 : i32, i32
  }
  func.func @transform_1(%arg0: i32, %arg1: memref<128xi32, #tpu.memory_space<smem>>, %arg2: memref<128xi32, #tpu.memory_space<smem>>) -> (i32, i32, i32) {
    %get3A = arith.index_cast %arg0 : i32 to index
    %get3A_0 = memref.load %arg1[%get3A] : memref<128xi32, #tpu.memory_space<smem>>
    %c0_i32 = arith.constant 0 : i32
    %c0_i32_1 = arith.constant 0 : i32
    %c0_i32_2 = arith.constant 0 : i32
    return %get3A_0, %c0_i32, %c0_i32_1 : i32, i32, i32
  }
  func.func @transform_2(%arg0: i32, %arg1: memref<128xi32, #tpu.memory_space<smem>>, %arg2: memref<128xi32, #tpu.memory_space<smem>>) -> (i32, i32, i32) {
    %get3A = arith.index_cast %arg0 : i32 to index
    %get3A_0 = memref.load %arg1[%get3A] : memref<128xi32, #tpu.memory_space<smem>>
    %c0_i32 = arith.constant 0 : i32
    %c0_i32_1 = arith.constant 0 : i32
    %c0_i32_2 = arith.constant 0 : i32
    return %get3A_0, %c0_i32, %c0_i32_1 : i32, i32, i32
  }
  func.func @transform_3(%arg0: i32, %arg1: memref<128xi32, #tpu.memory_space<smem>>, %arg2: memref<128xi32, #tpu.memory_space<smem>>) -> (i32, i32, i32) {
    %get3A = arith.index_cast %arg0 : i32 to index
    %get3A_0 = memref.load %arg1[%get3A] : memref<128xi32, #tpu.memory_space<smem>>
    %c0_i32 = arith.constant 0 : i32
    %c0_i32_1 = arith.constant 0 : i32
    %c0_i32_2 = arith.constant 0 : i32
    return %get3A_0, %c0_i32, %c0_i32_1 : i32, i32, i32
  }
  func.func @transform_4(%arg0: i32, %arg1: memref<128xi32, #tpu.memory_space<smem>>, %arg2: memref<128xi32, #tpu.memory_space<smem>>) -> (i32, i32, i32) {
    %c0_i32 = arith.constant 0 : i32
    %c0_i32_0 = arith.constant 0 : i32
    %c0_i32_1 = arith.constant 0 : i32
    return %arg0, %c0_i32, %c0_i32_0 : i32, i32, i32
  }
  func.func @transform_5(%arg0: i32, %arg1: memref<128xi32, #tpu.memory_space<smem>>, %arg2: memref<128xi32, #tpu.memory_space<smem>>) -> (i32, i32) {
    %add3A = arith.constant 0 : i32
    %add3A_0 = arith.addi %arg0, %add3A : i32
    %c0_i32 = arith.constant 0 : i32
    %c0_i32_1 = arith.constant 0 : i32
    return %add3A_0, %c0_i32 : i32, i32
  }
}

</mosaic_0001>

<sc_bundles>
// kernel: kernel.10.cloned.1.call-start
scs
__scs_entry_jumppad:
0x0: {  	(pc) =	sbr.rel $0x88, $3  }
0x1: {  	(tag) =	ssettag $0x0;
	lr =	simm.s32 $0x1  }
0x2: {  	[smem:$0x3F9C] =	sst lr;
	_ =	strace $0xD0000000  }
0x3: {  	_ = 	snop  }
0x4: {  	_ = 	snop  }
0x5: {  	_ = 	snop  }
0x6: {  	_ = 	snop  }
0x7: {  	_ = 	snop  }
__scs_overlays_trampoline_lowered:
0x8: {  	[smem:$0x3FAB] =	sst s0  }
0x9: {  	[smem:$0x3FAC] =	sst s1  }
0xa: {  	[smem:$0x3FAD] =	sst s2  }
0xb: {  	[smem:$0x3FAE] =	sst s3  }
0xc: {  	[smem:$0x3FAF] =	sst s4  }
0xd: {  	[smem:$0x3FB0] =	sst s5  }
0xe: {  	[smem:$0x3FB1] =	sst s6  }
0xf: {  	[smem:$0x3FB2] =	sst s7  }
0x10: {  	[smem:$0x3FB3] =	sst s8  }
0x11: {  	[smem:$0x3FB4] =	sst s9;
	s0 =	simm.s32 @!p0 $0x0  }
0x12: {  	s1 =	sld [smem:$0x3F9A];
	s0 =	simm.s32 @p0 $0x1  }
0x13: {  	[smem:$0x3FB5] =	sst s0;
	s0 =	simm.s32 @!p1 $0x0  }
0x14: {  	s2 =	sld [smem:$0x3F99];
	s0 =	simm.s32 @p1 $0x1  }
0x15: {  	[smem:$0x3FB6] =	sst s0;
	s0 =	simm.s32 @!p2 $0x0  }
0x16: {  	s3 =	sld [smem:$0x3FDB];
	s0 =	simm.s32 @p2 $0x1  }
0x17: {  	s4 =	simm.s32 $0x1BF5;
	[smem:$0x3FB8] =	sst s0  }
0x18: {  	s0 =	sld [smem:$0x3F9B];
	_ =	swait.ge [sflag:s4], $0x0  }
0x19: {  	s7 =	sld [smem:$0x3F9C]  }
0x1a: {  	s8 =	sadd.s32 $0xFFFFE003, lr  }
0x1b: {  	s9 =	sadd.s32 $0xFFFFFEF7, lr;
	s5 =	simm.s32 $0xFFFFFFFF;
	p2 =	slt.u32 s8, $0xFFFFF086  }
0x1c: {  	p1 =	slt.u32 s9, $0xF7A;
	s5 =	simm.s32 @!p2 $0x0  }
0x1d: {  	s5 =	simm.s32 @p1 $0x1;
	p0 =	seq.s32 s7, s2  }
0x1e: {  	s7 =	smul.u32 @!p0 $0xF7A, s2;
	p2 =	seq.s32 @!p0 s5, $0x0  }
0x1f: {  	s9 =	smul.u32 $0xF7A, s1;
	s8 =	simm.s32 @!p0 $0x1BF5;
	p2 =	por !p2, p0  }
0x20: {  	[sflag:s8] =	ssyncset.s32 @!p0 $0xFFFFF086;
	s6 =	sadd.s32 @!p0 s3, s7;
	s7 =	simm.s32 @!p0 $0x108  }
0x21: {  	s3 =	sadd.s32 s3, s9;
	s6 =	sadd.s32 @!p0 $0x88, s6;
	s7 =	simm.s32 @p2 $0x1082  }
0x22: {  	[simem:s7], [sflag:s8] =	dma.local @!p0 [hbm:s6], $0xF7A  }
0x23: {  	s9 =	sor.u32 $0xD0000000, s2;
	s6 =	simm.s32 $0x108;
	_ =	swait.ge @!p0 [sflag:s8], $0x0  }
0x24: {  	s3 =	sadd.s32 $0x88, s3;
	s6 =	simm.s32 @!p1 $0x1082;
	[sflag:s4] =	ssyncset.s32 $0xFFFFF086  }
0x25: {  	[simem:s6], [sflag:s4] =	dma.local [hbm:s3], $0xF7A  }
0x26: {  	[smem:$0x3F9C] =	sst s1;
	(tag) =	ssettag s2;
	_ =	strace s9  }
0x27: {  	s1 =	sld [smem:$0x3FAC]  }
0x28: {  	s2 =	sld [smem:$0x3FAD]  }
0x29: {  	s4 =	sld [smem:$0x3FAF]  }
0x2a: {  	p0 =	seq.s32 s5, $0x0;
	s5 =	sld [smem:$0x3FB0]  }
0x2b: {  	s6 =	sld [smem:$0x3FB1]  }
0x2c: {  	s7 =	sld [smem:$0x3FB2]  }
0x2d: {  	s3 =	simm.s32 $0x108;
	s8 =	sld [smem:$0x3FB3]  }
0x2e: {  	s3 =	simm.s32 @!p0 $0x1082;
	s9 =	sld [smem:$0x3FB4]  }
0x2f: {  	lr =	sadd.s32 s0, s3;
	s0 =	sld [smem:$0x3FAB]  }
0x30: {  	s3 =	sld [smem:$0x3FAE]  }
0x31: {  	[smem:$0x3FB7] =	sst s10  }
0x32: {  	s10 =	sld [smem:$0x3FB5];
	_ =	sdelay $0x3  }
0x33: {  	p0 =	seq.s32 s10, $0x1;
	s10 =	sld [smem:$0x3FB7];
	_ =	sdelay $0x3  }
0x34: {  	[smem:$0x3FB7] =	sst s10  }
0x35: {  	s10 =	sld [smem:$0x3FB6];
	_ =	sdelay $0x3  }
0x36: {  	p1 =	seq.s32 s10, $0x1;
	s10 =	sld [smem:$0x3FB7];
	_ =	sdelay $0x3  }
0x37: {  	[smem:$0x3FB7] =	sst s10  }
0x38: {  	s10 =	sld [smem:$0x3FB8]  }
0x39: {  	_ = 	snop;
	(pc) =	sbr.ind lr, $3  }
0x3a: {  	_ = 	snop  }
0x3b: {  	_ = 	snop  }
0x3c: {  	p2 =	seq.s32 s10, $0x1;
	s10 =	sld [smem:$0x3FB7]  }
0x3d: {  	_ =	shalt  }
0x3e: {  	_ =	shalt  }
0x3f: {  	_ =	shalt  }
0x40: {  	_ =	shalt  }
0x41: {  	_ =	shalt  }
0x42: {  	_ =	shalt  }
0x43: {  	_ =	shalt  }
0x44: {  	_ =	shalt  }
0x45: {  	_ =	shalt  }
0x46: {  	_ =	shalt  }
0x47: {  	_ =	shalt  }
0x48: {  	_ =	shalt  }
0x49: {  	_ =	shalt  }
0x4a: {  	_ =	shalt  }
0x4b: {  	_ =	shalt  }
0x4c: {  	_ =	shalt  }
0x4d: {  	_ =	shalt  }
0x4e: {  	_ =	shalt  }
0x4f: {  	_ =	shalt  }
0x50: {  	_ =	shalt  }
0x51: {  	_ =	shalt  }
0x52: {  	_ =	shalt  }
0x53: {  	_ =	shalt  }
0x54: {  	_ =	shalt  }
0x55: {  	_ =	shalt  }
0x56: {  	_ =	shalt  }
0x57: {  	_ =	shalt  }
0x58: {  	_ =	shalt  }
0x59: {  	_ =	shalt  }
0x5a: {  	_ =	shalt  }
0x5b: {  	_ =	shalt  }
0x5c: {  	_ =	shalt  }
0x5d: {  	_ =	shalt  }
0x5e: {  	_ =	shalt  }
0x5f: {  	_ =	shalt  }
0x60: {  	_ =	shalt  }
0x61: {  	_ =	shalt  }
0x62: {  	_ =	shalt  }
0x63: {  	_ =	shalt  }
0x64: {  	_ =	shalt  }
0x65: {  	_ =	shalt  }
0x66: {  	_ =	shalt  }
0x67: {  	_ =	shalt  }
0x68: {  	_ =	shalt  }
0x69: {  	_ =	shalt  }
0x6a: {  	_ =	shalt  }
0x6b: {  	_ =	shalt  }
0x6c: {  	_ =	shalt  }
0x6d: {  	_ =	shalt  }
0x6e: {  	_ =	shalt  }
0x6f: {  	_ =	shalt  }
0x70: {  	_ =	shalt  }
0x71: {  	_ =	shalt  }
0x72: {  	_ =	shalt  }
0x73: {  	_ =	shalt  }
0x74: {  	_ =	shalt  }
0x75: {  	_ =	shalt  }
0x76: {  	_ =	shalt  }
0x77: {  	_ =	shalt  }
0x78: {  	_ =	shalt  }
0x79: {  	_ =	shalt  }
0x7a: {  	_ =	shalt  }
0x7b: {  	_ =	shalt  }
0x7c: {  	_ =	shalt  }
0x7d: {  	_ =	shalt  }
0x7e: {  	_ =	shalt  }
0x7f: {  	_ =	shalt  }
0x80: {  	_ =	shalt  }
0x81: {  	_ =	shalt  }
0x82: {  	_ =	shalt  }
0x83: {  	_ =	shalt  }
0x84: {  	_ =	shalt  }
0x85: {  	_ =	shalt  }
0x86: {  	_ =	shalt  }
0x87: {  	_ =	shalt  }
.Lfunc_end0:
.L_simem_size_0:
called_computation.1_lowered:
.L_overlay_start_0:
0x88: {  	s2 =	sld [smem:$0x3FD9]  }
0x89: {  	s3 =	sld [smem:$0x3FFE];
	_ =	sdelay $0x1  }
0x8a: {  	s1 =	srdreg.scid  }
0x8b: {  	s0 =	sand.u32 $0x1, s1  }
0x8c: {  	s17 =	sshll.u32 s0, $0xA;
	s2 =	sadd.s32 s3, s2  }
0x8d: {  	s2 =	sadd.s32 s2, s17  }
0x8e: {  	[smem:$0x3FC3] =	sst s2  }
0x8f: {  	_ = 	snop  }
0x90: {  	s2 =	sld [smem:$0x3FD0];
	(tm) =	ssettm $0x1  }
0x91: {  	s18 =	sld [smem:$0x3FFB];
	_ =	sdelay $0x3  }
0x92: {  	_ =	strace s18  }
0x93: {  	s3 =	sld [smem:$0x3FFC];
	_ =	sdelay $0x3  }
0x94: {  	_ =	strace s3  }
0x95: {  	s3 =	sld [smem:$0x3FFD];
	_ =	sdelay $0x3  }
0x96: {  	_ =	strace s3  }
0x97: {  	_ =	strace $0x8FFFFFFF  }
0x98: {  	s19 =	sld [smem:$0x3FDB];
	_ =	sdelay $0x1  }
0x99: {  	s4 =	simm.s32 $_scs_section_size  }
0x9a: {  	s5 =	simm.s32 $_size__tile_overlayer_lowered;
	s6 =	simm.s32 $_tile_overlayer_lowered  }
0x9b: {  	s22 =	simm.s32 $0x1BFF;
	s21 =	sshll.u32 s6, $0x1;
	s3 =	sadd.s32 s4, s19  }
0x9c: {  	s7 =	simm.s32 $0x0;
	s20 =	sshll.u32 s5, $0x1;
	s5 =	sadd.s32 s21, s3  }
0x9d: {  	[timem:s7], [sflag:s22] =	dma.local [hbm:s5], s20  }
0x9e: {  	_ =	swait.ge [sflag:s22], s20  }
0x9f: {  	s4 =	ssub.s32 $0x0, s20;
	[sflag:s22] =	ssyncset.done $0x0  }
0xa0: {  	[sflag:s22] =	ssyncadd.s32 s4;
	_ =	sdelay $0x1  }
0xa1: {  	s23 =	simm.s32 $0x1B8B  }
0xa2: {  	_ =	swait.ge [sflag:s23], $0x1  }
0xa3: {  	[sflag:s23] =	ssyncset.done $0x0  }
0xa4: {  	s25 =	simm.s32 $0x1B8E;
	s24 =	sld [smem:$0x3FFE];
	[sflag:s23] =	ssyncadd.s32 $0xFFFFFFFF  }
0xa5: {  	s26 =	simm.s32 $execute0_lowered;
	[smem:$0x3FD2] =	sst s25  }
0xa6: {  	s5 =	sshll.u32 s26, $0x1;
	_ =	strace $0x80000049;
	[dreg:$0x1] =	wrdreg $0xFFFFFFFF  }
0xa7: {  	s28 =	simm.s32 $_size_execute0_lowered;
	s3 =	sadd.s32 s3, s5;
	[dreg:$0x0] =	wrdreg $0x0  }
0xa8: {  	s5 =	sshll.u32 s28, $0x1;
	[dreg:$0x2] =	wrdreg s3  }
0xa9: {  	[dreg:$0x3] =	wrdreg s5  }
0xaa: {  	[dreg:$0x4] =	wrdreg $0xC0  }
0xab: {  	_ =	task [dreg:s7], $0x5FFFF  }
0xac: {  	[dreg:$0x1] =	wrdreg $0xFFFFFFFF  }
0xad: {  	[dreg:$0x0] =	wrdreg $0x60  }
0xae: {  	[dreg:$0x2] =	wrdreg s24  }
0xaf: {  	[dreg:$0x3] =	wrdreg s2  }
0xb0: {  	[dreg:$0x4] =	wrdreg $0x9  }
0xb1: {  	_ =	task.clear_ibuf [dreg:s7], $0x5FFFF;
	_ =	strace $0x90000049  }
0xb2: {  	s29 =	simm.s32 $0x9;
	_ =	strace $0x8000004B  }
0xb3: {  	_ =	swait.ge [sflag:s29], $0x1  }
0xb4: {  	[sflag:s29] =	ssyncadd.s32 $0xFFFFFFFF  }
0xb5: {  	_ =	strace $0x9000004B  }
0xb6: {  	_ =	sfence  }
0xb7: {  	s30 =	sld [smem:$0x0];
	_ =	sdelay $0x2  }
0xb8: {  	s31 =	sshll.u32 s1, $0xD;
	s1 =	sshrl.u32 s1, $0x2  }
0xb9: {  	s3 =	sand.u32 $0x4000, s31;
	s1 =	sadd.s32 s1, s30  }
0xba: {  	s0 =	sor.u32 s3, s0;
	s1 =	sshll.u32 s1, $0x11  }
0xbb: {  	s0 =	sor.u32 s1, s0  }
0xbc: {  	s0 =	sadd.s32 $0x8F2B, s0  }
0xbd: {  	[sflag:s0] =	ssyncadd.remote.s32 $0x1  }
0xbe: {  	_ =	sfence.sel $0xFFFF  }
0xbf: {  	[dreg:$0x0] =	wrdreg $0xFFFFFFFF;
	(pc) =	sbr.abs _section_cstart, $3  }
0xc0: {  	[dreg:$0x1] =	wrdreg $0xFFFFFFFF  }
0xc1: {  	_ =	task.clear_ibuf [dreg:s7], $0x2FFFF;
	_ =	strace $0x9FFFFFFF  }
0xc2: {  	(tm) =	ssettm $0x7FFFFFFF  }
0xc3: {  	_ =	shalt  }
tec
execute0_lowered:
.L_overlay_start_1:
0x0: {  	(tag) =	ssettag $0x1  }
0x1: {  	s0 =	rddreg [dreg:$0x0]  }
0x2: {  	s1 =	rddreg [dreg:$0x1];
	s3 =	srdreg.scid  }
0x3: {  	s5 =	stileid.u32;
	s2 =	simm.s32 $0x0;
	s18 =	simm.s32 $0x3  }
0x4: {  	s10 =	simm.s32 $0x1;
	s11 =	simm.s32 $0x8800;
	s15 =	simm.s32 $0xA800  }
0x5: {  	s16 =	simm.s32 $0xB000;
	s17 =	simm.s32 $0xB800;
	s9 =	simm.s32 $0xC000  }
0x6: {  	s28 =	simm.s32 $0xF800;
	s4 =	sand.u32 $0x1, s3;
	s19 =	sshll.u32 s5, $0x1  }
0x7: {  	s29 =	simm.s32 $0x10000;
	s30 =	simm.s32 $0x2;
	s5 =	sor.u32 s4, s19  }
0x8: {  	s31 =	simm.s32 $0x0;
	s6 =	sshll.u32 s5, $0x7;
	s5 =	sshll.u32 s5, $0xE  }
0x9: {  	[smem:$0x7FF] =	sst s2;
	s6 =	sadd.s32 s6, s0;
	s20 =	sadd.s32 s1, s5  }
0xa: {  	_ =	strace $0x8000004A;
	s8 =	sadd.s32 $0x201200, s6;
	[dreg:$0x5] =	wrdreg s20  }
0xb: {  	s3 =	sadd.s32 $0x203400, s0;
	s6 =	sadd.s32 $0x202200, s6;
	[dreg:$0x3] =	wrdreg s8  }
0xc: {  	s4 =	ssub.s32 $0x2, s4;
	s1 =	sadd.s32 $0x800, s20;
	[dreg:$0x4] =	wrdreg s6  }
0xd: {  	s7 =	sshrl.u32 s4, $0x1;
	s21 =	sadd.s32 $0x1000, s20;
	[dreg:$0x6] =	wrdreg s1  }
0xe: {  	s4 =	ssub.s32 s4, s7;
	s22 =	sadd.s32 $0x1800, s20;
	[dreg:$0x7] =	wrdreg s21  }
0xf: {  	s7 =	sadd.s32 $0x203600, s0;
	s23 =	sadd.s32 $0x2000, s20;
	[dreg:$0x8] =	wrdreg s22  }
0x10: {  	s24 =	sadd.s32 $0x2800, s20;
	s25 =	sadd.s32 $0x3000, s20;
	[dreg:$0x9] =	wrdreg s23  }
0x11: {  	s26 =	smax.u32 s4, $0x1;
	s6 =	sadd.s32 $0x203500, s0;
	[dreg:$0xa] =	wrdreg s24  }
0x12: {  	s8 =	sadd.s32 $0x203700, s0;
	[dreg:$0xb] =	wrdreg s25;
	s0 =	sadd.s32 $0x3800, s20  }
0x13: {  	v2 =	vlaneseq.u32;
	[dreg:$0xd] =	wrdreg s26;
	s20 =	simm.s32 $0x800;
	s21 =	simm.s32 $0xC800  }
0x14: {  	vm0 =	vmmov $0xffff;
	v1 =	vshrl.u32 v2, $0x3;
	s22 =	simm.s32 $0xD000;
	s23 =	simm.s32 $0xD800;
	s24 =	simm.s32 $0xE000  }
0x15: {  	v0 =	vand.u32 $0x7, v2;
	v2 =	vor.u32 $0x8, v2;
	v1 =	vmul.u32 $0x8, v1;
	s25 =	simm.s32 $0xE800;
	s26 =	simm.s32 $0xF000;
	[dreg:$0xc] =	wrdreg s0  }
.LBB2_1:
0x16: {  	s0 =	rddreg [dreg:$0x3]  }
0x17: {  	[tilespmem:s2], [sflag:$0x3] =	stream.linear.gather [hbm4b:s0+s2], $0x400, $0x38;
	[tilespmem:$0x10800] =	vst v63  }
0x18: {  	_ =	swait.ge [sflag:s18], $0x400  }
0x19: {  	[sflag:s18] =	ssyncset.done $0x0  }
0x1a: {  	s1 =	simm.s32 $0x400;
	s5 =	rddreg [dreg:$0x4];
	[sflag:s18] =	ssyncadd.s32 $0xFFFFFC00  }
0x1b: {  	[tilespmem:s1], [sflag:$0x3] =	stream.linear.gather [hbm4b:s5+s2], $0x400, $0x38;
	[tilespmem:$0x10800] =	vst v63  }
0x1c: {  	_ =	swait.ge [sflag:s18], $0x400  }
0x1d: {  	[sflag:s18] =	ssyncset.done $0x0  }
0x1e: {  	[sflag:s18] =	ssyncadd.s32 $0xFFFFFC00  }
0x1f: {  	v3 =	vld [tilespmem:$0x0];
	_ =	sdelay $0x4  }
0x20: {  	v4 =	vshll.u32 v3, $0x3  }
0x21: {  	v3 =	vand.u32 $0x7, v3;
	v4 =	vand.u32 $0xFFFFFFC0, v4  }
0x22: {  	v3 =	vor.u32 v3, v4  }
0x23: {  	v4 =	vperm.xlane v3, v0;
	_ =	sdelay $0x1  }
0x24: {  	v4 =	vadd.s32 v1, v4;
	_ =	sdelay $0x4  }
0x25: {  	[tilespmem:s20], [sflag:$0x1] =	stream.indirect_vreg.gather [hbm4b:s3+s2], $0x80, v4, vm0, $0xb8;
	[tilespmem:$0x10800] =	vst v63  }
0x26: {  	s12 =	simm.s32 $0x1000;
	v3 =	vperm.xlane v3, v2  }
0x27: {  	[tilespmem:s12], [sflag:$0x1] =	stream.indirect_vreg.gather [hbm4b:s6+s2], $0x80, v4, vm0, $0xb8;
	[tilespmem:$0x10800] =	vst v63  }
0x28: {  	s13 =	simm.s32 $0x1800;
	v3 =	vadd.s32 v1, v3  }
0x29: {  	[tilespmem:s13], [sflag:$0x1] =	stream.indirect_vreg.gather [hbm4b:s7+s2], $0x80, v4, vm0, $0xb8;
	[tilespmem:$0x10800] =	vst v63  }
0x2a: {  	s14 =	simm.s32 $0x2000  }
0x2b: {  	[tilespmem:s14], [sflag:$0x1] =	stream.indirect_vreg.gather [hbm4b:s8+s2], $0x80, v4, vm0, $0xb8;
	[tilespmem:$0x10800] =	vst v63  }
0x2c: {  	s19 =	simm.s32 $0x2800  }
0x2d: {  	[tilespmem:s19], [sflag:$0x1] =	stream.indirect_vreg.gather [hbm4b:s3+s2], $0x80, v3, vm0, $0xb8;
	[tilespmem:$0x10800] =	vst v63  }
0x2e: {  	s1 =	simm.s32 $0x3000  }
0x2f: {  	[tilespmem:s1], [sflag:$0x1] =	stream.indirect_vreg.gather [hbm4b:s6+s2], $0x80, v3, vm0, $0xb8;
	[tilespmem:$0x10800] =	vst v63  }
0x30: {  	s4 =	simm.s32 $0x3800  }
0x31: {  	[tilespmem:s4], [sflag:$0x1] =	stream.indirect_vreg.gather [hbm4b:s7+s2], $0x80, v3, vm0, $0xb8;
	[tilespmem:$0x10800] =	vst v63  }
0x32: {  	s5 =	simm.s32 $0x4000  }
0x33: {  	[tilespmem:s5], [sflag:$0x1] =	stream.indirect_vreg.gather [hbm4b:s8+s2], $0x80, v3, vm0, $0xb8;
	[tilespmem:$0x10800] =	vst v63  }
0x34: {  	v3 =	vld [tilespmem:$0x400];
	_ =	sdelay $0x4  }
0x35: {  	v61 =	vshll.u32 v3, $0x3  }
0x36: {  	v3 =	vand.u32 $0x7, v3;
	v4 =	vand.u32 $0xFFFFFFC0, v61  }
0x37: {  	v3 =	vor.u32 v3, v4  }
0x38: {  	v4 =	vperm.xlane v3, v0;
	_ =	sdelay $0x1  }
0x39: {  	v4 =	vadd.s32 v1, v4;
	_ =	sdelay $0x3  }
0x3a: {  	s12 =	simm.s32 $0x4800  }
0x3b: {  	[tilespmem:s12], [sflag:$0x1] =	stream.indirect_vreg.gather [hbm4b:s3+s2], $0x80, v4, vm0, $0xb8;
	[tilespmem:$0x10800] =	vst v63  }
0x3c: {  	s13 =	simm.s32 $0x5000;
	v3 =	vperm.xlane v3, v2  }
0x3d: {  	[tilespmem:s13], [sflag:$0x1] =	stream.indirect_vreg.gather [hbm4b:s6+s2], $0x80, v4, vm0, $0xb8;
	[tilespmem:$0x10800] =	vst v63  }
0x3e: {  	s14 =	simm.s32 $0x5800;
	v3 =	vadd.s32 v1, v3  }
0x3f: {  	[tilespmem:s14], [sflag:$0x1] =	stream.indirect_vreg.gather [hbm4b:s7+s2], $0x80, v4, vm0, $0xb8;
	[tilespmem:$0x10800] =	vst v63  }
0x40: {  	s19 =	simm.s32 $0x6000  }
0x41: {  	[tilespmem:s19], [sflag:$0x1] =	stream.indirect_vreg.gather [hbm4b:s8+s2], $0x80, v4, vm0, $0xb8;
	[tilespmem:$0x10800] =	vst v63  }
0x42: {  	s1 =	simm.s32 $0x6800  }
0x43: {  	[tilespmem:s1], [sflag:$0x1] =	stream.indirect_vreg.gather [hbm4b:s3+s2], $0x80, v3, vm0, $0xb8;
	[tilespmem:$0x10800] =	vst v63  }
0x44: {  	s4 =	simm.s32 $0x7000  }
0x45: {  	[tilespmem:s4], [sflag:$0x1] =	stream.indirect_vreg.gather [hbm4b:s6+s2], $0x80, v3, vm0, $0xb8;
	[tilespmem:$0x10800] =	vst v63  }
0x46: {  	s5 =	simm.s32 $0x7800  }
0x47: {  	[tilespmem:s5], [sflag:$0x1] =	stream.indirect_vreg.gather [hbm4b:s7+s2], $0x80, v3, vm0, $0xb8;
	[tilespmem:$0x10800] =	vst v63  }
0x48: {  	s12 =	simm.s32 $0x8000  }
0x49: {  	[tilespmem:s12], [sflag:$0x1] =	stream.indirect_vreg.gather [hbm4b:s8+s2], $0x80, v3, vm0, $0xb8;
	[tilespmem:$0x10800] =	vst v63  }
0x4a: {  	_ =	swait.ge [sflag:s10], $0x4000  }
0x4b: {  	[sflag:s10] =	ssyncset.done $0x0  }
0x4c: {  	[sflag:s10] =	ssyncadd.s32 $0xFFFFC000  }
0x4d: {  	_ =	swait.ge [sflag:s10], $0x4000  }
0x4e: {  	[sflag:s10] =	ssyncset.done $0x0  }
0x4f: {  	[sflag:s10] =	ssyncadd.s32 $0xFFFFC000  }
0x50: {  	v3 =	vld [tilespmem:$0x80];
	_ =	sdelay $0x4  }
0x51: {  	v62 =	vshll.u32 v3, $0x3  }
0x52: {  	v3 =	vand.u32 $0x7, v3;
	v4 =	vand.u32 $0xFFFFFFC0, v62  }
0x53: {  	v3 =	vor.u32 v3, v4  }
0x54: {  	v4 =	vperm.xlane v3, v0;
	_ =	sdelay $0x1  }
0x55: {  	v4 =	vadd.s32 v1, v4;
	_ =	sdelay $0x4  }
0x56: {  	[tilespmem:s11], [sflag:$0x2] =	stream.indirect_vreg.gather [hbm4b:s3+s2], $0x80, v4, vm0, $0xb8;
	[tilespmem:$0x10800] =	vst v63  }
0x57: {  	s13 =	simm.s32 $0x9000;
	v3 =	vperm.xlane v3, v2  }
0x58: {  	[tilespmem:s13], [sflag:$0x2] =	stream.indirect_vreg.gather [hbm4b:s6+s2], $0x80, v4, vm0, $0xb8;
	[tilespmem:$0x10800] =	vst v63  }
0x59: {  	s14 =	simm.s32 $0x9800;
	v3 =	vadd.s32 v1, v3  }
0x5a: {  	[tilespmem:s14], [sflag:$0x2] =	stream.indirect_vreg.gather [hbm4b:s7+s2], $0x80, v4, vm0, $0xb8;
	[tilespmem:$0x10800] =	vst v63  }
0x5b: {  	s19 =	simm.s32 $0xA000  }
0x5c: {  	[tilespmem:s19], [sflag:$0x2] =	stream.indirect_vreg.gather [hbm4b:s8+s2], $0x80, v4, vm0, $0xb8;
	[tilespmem:$0x10800] =	vst v63  }
0x5d: {  	_ = 	snop  }
0x5e: {  	[tilespmem:s15], [sflag:$0x2] =	stream.indirect_vreg.gather [hbm4b:s3+s2], $0x80, v3, vm0, $0xb8;
	[tilespmem:$0x10800] =	vst v63  }
0x5f: {  	_ = 	snop  }
0x60: {  	[tilespmem:s16], [sflag:$0x2] =	stream.indirect_vreg.gather [hbm4b:s6+s2], $0x80, v3, vm0, $0xb8;
	[tilespmem:$0x10800] =	vst v63  }
0x61: {  	_ = 	snop  }
0x62: {  	[tilespmem:s17], [sflag:$0x2] =	stream.indirect_vreg.gather [hbm4b:s7+s2], $0x80, v3, vm0, $0xb8;
	[tilespmem:$0x10800] =	vst v63  }
0x63: {  	_ = 	snop  }
0x64: {  	[tilespmem:s9], [sflag:$0x2] =	stream.indirect_vreg.gather [hbm4b:s8+s2], $0x80, v3, vm0, $0xb8;
	[tilespmem:$0x10800] =	vst v63  }
0x65: {  	v3 =	vld [tilespmem:$0x480];
	_ =	sdelay $0x4  }
0x66: {  	v63 =	vshll.u32 v3, $0x3  }
0x67: {  	v3 =	vand.u32 $0x7, v3;
	v4 =	vand.u32 $0xFFFFFFC0, v63  }
0x68: {  	v3 =	vor.u32 v3, v4  }
0x69: {  	v4 =	vperm.xlane v3, v0;
	_ =	sdelay $0x1  }
0x6a: {  	v4 =	vadd.s32 v1, v4;
	_ =	sdelay $0x4  }
0x6b: {  	[tilespmem:s21], [sflag:$0x2] =	stream.indirect_vreg.gather [hbm4b:s3+s2], $0x80, v4, vm0, $0xb8;
	[tilespmem:$0x10800] =	vst v63  }
0x6c: {  	v3 =	vperm.xlane v3, v2  }
0x6d: {  	[tilespmem:s22], [sflag:$0x2] =	stream.indirect_vreg.gather [hbm4b:s6+s2], $0x80, v4, vm0, $0xb8;
	[tilespmem:$0x10800] =	vst v63  }
0x6e: {  	v3 =	vadd.s32 v1, v3  }
0x6f: {  	[tilespmem:s23], [sflag:$0x2] =	stream.indirect_vreg.gather [hbm4b:s7+s2], $0x80, v4, vm0, $0xb8;
	[tilespmem:$0x10800] =	vst v63  }
0x70: {  	_ = 	snop  }
0x71: {  	[tilespmem:s24], [sflag:$0x2] =	stream.indirect_vreg.gather [hbm4b:s8+s2], $0x80, v4, vm0, $0xb8;
	[tilespmem:$0x10800] =	vst v63  }
0x72: {  	_ = 	snop  }
0x73: {  	[tilespmem:s25], [sflag:$0x2] =	stream.indirect_vreg.gather [hbm4b:s3+s2], $0x80, v3, vm0, $0xb8;
	[tilespmem:$0x10800] =	vst v63  }
0x74: {  	_ = 	snop  }
0x75: {  	[tilespmem:s26], [sflag:$0x2] =	stream.indirect_vreg.gather [hbm4b:s6+s2], $0x80, v3, vm0, $0xb8;
	[tilespmem:$0x10800] =	vst v63  }
0x76: {  	_ = 	snop  }
0x77: {  	[tilespmem:s28], [sflag:$0x2] =	stream.indirect_vreg.gather [hbm4b:s7+s2], $0x80, v3, vm0, $0xb8;
	[tilespmem:$0x10800] =	vst v63  }
0x78: {  	s0 =	simm.s32 $0x0  }
0x79: {  	[tilespmem:s29], [sflag:$0x2] =	stream.indirect_vreg.gather [hbm4b:s8+s2], $0x80, v3, vm0, $0xb8;
	[tilespmem:$0x10800] =	vst v63  }
.LBB2_2:
0x7a: {  	s1 =	sshll.u32 s0, $0xA;
	s4 =	sshll.u32 s0, $0x7  }
0x7b: {  	s5 =	simm.s32 $0x0;
	s1 =	sand.u32 $0x2000, s1;
	s4 =	sand.u32 $0x380, s4  }
0x7c: {  	s13 =	sand.u32 $0x1C00, s5;
	s1 =	sor.u32 s1, s4  }
0x7d: {  	s5 =	sand.u32 $0x70, s5;
	s4 =	sor.u32 s13, s1  }
0x7e: {  	s19 =	sor.u32 s5, s4  }
0x7f: {  	v3 =	vld [tilespmem:s19+$0x4800]  }
0x80: {  	v4 =	vld [tilespmem:s19+$0x800];
	_ =	sdelay $0x2  }
0x81: {  	s4 =	simm.s32 $0x80  }
0x82: {  	s14 =	simm.s32 $0x10;
	s13 =	sand.u32 $0x1C00, s4  }
0x83: {  	s12 =	sand.u32 $0x70, s14;
	s5 =	simm.s32 $0x20;
	s13 =	sor.u32 s13, s1;
	v3 =	vadd.f32 v3, v4  }
.LBB2_3:
0x84: {  	p0 =	sne.s32 s5, $0x3F0;
	s12 =	sor.u32 s12, s13  }
0x85: {  	v4 =	vld [tilespmem:s12+$0x4800];
	[tilespmem:s19+$0x800] =	vst v3;
	s19 =	smov.u32 s12  }
0x86: {  	v3 =	vld [tilespmem:s19+$0x800]  }
.Ltmp0:
0x87: {  	(pc) =	sbr.rel @p0 .LBB2_3-.Ltmp0, $4  }
0x88: {  	_ = 	snop  }
0x89: {  	s4 =	sadd.s32 $0x80, s4  }
0x8a: {  	s13 =	sand.u32 $0x1C00, s4  }
0x8b: {  	s12 =	sand.u32 $0x70, s5;
	s5 =	sadd.s32 $0x10, s5;
	s13 =	sor.u32 s13, s1;
	v3 =	vadd.f32 v4, v3  }
0x8c: {  	s1 =	sor.u32 s12, s13  }
0x8d: {  	v4 =	vld [tilespmem:s1+$0x4800];
	[tilespmem:s19+$0x800] =	vst v3  }
0x8e: {  	v3 =	vld [tilespmem:s1+$0x800]  }
0x8f: {  	s0 =	sadd.s32 $0x1, s0  }
0x90: {  	p0 =	sne.s32 s0, $0x10  }
.Ltmp1:
0x91: {  	_ = 	snop;
	(pc) =	sbr.rel @p0 .LBB2_2-.Ltmp1, $3  }
0x92: {  	_ = 	snop  }
0x93: {  	v3 =	vadd.f32 v4, v3;
	_ =	sdelay $0x1  }
0x94: {  	[tilespmem:s1+$0x800] =	vst v3  }
0x95: {  	s0 =	simm.s32 $0x0;
	s1 =	rddreg [dreg:$0x5]  }
0x96: {  	[hbm4b:s1+s0] =	stream.linear.scatter [tilespmem:s20], [sflag:$0x3], $0x4000, $0x38;
	[tilespmem:$0x10800] =	vst v63  }
0x97: {  	_ =	swait.ge [sflag:s18], $0x4000  }
0x98: {  	[sflag:s18] =	ssyncset.done $0x0  }
0x99: {  	[sflag:s18] =	ssyncadd.s32 $0xFFFFC000  }
0x9a: {  	_ =	swait.ge [sflag:s30], $0x4000  }
0x9b: {  	[sflag:s30] =	ssyncset.done $0x0  }
0x9c: {  	[sflag:s30] =	ssyncadd.s32 $0xFFFFC000  }
0x9d: {  	_ =	swait.ge [sflag:s30], $0x4000  }
0x9e: {  	[sflag:s30] =	ssyncset.done $0x0  }
0x9f: {  	[sflag:s30] =	ssyncadd.s32 $0xFFFFC000  }
0xa0: {  	v3 =	vld [tilespmem:$0x100];
	_ =	sdelay $0x4  }
0xa1: {  	v4 =	vshll.u32 v3, $0x3  }
0xa2: {  	v3 =	vand.u32 $0x7, v3;
	v4 =	vand.u32 $0xFFFFFFC0, v4  }
0xa3: {  	v3 =	vor.u32 v3, v4  }
0xa4: {  	v4 =	vperm.xlane v3, v0;
	_ =	sdelay $0x1  }
0xa5: {  	v4 =	vadd.s32 v1, v4;
	_ =	sdelay $0x4  }
0xa6: {  	[tilespmem:s20], [sflag:$0x1] =	stream.indirect_vreg.gather [hbm4b:s3+s0], $0x80, v4, vm0, $0xb8;
	[tilespmem:$0x10800] =	vst v63  }
0xa7: {  	s13 =	simm.s32 $0x1000;
	v3 =	vperm.xlane v3, v2  }
0xa8: {  	[tilespmem:s13], [sflag:$0x1] =	stream.indirect_vreg.gather [hbm4b:s6+s0], $0x80, v4, vm0, $0xb8;
	[tilespmem:$0x10800] =	vst v63  }
0xa9: {  	s14 =	simm.s32 $0x1800;
	v3 =	vadd.s32 v1, v3  }
0xaa: {  	[tilespmem:s14], [sflag:$0x1] =	stream.indirect_vreg.gather [hbm4b:s7+s0], $0x80, v4, vm0, $0xb8;
	[tilespmem:$0x10800] =	vst v63  }
0xab: {  	s19 =	simm.s32 $0x2000  }
0xac: {  	[tilespmem:s19], [sflag:$0x1] =	stream.indirect_vreg.gather [hbm4b:s8+s0], $0x80, v4, vm0, $0xb8;
	[tilespmem:$0x10800] =	vst v63  }
0xad: {  	s4 =	simm.s32 $0x2800  }
0xae: {  	[tilespmem:s4], [sflag:$0x1] =	stream.indirect_vreg.gather [hbm4b:s3+s0], $0x80, v3, vm0, $0xb8;
	[tilespmem:$0x10800] =	vst v63  }
0xaf: {  	s5 =	simm.s32 $0x3000  }
0xb0: {  	[tilespmem:s5], [sflag:$0x1] =	stream.indirect_vreg.gather [hbm4b:s6+s0], $0x80, v3, vm0, $0xb8;
	[tilespmem:$0x10800] =	vst v63  }
0xb1: {  	s12 =	simm.s32 $0x3800  }
0xb2: {  	[tilespmem:s12], [sflag:$0x1] =	stream.indirect_vreg.gather [hbm4b:s7+s0], $0x80, v3, vm0, $0xb8;
	[tilespmem:$0x10800] =	vst v63  }
0xb3: {  	s13 =	simm.s32 $0x4000  }
0xb4: {  	[tilespmem:s13], [sflag:$0x1] =	stream.indirect_vreg.gather [hbm4b:s8+s0], $0x80, v3, vm0, $0xb8;
	[tilespmem:$0x10800] =	vst v63  }
0xb5: {  	v3 =	vld [tilespmem:$0x500];
	_ =	sdelay $0x4  }
0xb6: {  	v63 =	vshll.u32 v3, $0x3  }
0xb7: {  	v3 =	vand.u32 $0x7, v3;
	v4 =	vand.u32 $0xFFFFFFC0, v63  }
0xb8: {  	v3 =	vor.u32 v3, v4  }
0xb9: {  	v4 =	vperm.xlane v3, v0;
	_ =	sdelay $0x1  }
0xba: {  	v4 =	vadd.s32 v1, v4;
	_ =	sdelay $0x3  }
0xbb: {  	s14 =	simm.s32 $0x4800  }
0xbc: {  	[tilespmem:s14], [sflag:$0x1] =	stream.indirect_vreg.gather [hbm4b:s3+s0], $0x80, v4, vm0, $0xb8;
	[tilespmem:$0x10800] =	vst v63  }
0xbd: {  	s19 =	simm.s32 $0x5000;
	v3 =	vperm.xlane v3, v2  }
0xbe: {  	[tilespmem:s19], [sflag:$0x1] =	stream.indirect_vreg.gather [hbm4b:s6+s0], $0x80, v4, vm0, $0xb8;
	[tilespmem:$0x10800] =	vst v63  }
0xbf: {  	s4 =	simm.s32 $0x5800;
	v3 =	vadd.s32 v1, v3  }
0xc0: {  	[tilespmem:s4], [sflag:$0x1] =	stream.indirect_vreg.gather [hbm4b:s7+s0], $0x80, v4, vm0, $0xb8;
	[tilespmem:$0x10800] =	vst v63  }
0xc1: {  	s5 =	simm.s32 $0x6000  }
0xc2: {  	[tilespmem:s5], [sflag:$0x1] =	stream.indirect_vreg.gather [hbm4b:s8+s0], $0x80, v4, vm0, $0xb8;
	[tilespmem:$0x10800] =	vst v63  }
0xc3: {  	s12 =	simm.s32 $0x6800  }
0xc4: {  	[tilespmem:s12], [sflag:$0x1] =	stream.indirect_vreg.gather [hbm4b:s3+s0], $0x80, v3, vm0, $0xb8;
	[tilespmem:$0x10800] =	vst v63  }
0xc5: {  	s13 =	simm.s32 $0x7000  }
0xc6: {  	[tilespmem:s13], [sflag:$0x1] =	stream.indirect_vreg.gather [hbm4b:s6+s0], $0x80, v3, vm0, $0xb8;
	[tilespmem:$0x10800] =	vst v63  }
0xc7: {  	s14 =	simm.s32 $0x7800  }
0xc8: {  	[tilespmem:s14], [sflag:$0x1] =	stream.indirect_vreg.gather [hbm4b:s7+s0], $0x80, v3, vm0, $0xb8;
	[tilespmem:$0x10800] =	vst v63  }
0xc9: {  	s1 =	simm.s32 $0x0;
	s19 =	simm.s32 $0x8000  }
0xca: {  	[tilespmem:s19], [sflag:$0x1] =	stream.indirect_vreg.gather [hbm4b:s8+s0], $0x80, v3, vm0, $0xb8;
	[tilespmem:$0x10800] =	vst v63  }
.LBB2_6:
0xcb: {  	s4 =	sshll.u32 s1, $0xA;
	s5 =	sshll.u32 s1, $0x7  }
0xcc: {  	s4 =	sand.u32 $0x2000, s4;
	s5 =	sand.u32 $0x380, s5  }
0xcd: {  	s13 =	sand.u32 $0x1C00, s0;
	s19 =	sor.u32 s4, s5  }
0xce: {  	s14 =	sand.u32 $0x70, s0;
	s4 =	sor.u32 s13, s19  }
0xcf: {  	s4 =	sor.u32 s14, s4  }
0xd0: {  	v3 =	vld [tilespmem:s4+$0xC800]  }
0xd1: {  	v4 =	vld [tilespmem:s4+$0x8800];
	_ =	sdelay $0x2  }
0xd2: {  	s5 =	simm.s32 $0x80  }
0xd3: {  	s12 =	simm.s32 $0x10;
	s14 =	sand.u32 $0x1C00, s5  }
0xd4: {  	s13 =	sand.u32 $0x70, s12;
	s12 =	simm.s32 $0x20;
	s14 =	sor.u32 s14, s19;
	v3 =	vadd.f32 v3, v4  }
.LBB2_7:
0xd5: {  	p0 =	sne.s32 s12, $0x3F0;
	s13 =	sor.u32 s13, s14  }
0xd6: {  	v4 =	vld [tilespmem:s13+$0xC800];
	[tilespmem:s4+$0x8800] =	vst v3;
	s4 =	smov.u32 s13  }
0xd7: {  	v3 =	vld [tilespmem:s4+$0x8800]  }
.Ltmp2:
0xd8: {  	(pc) =	sbr.rel @p0 .LBB2_7-.Ltmp2, $4  }
0xd9: {  	_ = 	snop  }
0xda: {  	s5 =	sadd.s32 $0x80, s5  }
0xdb: {  	s14 =	sand.u32 $0x1C00, s5  }
0xdc: {  	s13 =	sand.u32 $0x70, s12;
	s12 =	sadd.s32 $0x10, s12;
	s14 =	sor.u32 s14, s19;
	v3 =	vadd.f32 v4, v3  }
0xdd: {  	s5 =	sor.u32 s13, s14  }
0xde: {  	v4 =	vld [tilespmem:s5+$0xC800];
	[tilespmem:s4+$0x8800] =	vst v3  }
0xdf: {  	v3 =	vld [tilespmem:s5+$0x8800]  }
0xe0: {  	s1 =	sadd.s32 $0x1, s1  }
0xe1: {  	p0 =	sne.s32 s1, $0x10  }
.Ltmp3:
0xe2: {  	_ = 	snop;
	(pc) =	sbr.rel @p0 .LBB2_6-.Ltmp3, $3  }
0xe3: {  	_ = 	snop  }
0xe4: {  	v3 =	vadd.f32 v4, v3;
	_ =	sdelay $0x1  }
0xe5: {  	[tilespmem:s5+$0x8800] =	vst v3  }
0xe6: {  	s0 =	simm.s32 $0x0;
	s1 =	rddreg [dreg:$0x6]  }
0xe7: {  	[hbm4b:s1+s0] =	stream.linear.scatter [tilespmem:s11], [sflag:$0x3], $0x4000, $0x38;
	[tilespmem:$0x10800] =	vst v63  }
0xe8: {  	_ =	swait.ge [sflag:s18], $0x4000  }
0xe9: {  	[sflag:s18] =	ssyncset.done $0x0  }
0xea: {  	[sflag:s18] =	ssyncadd.s32 $0xFFFFC000  }
0xeb: {  	_ =	swait.ge [sflag:s10], $0x4000  }
0xec: {  	[sflag:s10] =	ssyncset.done $0x0  }
0xed: {  	[sflag:s10] =	ssyncadd.s32 $0xFFFFC000  }
0xee: {  	_ =	swait.ge [sflag:s10], $0x4000  }
0xef: {  	[sflag:s10] =	ssyncset.done $0x0  }
0xf0: {  	[sflag:s10] =	ssyncadd.s32 $0xFFFFC000  }
0xf1: {  	v3 =	vld [tilespmem:$0x180];
	_ =	sdelay $0x4  }
0xf2: {  	v4 =	vshll.u32 v3, $0x3  }
0xf3: {  	v3 =	vand.u32 $0x7, v3;
	v4 =	vand.u32 $0xFFFFFFC0, v4  }
0xf4: {  	v3 =	vor.u32 v3, v4  }
0xf5: {  	v4 =	vperm.xlane v3, v0;
	_ =	sdelay $0x1  }
0xf6: {  	v4 =	vadd.s32 v1, v4;
	_ =	sdelay $0x4  }
0xf7: {  	[tilespmem:s11], [sflag:$0x2] =	stream.indirect_vreg.gather [hbm4b:s3+s0], $0x80, v4, vm0, $0xb8;
	[tilespmem:$0x10800] =	vst v63  }
0xf8: {  	s13 =	simm.s32 $0x9000;
	v3 =	vperm.xlane v3, v2  }
0xf9: {  	[tilespmem:s13], [sflag:$0x2] =	stream.indirect_vreg.gather [hbm4b:s6+s0], $0x80, v4, vm0, $0xb8;
	[tilespmem:$0x10800] =	vst v63  }
0xfa: {  	s14 =	simm.s32 $0x9800;
	v3 =	vadd.s32 v1, v3  }
0xfb: {  	[tilespmem:s14], [sflag:$0x2] =	stream.indirect_vreg.gather [hbm4b:s7+s0], $0x80, v4, vm0, $0xb8;
	[tilespmem:$0x10800] =	vst v63  }
0xfc: {  	s19 =	simm.s32 $0xA000  }
0xfd: {  	[tilespmem:s19], [sflag:$0x2] =	stream.indirect_vreg.gather [hbm4b:s8+s0], $0x80, v4, vm0, $0xb8;
	[tilespmem:$0x10800] =	vst v63  }
0xfe: {  	_ = 	snop  }
0xff: {  	[tilespmem:s15], [sflag:$0x2] =	stream.indirect_vreg.gather [hbm4b:s3+s0], $0x80, v3, vm0, $0xb8;
	[tilespmem:$0x10800] =	vst v63  }
0x100: {  	_ = 	snop  }
0x101: {  	[tilespmem:s16], [sflag:$0x2] =	stream.indirect_vreg.gather [hbm4b:s6+s0], $0x80, v3, vm0, $0xb8;
	[tilespmem:$0x10800] =	vst v63  }
0x102: {  	_ = 	snop  }
0x103: {  	[tilespmem:s17], [sflag:$0x2] =	stream.indirect_vreg.gather [hbm4b:s7+s0], $0x80, v3, vm0, $0xb8;
	[tilespmem:$0x10800] =	vst v63  }
0x104: {  	_ = 	snop  }
0x105: {  	[tilespmem:s9], [sflag:$0x2] =	stream.indirect_vreg.gather [hbm4b:s8+s0], $0x80, v3, vm0, $0xb8;
	[tilespmem:$0x10800] =	vst v63  }
0x106: {  	v3 =	vld [tilespmem:$0x580];
	_ =	sdelay $0x4  }
0x107: {  	v63 =	vshll.u32 v3, $0x3  }
0x108: {  	v3 =	vand.u32 $0x7, v3;
	v4 =	vand.u32 $0xFFFFFFC0, v63  }
0x109: {  	v3 =	vor.u32 v3, v4  }
0x10a: {  	v4 =	vperm.xlane v3, v0;
	_ =	sdelay $0x1  }
0x10b: {  	v4 =	vadd.s32 v1, v4;
	_ =	sdelay $0x4  }
0x10c: {  	[tilespmem:s21], [sflag:$0x2] =	stream.indirect_vreg.gather [hbm4b:s3+s0], $0x80, v4, vm0, $0xb8;
	[tilespmem:$0x10800] =	vst v63  }
0x10d: {  	v3 =	vperm.xlane v3, v2  }
0x10e: {  	[tilespmem:s22], [sflag:$0x2] =	stream.indirect_vreg.gather [hbm4b:s6+s0], $0x80, v4, vm0, $0xb8;
	[tilespmem:$0x10800] =	vst v63  }
0x10f: {  	v3 =	vadd.s32 v1, v3  }
0x110: {  	[tilespmem:s23], [sflag:$0x2] =	stream.indirect_vreg.gather [hbm4b:s7+s0], $0x80, v4, vm0, $0xb8;
	[tilespmem:$0x10800] =	vst v63  }
0x111: {  	_ = 	snop  }
0x112: {  	[tilespmem:s24], [sflag:$0x2] =	stream.indirect_vreg.gather [hbm4b:s8+s0], $0x80, v4, vm0, $0xb8;
	[tilespmem:$0x10800] =	vst v63  }
0x113: {  	_ = 	snop  }
0x114: {  	[tilespmem:s25], [sflag:$0x2] =	stream.indirect_vreg.gather [hbm4b:s3+s0], $0x80, v3, vm0, $0xb8;
	[tilespmem:$0x10800] =	vst v63  }
0x115: {  	_ = 	snop  }
0x116: {  	[tilespmem:s26], [sflag:$0x2] =	stream.indirect_vreg.gather [hbm4b:s6+s0], $0x80, v3, vm0, $0xb8;
	[tilespmem:$0x10800] =	vst v63  }
0x117: {  	_ = 	snop  }
0x118: {  	[tilespmem:s28], [sflag:$0x2] =	stream.indirect_vreg.gather [hbm4b:s7+s0], $0x80, v3, vm0, $0xb8;
	[tilespmem:$0x10800] =	vst v63  }
0x119: {  	s1 =	simm.s32 $0x0  }
0x11a: {  	[tilespmem:s29], [sflag:$0x2] =	stream.indirect_vreg.gather [hbm4b:s8+s0], $0x80, v3, vm0, $0xb8;
	[tilespmem:$0x10800] =	vst v63  }
.LBB2_10:
0x11b: {  	s4 =	sshll.u32 s1, $0xA;
	s5 =	sshll.u32 s1, $0x7  }
0x11c: {  	s4 =	sand.u32 $0x2000, s4;
	s5 =	sand.u32 $0x380, s5  }
0x11d: {  	s13 =	sand.u32 $0x1C00, s0;
	s19 =	sor.u32 s4, s5  }
0x11e: {  	s14 =	sand.u32 $0x70, s0;
	s4 =	sor.u32 s13, s19  }
0x11f: {  	s4 =	sor.u32 s14, s4  }
0x120: {  	v3 =	vld [tilespmem:s4+$0x4800]  }
0x121: {  	v4 =	vld [tilespmem:s4+$0x800];
	_ =	sdelay $0x2  }
0x122: {  	s5 =	simm.s32 $0x80  }
0x123: {  	s12 =	simm.s32 $0x10;
	s14 =	sand.u32 $0x1C00, s5  }
0x124: {  	s13 =	sand.u32 $0x70, s12;
	s12 =	simm.s32 $0x20;
	s14 =	sor.u32 s14, s19;
	v3 =	vadd.f32 v3, v4  }
.LBB2_11:
0x125: {  	p0 =	sne.s32 s12, $0x3F0;
	s13 =	sor.u32 s13, s14  }
0x126: {  	v4 =	vld [tilespmem:s13+$0x4800];
	[tilespmem:s4+$0x800] =	vst v3;
	s4 =	smov.u32 s13  }
0x127: {  	v3 =	vld [tilespmem:s4+$0x800]  }
.Ltmp4:
0x128: {  	(pc) =	sbr.rel @p0 .LBB2_11-.Ltmp4, $4  }
0x129: {  	_ = 	snop  }
0x12a: {  	s5 =	sadd.s32 $0x80, s5  }
0x12b: {  	s14 =	sand.u32 $0x1C00, s5  }
0x12c: {  	s13 =	sand.u32 $0x70, s12;
	s12 =	sadd.s32 $0x10, s12;
	s14 =	sor.u32 s14, s19;
	v3 =	vadd.f32 v4, v3  }
0x12d: {  	s5 =	sor.u32 s13, s14  }
0x12e: {  	v4 =	vld [tilespmem:s5+$0x4800];
	[tilespmem:s4+$0x800] =	vst v3  }
0x12f: {  	v3 =	vld [tilespmem:s5+$0x800]  }
0x130: {  	s1 =	sadd.s32 $0x1, s1  }
0x131: {  	p0 =	sne.s32 s1, $0x10  }
.Ltmp5:
0x132: {  	_ = 	snop;
	(pc) =	sbr.rel @p0 .LBB2_10-.Ltmp5, $3  }
0x133: {  	_ = 	snop  }
0x134: {  	v3 =	vadd.f32 v4, v3;
	_ =	sdelay $0x1  }
0x135: {  	[tilespmem:s5+$0x800] =	vst v3  }
0x136: {  	s0 =	simm.s32 $0x0;
	s1 =	rddreg [dreg:$0x7]  }
0x137: {  	[hbm4b:s1+s0] =	stream.linear.scatter [tilespmem:s20], [sflag:$0x3], $0x4000, $0x38;
	[tilespmem:$0x10800] =	vst v63  }
0x138: {  	_ =	swait.ge [sflag:s18], $0x4000  }
0x139: {  	[sflag:s18] =	ssyncset.done $0x0  }
0x13a: {  	[sflag:s18] =	ssyncadd.s32 $0xFFFFC000  }
0x13b: {  	_ =	swait.ge [sflag:s30], $0x4000  }
0x13c: {  	[sflag:s30] =	ssyncset.done $0x0  }
0x13d: {  	[sflag:s30] =	ssyncadd.s32 $0xFFFFC000  }
0x13e: {  	_ =	swait.ge [sflag:s30], $0x4000  }
0x13f: {  	[sflag:s30] =	ssyncset.done $0x0  }
0x140: {  	[sflag:s30] =	ssyncadd.s32 $0xFFFFC000  }
0x141: {  	v3 =	vld [tilespmem:$0x200];
	_ =	sdelay $0x4  }
0x142: {  	v4 =	vshll.u32 v3, $0x3  }
0x143: {  	v3 =	vand.u32 $0x7, v3;
	v4 =	vand.u32 $0xFFFFFFC0, v4  }
0x144: {  	v3 =	vor.u32 v3, v4  }
0x145: {  	v4 =	vperm.xlane v3, v0;
	_ =	sdelay $0x1  }
0x146: {  	v4 =	vadd.s32 v1, v4;
	_ =	sdelay $0x4  }
0x147: {  	[tilespmem:s20], [sflag:$0x1] =	stream.indirect_vreg.gather [hbm4b:s3+s0], $0x80, v4, vm0, $0xb8;
	[tilespmem:$0x10800] =	vst v63  }
0x148: {  	s13 =	simm.s32 $0x1000;
	v3 =	vperm.xlane v3, v2  }
0x149: {  	[tilespmem:s13], [sflag:$0x1] =	stream.indirect_vreg.gather [hbm4b:s6+s0], $0x80, v4, vm0, $0xb8;
	[tilespmem:$0x10800] =	vst v63  }
0x14a: {  	s14 =	simm.s32 $0x1800;
	v3 =	vadd.s32 v1, v3  }
0x14b: {  	[tilespmem:s14], [sflag:$0x1] =	stream.indirect_vreg.gather [hbm4b:s7+s0], $0x80, v4, vm0, $0xb8;
	[tilespmem:$0x10800] =	vst v63  }
0x14c: {  	s19 =	simm.s32 $0x2000  }
0x14d: {  	[tilespmem:s19], [sflag:$0x1] =	stream.indirect_vreg.gather [hbm4b:s8+s0], $0x80, v4, vm0, $0xb8;
	[tilespmem:$0x10800] =	vst v63  }
0x14e: {  	s4 =	simm.s32 $0x2800  }
0x14f: {  	[tilespmem:s4], [sflag:$0x1] =	stream.indirect_vreg.gather [hbm4b:s3+s0], $0x80, v3, vm0, $0xb8;
	[tilespmem:$0x10800] =	vst v63  }
0x150: {  	s5 =	simm.s32 $0x3000  }
0x151: {  	[tilespmem:s5], [sflag:$0x1] =	stream.indirect_vreg.gather [hbm4b:s6+s0], $0x80, v3, vm0, $0xb8;
	[tilespmem:$0x10800] =	vst v63  }
0x152: {  	s12 =	simm.s32 $0x3800  }
0x153: {  	[tilespmem:s12], [sflag:$0x1] =	stream.indirect_vreg.gather [hbm4b:s7+s0], $0x80, v3, vm0, $0xb8;
	[tilespmem:$0x10800] =	vst v63  }
0x154: {  	s13 =	simm.s32 $0x4000  }
0x155: {  	[tilespmem:s13], [sflag:$0x1] =	stream.indirect_vreg.gather [hbm4b:s8+s0], $0x80, v3, vm0, $0xb8;
	[tilespmem:$0x10800] =	vst v63  }
0x156: {  	v3 =	vld [tilespmem:$0x600];
	_ =	sdelay $0x4  }
0x157: {  	v63 =	vshll.u32 v3, $0x3  }
0x158: {  	v3 =	vand.u32 $0x7, v3;
	v4 =	vand.u32 $0xFFFFFFC0, v63  }
0x159: {  	v3 =	vor.u32 v3, v4  }
0x15a: {  	v4 =	vperm.xlane v3, v0;
	_ =	sdelay $0x1  }
0x15b: {  	v4 =	vadd.s32 v1, v4;
	_ =	sdelay $0x3  }
0x15c: {  	s14 =	simm.s32 $0x4800  }
0x15d: {  	[tilespmem:s14], [sflag:$0x1] =	stream.indirect_vreg.gather [hbm4b:s3+s0], $0x80, v4, vm0, $0xb8;
	[tilespmem:$0x10800] =	vst v63  }
0x15e: {  	s19 =	simm.s32 $0x5000;
	v3 =	vperm.xlane v3, v2  }
0x15f: {  	[tilespmem:s19], [sflag:$0x1] =	stream.indirect_vreg.gather [hbm4b:s6+s0], $0x80, v4, vm0, $0xb8;
	[tilespmem:$0x10800] =	vst v63  }
0x160: {  	s4 =	simm.s32 $0x5800;
	v3 =	vadd.s32 v1, v3  }
0x161: {  	[tilespmem:s4], [sflag:$0x1] =	stream.indirect_vreg.gather [hbm4b:s7+s0], $0x80, v4, vm0, $0xb8;
	[tilespmem:$0x10800] =	vst v63  }
0x162: {  	s5 =	simm.s32 $0x6000  }
0x163: {  	[tilespmem:s5], [sflag:$0x1] =	stream.indirect_vreg.gather [hbm4b:s8+s0], $0x80, v4, vm0, $0xb8;
	[tilespmem:$0x10800] =	vst v63  }
0x164: {  	s12 =	simm.s32 $0x6800  }
0x165: {  	[tilespmem:s12], [sflag:$0x1] =	stream.indirect_vreg.gather [hbm4b:s3+s0], $0x80, v3, vm0, $0xb8;
	[tilespmem:$0x10800] =	vst v63  }
0x166: {  	s13 =	simm.s32 $0x7000  }
0x167: {  	[tilespmem:s13], [sflag:$0x1] =	stream.indirect_vreg.gather [hbm4b:s6+s0], $0x80, v3, vm0, $0xb8;
	[tilespmem:$0x10800] =	vst v63  }
0x168: {  	s14 =	simm.s32 $0x7800  }
0x169: {  	[tilespmem:s14], [sflag:$0x1] =	stream.indirect_vreg.gather [hbm4b:s7+s0], $0x80, v3, vm0, $0xb8;
	[tilespmem:$0x10800] =	vst v63  }
0x16a: {  	s1 =	simm.s32 $0x0;
	s19 =	simm.s32 $0x8000  }
0x16b: {  	[tilespmem:s19], [sflag:$0x1] =	stream.indirect_vreg.gather [hbm4b:s8+s0], $0x80, v3, vm0, $0xb8;
	[tilespmem:$0x10800] =	vst v63  }
.LBB2_14:
0x16c: {  	s4 =	sshll.u32 s1, $0xA;
	s5 =	sshll.u32 s1, $0x7  }
0x16d: {  	s4 =	sand.u32 $0x2000, s4;
	s5 =	sand.u32 $0x380, s5  }
0x16e: {  	s13 =	sand.u32 $0x1C00, s0;
	s19 =	sor.u32 s4, s5  }
0x16f: {  	s14 =	sand.u32 $0x70, s0;
	s4 =	sor.u32 s13, s19  }
0x170: {  	s4 =	sor.u32 s14, s4  }
0x171: {  	v3 =	vld [tilespmem:s4+$0xC800]  }
0x172: {  	v4 =	vld [tilespmem:s4+$0x8800];
	_ =	sdelay $0x2  }
0x173: {  	s5 =	simm.s32 $0x80  }
0x174: {  	s12 =	simm.s32 $0x10;
	s14 =	sand.u32 $0x1C00, s5  }
0x175: {  	s13 =	sand.u32 $0x70, s12;
	s12 =	simm.s32 $0x20;
	s14 =	sor.u32 s14, s19;
	v3 =	vadd.f32 v3, v4  }
.LBB2_15:
0x176: {  	p0 =	sne.s32 s12, $0x3F0;
	s13 =	sor.u32 s13, s14  }
0x177: {  	v4 =	vld [tilespmem:s13+$0xC800];
	[tilespmem:s4+$0x8800] =	vst v3;
	s4 =	smov.u32 s13  }
0x178: {  	v3 =	vld [tilespmem:s4+$0x8800]  }
.Ltmp6:
0x179: {  	(pc) =	sbr.rel @p0 .LBB2_15-.Ltmp6, $4  }
0x17a: {  	_ = 	snop  }
0x17b: {  	s5 =	sadd.s32 $0x80, s5  }
0x17c: {  	s14 =	sand.u32 $0x1C00, s5  }
0x17d: {  	s13 =	sand.u32 $0x70, s12;
	s12 =	sadd.s32 $0x10, s12;
	s14 =	sor.u32 s14, s19;
	v3 =	vadd.f32 v4, v3  }
0x17e: {  	s5 =	sor.u32 s13, s14  }
0x17f: {  	v4 =	vld [tilespmem:s5+$0xC800];
	[tilespmem:s4+$0x8800] =	vst v3  }
0x180: {  	v3 =	vld [tilespmem:s5+$0x8800]  }
0x181: {  	s1 =	sadd.s32 $0x1, s1  }
0x182: {  	p0 =	sne.s32 s1, $0x10  }
.Ltmp7:
0x183: {  	_ = 	snop;
	(pc) =	sbr.rel @p0 .LBB2_14-.Ltmp7, $3  }
0x184: {  	_ = 	snop  }
0x185: {  	v3 =	vadd.f32 v4, v3;
	_ =	sdelay $0x1  }
0x186: {  	[tilespmem:s5+$0x8800] =	vst v3  }
0x187: {  	s0 =	simm.s32 $0x0;
	s1 =	rddreg [dreg:$0x8]  }
0x188: {  	[hbm4b:s1+s0] =	stream.linear.scatter [tilespmem:s11], [sflag:$0x3], $0x4000, $0x38;
	[tilespmem:$0x10800] =	vst v63  }
0x189: {  	_ =	swait.ge [sflag:s18], $0x4000  }
0x18a: {  	[sflag:s18] =	ssyncset.done $0x0  }
0x18b: {  	[sflag:s18] =	ssyncadd.s32 $0xFFFFC000  }
0x18c: {  	_ =	swait.ge [sflag:s10], $0x4000  }
0x18d: {  	[sflag:s10] =	ssyncset.done $0x0  }
0x18e: {  	[sflag:s10] =	ssyncadd.s32 $0xFFFFC000  }
0x18f: {  	_ =	swait.ge [sflag:s10], $0x4000  }
0x190: {  	[sflag:s10] =	ssyncset.done $0x0  }
0x191: {  	[sflag:s10] =	ssyncadd.s32 $0xFFFFC000  }
0x192: {  	v3 =	vld [tilespmem:$0x280];
	_ =	sdelay $0x4  }
0x193: {  	v4 =	vshll.u32 v3, $0x3  }
0x194: {  	v3 =	vand.u32 $0x7, v3;
	v4 =	vand.u32 $0xFFFFFFC0, v4  }
0x195: {  	v3 =	vor.u32 v3, v4  }
0x196: {  	v4 =	vperm.xlane v3, v0;
	_ =	sdelay $0x1  }
0x197: {  	v4 =	vadd.s32 v1, v4;
	_ =	sdelay $0x4  }
0x198: {  	[tilespmem:s11], [sflag:$0x2] =	stream.indirect_vreg.gather [hbm4b:s3+s0], $0x80, v4, vm0, $0xb8;
	[tilespmem:$0x10800] =	vst v63  }
0x199: {  	s13 =	simm.s32 $0x9000;
	v3 =	vperm.xlane v3, v2  }
0x19a: {  	[tilespmem:s13], [sflag:$0x2] =	stream.indirect_vreg.gather [hbm4b:s6+s0], $0x80, v4, vm0, $0xb8;
	[tilespmem:$0x10800] =	vst v63  }
0x19b: {  	s14 =	simm.s32 $0x9800;
	v3 =	vadd.s32 v1, v3  }
0x19c: {  	[tilespmem:s14], [sflag:$0x2] =	stream.indirect_vreg.gather [hbm4b:s7+s0], $0x80, v4, vm0, $0xb8;
	[tilespmem:$0x10800] =	vst v63  }
0x19d: {  	s19 =	simm.s32 $0xA000  }
0x19e: {  	[tilespmem:s19], [sflag:$0x2] =	stream.indirect_vreg.gather [hbm4b:s8+s0], $0x80, v4, vm0, $0xb8;
	[tilespmem:$0x10800] =	vst v63  }
0x19f: {  	_ = 	snop  }
0x1a0: {  	[tilespmem:s15], [sflag:$0x2] =	stream.indirect_vreg.gather [hbm4b:s3+s0], $0x80, v3, vm0, $0xb8;
	[tilespmem:$0x10800] =	vst v63  }
0x1a1: {  	_ = 	snop  }
0x1a2: {  	[tilespmem:s16], [sflag:$0x2] =	stream.indirect_vreg.gather [hbm4b:s6+s0], $0x80, v3, vm0, $0xb8;
	[tilespmem:$0x10800] =	vst v63  }
0x1a3: {  	_ = 	snop  }
0x1a4: {  	[tilespmem:s17], [sflag:$0x2] =	stream.indirect_vreg.gather [hbm4b:s7+s0], $0x80, v3, vm0, $0xb8;
	[tilespmem:$0x10800] =	vst v63  }
0x1a5: {  	_ = 	snop  }
0x1a6: {  	[tilespmem:s9], [sflag:$0x2] =	stream.indirect_vreg.gather [hbm4b:s8+s0], $0x80, v3, vm0, $0xb8;
	[tilespmem:$0x10800] =	vst v63  }
0x1a7: {  	v3 =	vld [tilespmem:$0x680];
	_ =	sdelay $0x4  }
0x1a8: {  	v63 =	vshll.u32 v3, $0x3  }
0x1a9: {  	v3 =	vand.u32 $0x7, v3;
	v4 =	vand.u32 $0xFFFFFFC0, v63  }
0x1aa: {  	v3 =	vor.u32 v3, v4  }
0x1ab: {  	v4 =	vperm.xlane v3, v0;
	_ =	sdelay $0x1  }
0x1ac: {  	v4 =	vadd.s32 v1, v4;
	_ =	sdelay $0x4  }
0x1ad: {  	[tilespmem:s21], [sflag:$0x2] =	stream.indirect_vreg.gather [hbm4b:s3+s0], $0x80, v4, vm0, $0xb8;
	[tilespmem:$0x10800] =	vst v63  }
0x1ae: {  	v3 =	vperm.xlane v3, v2  }
0x1af: {  	[tilespmem:s22], [sflag:$0x2] =	stream.indirect_vreg.gather [hbm4b:s6+s0], $0x80, v4, vm0, $0xb8;
	[tilespmem:$0x10800] =	vst v63  }
0x1b0: {  	v3 =	vadd.s32 v1, v3  }
0x1b1: {  	[tilespmem:s23], [sflag:$0x2] =	stream.indirect_vreg.gather [hbm4b:s7+s0], $0x80, v4, vm0, $0xb8;
	[tilespmem:$0x10800] =	vst v63  }
0x1b2: {  	_ = 	snop  }
0x1b3: {  	[tilespmem:s24], [sflag:$0x2] =	stream.indirect_vreg.gather [hbm4b:s8+s0], $0x80, v4, vm0, $0xb8;
	[tilespmem:$0x10800] =	vst v63  }
0x1b4: {  	_ = 	snop  }
0x1b5: {  	[tilespmem:s25], [sflag:$0x2] =	stream.indirect_vreg.gather [hbm4b:s3+s0], $0x80, v3, vm0, $0xb8;
	[tilespmem:$0x10800] =	vst v63  }
0x1b6: {  	_ = 	snop  }
0x1b7: {  	[tilespmem:s26], [sflag:$0x2] =	stream.indirect_vreg.gather [hbm4b:s6+s0], $0x80, v3, vm0, $0xb8;
	[tilespmem:$0x10800] =	vst v63  }
0x1b8: {  	_ = 	snop  }
0x1b9: {  	[tilespmem:s28], [sflag:$0x2] =	stream.indirect_vreg.gather [hbm4b:s7+s0], $0x80, v3, vm0, $0xb8;
	[tilespmem:$0x10800] =	vst v63  }
0x1ba: {  	s1 =	simm.s32 $0x0  }
0x1bb: {  	[tilespmem:s29], [sflag:$0x2] =	stream.indirect_vreg.gather [hbm4b:s8+s0], $0x80, v3, vm0, $0xb8;
	[tilespmem:$0x10800] =	vst v63  }
.LBB2_18:
0x1bc: {  	s4 =	sshll.u32 s1, $0xA;
	s5 =	sshll.u32 s1, $0x7  }
0x1bd: {  	s4 =	sand.u32 $0x2000, s4;
	s5 =	sand.u32 $0x380, s5  }
0x1be: {  	s13 =	sand.u32 $0x1C00, s0;
	s19 =	sor.u32 s4, s5  }
0x1bf: {  	s14 =	sand.u32 $0x70, s0;
	s4 =	sor.u32 s13, s19  }
0x1c0: {  	s4 =	sor.u32 s14, s4  }
0x1c1: {  	v3 =	vld [tilespmem:s4+$0x4800]  }
0x1c2: {  	v4 =	vld [tilespmem:s4+$0x800];
	_ =	sdelay $0x2  }
0x1c3: {  	s5 =	simm.s32 $0x80  }
0x1c4: {  	s12 =	simm.s32 $0x10;
	s14 =	sand.u32 $0x1C00, s5  }
0x1c5: {  	s13 =	sand.u32 $0x70, s12;
	s12 =	simm.s32 $0x20;
	s14 =	sor.u32 s14, s19;
	v3 =	vadd.f32 v3, v4  }
.LBB2_19:
0x1c6: {  	p0 =	sne.s32 s12, $0x3F0;
	s13 =	sor.u32 s13, s14  }
0x1c7: {  	v4 =	vld [tilespmem:s13+$0x4800];
	[tilespmem:s4+$0x800] =	vst v3;
	s4 =	smov.u32 s13  }
0x1c8: {  	v3 =	vld [tilespmem:s4+$0x800]  }
.Ltmp8:
0x1c9: {  	(pc) =	sbr.rel @p0 .LBB2_19-.Ltmp8, $4  }
0x1ca: {  	_ = 	snop  }
0x1cb: {  	s5 =	sadd.s32 $0x80, s5  }
0x1cc: {  	s14 =	sand.u32 $0x1C00, s5  }
0x1cd: {  	s13 =	sand.u32 $0x70, s12;
	s12 =	sadd.s32 $0x10, s12;
	s14 =	sor.u32 s14, s19;
	v3 =	vadd.f32 v4, v3  }
0x1ce: {  	s5 =	sor.u32 s13, s14  }
0x1cf: {  	v4 =	vld [tilespmem:s5+$0x4800];
	[tilespmem:s4+$0x800] =	vst v3  }
0x1d0: {  	v3 =	vld [tilespmem:s5+$0x800]  }
0x1d1: {  	s1 =	sadd.s32 $0x1, s1  }
0x1d2: {  	p0 =	sne.s32 s1, $0x10  }
.Ltmp9:
0x1d3: {  	_ = 	snop;
	(pc) =	sbr.rel @p0 .LBB2_18-.Ltmp9, $3  }
0x1d4: {  	_ = 	snop  }
0x1d5: {  	v3 =	vadd.f32 v4, v3;
	_ =	sdelay $0x1  }
0x1d6: {  	[tilespmem:s5+$0x800] =	vst v3  }
0x1d7: {  	s0 =	simm.s32 $0x0;
	s1 =	rddreg [dreg:$0x9]  }
0x1d8: {  	[hbm4b:s1+s0] =	stream.linear.scatter [tilespmem:s20], [sflag:$0x3], $0x4000, $0x38;
	[tilespmem:$0x10800] =	vst v63  }
0x1d9: {  	_ =	swait.ge [sflag:s18], $0x4000  }
0x1da: {  	[sflag:s18] =	ssyncset.done $0x0  }
0x1db: {  	[sflag:s18] =	ssyncadd.s32 $0xFFFFC000  }
0x1dc: {  	_ =	swait.ge [sflag:s30], $0x4000  }
0x1dd: {  	[sflag:s30] =	ssyncset.done $0x0  }
0x1de: {  	[sflag:s30] =	ssyncadd.s32 $0xFFFFC000  }
0x1df: {  	_ =	swait.ge [sflag:s30], $0x4000  }
0x1e0: {  	[sflag:s30] =	ssyncset.done $0x0  }
0x1e1: {  	[sflag:s30] =	ssyncadd.s32 $0xFFFFC000  }
0x1e2: {  	v3 =	vld [tilespmem:$0x300];
	_ =	sdelay $0x4  }
0x1e3: {  	v4 =	vshll.u32 v3, $0x3  }
0x1e4: {  	v3 =	vand.u32 $0x7, v3;
	v4 =	vand.u32 $0xFFFFFFC0, v4  }
0x1e5: {  	v3 =	vor.u32 v3, v4  }
0x1e6: {  	v4 =	vperm.xlane v3, v0;
	_ =	sdelay $0x1  }
0x1e7: {  	v4 =	vadd.s32 v1, v4;
	_ =	sdelay $0x4  }
0x1e8: {  	[tilespmem:s20], [sflag:$0x1] =	stream.indirect_vreg.gather [hbm4b:s3+s0], $0x80, v4, vm0, $0xb8;
	[tilespmem:$0x10800] =	vst v63  }
0x1e9: {  	s13 =	simm.s32 $0x1000;
	v3 =	vperm.xlane v3, v2  }
0x1ea: {  	[tilespmem:s13], [sflag:$0x1] =	stream.indirect_vreg.gather [hbm4b:s6+s0], $0x80, v4, vm0, $0xb8;
	[tilespmem:$0x10800] =	vst v63  }
0x1eb: {  	s14 =	simm.s32 $0x1800;
	v3 =	vadd.s32 v1, v3  }
0x1ec: {  	[tilespmem:s14], [sflag:$0x1] =	stream.indirect_vreg.gather [hbm4b:s7+s0], $0x80, v4, vm0, $0xb8;
	[tilespmem:$0x10800] =	vst v63  }
0x1ed: {  	s19 =	simm.s32 $0x2000  }
0x1ee: {  	[tilespmem:s19], [sflag:$0x1] =	stream.indirect_vreg.gather [hbm4b:s8+s0], $0x80, v4, vm0, $0xb8;
	[tilespmem:$0x10800] =	vst v63  }
0x1ef: {  	s4 =	simm.s32 $0x2800  }
0x1f0: {  	[tilespmem:s4], [sflag:$0x1] =	stream.indirect_vreg.gather [hbm4b:s3+s0], $0x80, v3, vm0, $0xb8;
	[tilespmem:$0x10800] =	vst v63  }
0x1f1: {  	s5 =	simm.s32 $0x3000  }
0x1f2: {  	[tilespmem:s5], [sflag:$0x1] =	stream.indirect_vreg.gather [hbm4b:s6+s0], $0x80, v3, vm0, $0xb8;
	[tilespmem:$0x10800] =	vst v63  }
0x1f3: {  	s12 =	simm.s32 $0x3800  }
0x1f4: {  	[tilespmem:s12], [sflag:$0x1] =	stream.indirect_vreg.gather [hbm4b:s7+s0], $0x80, v3, vm0, $0xb8;
	[tilespmem:$0x10800] =	vst v63  }
0x1f5: {  	s13 =	simm.s32 $0x4000  }
0x1f6: {  	[tilespmem:s13], [sflag:$0x1] =	stream.indirect_vreg.gather [hbm4b:s8+s0], $0x80, v3, vm0, $0xb8;
	[tilespmem:$0x10800] =	vst v63  }
0x1f7: {  	v3 =	vld [tilespmem:$0x700];
	_ =	sdelay $0x4  }
0x1f8: {  	v63 =	vshll.u32 v3, $0x3  }
0x1f9: {  	v3 =	vand.u32 $0x7, v3;
	v4 =	vand.u32 $0xFFFFFFC0, v63  }
0x1fa: {  	v3 =	vor.u32 v3, v4  }
0x1fb: {  	v4 =	vperm.xlane v3, v0;
	_ =	sdelay $0x1  }
0x1fc: {  	v4 =	vadd.s32 v1, v4;
	_ =	sdelay $0x3  }
0x1fd: {  	s14 =	simm.s32 $0x4800  }
0x1fe: {  	[tilespmem:s14], [sflag:$0x1] =	stream.indirect_vreg.gather [hbm4b:s3+s0], $0x80, v4, vm0, $0xb8;
	[tilespmem:$0x10800] =	vst v63  }
0x1ff: {  	s19 =	simm.s32 $0x5000;
	v3 =	vperm.xlane v3, v2  }
0x200: {  	[tilespmem:s19], [sflag:$0x1] =	stream.indirect_vreg.gather [hbm4b:s6+s0], $0x80, v4, vm0, $0xb8;
	[tilespmem:$0x10800] =	vst v63  }
0x201: {  	s4 =	simm.s32 $0x5800;
	v3 =	vadd.s32 v1, v3  }
0x202: {  	[tilespmem:s4], [sflag:$0x1] =	stream.indirect_vreg.gather [hbm4b:s7+s0], $0x80, v4, vm0, $0xb8;
	[tilespmem:$0x10800] =	vst v63  }
0x203: {  	s5 =	simm.s32 $0x6000  }
0x204: {  	[tilespmem:s5], [sflag:$0x1] =	stream.indirect_vreg.gather [hbm4b:s8+s0], $0x80, v4, vm0, $0xb8;
	[tilespmem:$0x10800] =	vst v63  }
0x205: {  	s12 =	simm.s32 $0x6800  }
0x206: {  	[tilespmem:s12], [sflag:$0x1] =	stream.indirect_vreg.gather [hbm4b:s3+s0], $0x80, v3, vm0, $0xb8;
	[tilespmem:$0x10800] =	vst v63  }
0x207: {  	s13 =	simm.s32 $0x7000  }
0x208: {  	[tilespmem:s13], [sflag:$0x1] =	stream.indirect_vreg.gather [hbm4b:s6+s0], $0x80, v3, vm0, $0xb8;
	[tilespmem:$0x10800] =	vst v63  }
0x209: {  	s14 =	simm.s32 $0x7800  }
0x20a: {  	[tilespmem:s14], [sflag:$0x1] =	stream.indirect_vreg.gather [hbm4b:s7+s0], $0x80, v3, vm0, $0xb8;
	[tilespmem:$0x10800] =	vst v63  }
0x20b: {  	s1 =	simm.s32 $0x0;
	s19 =	simm.s32 $0x8000  }
0x20c: {  	[tilespmem:s19], [sflag:$0x1] =	stream.indirect_vreg.gather [hbm4b:s8+s0], $0x80, v3, vm0, $0xb8;
	[tilespmem:$0x10800] =	vst v63  }
.LBB2_22:
0x20d: {  	s4 =	sshll.u32 s1, $0xA;
	s5 =	sshll.u32 s1, $0x7  }
0x20e: {  	s4 =	sand.u32 $0x2000, s4;
	s5 =	sand.u32 $0x380, s5  }
0x20f: {  	s13 =	sand.u32 $0x1C00, s0;
	s19 =	sor.u32 s4, s5  }
0x210: {  	s14 =	sand.u32 $0x70, s0;
	s4 =	sor.u32 s13, s19  }
0x211: {  	s4 =	sor.u32 s14, s4  }
0x212: {  	v3 =	vld [tilespmem:s4+$0xC800]  }
0x213: {  	v4 =	vld [tilespmem:s4+$0x8800];
	_ =	sdelay $0x2  }
0x214: {  	s5 =	simm.s32 $0x80  }
0x215: {  	s12 =	simm.s32 $0x10;
	s14 =	sand.u32 $0x1C00, s5  }
0x216: {  	s13 =	sand.u32 $0x70, s12;
	s12 =	simm.s32 $0x20;
	s14 =	sor.u32 s14, s19;
	v3 =	vadd.f32 v3, v4  }
.LBB2_23:
0x217: {  	p0 =	sne.s32 s12, $0x3F0;
	s13 =	sor.u32 s13, s14  }
0x218: {  	v4 =	vld [tilespmem:s13+$0xC800];
	[tilespmem:s4+$0x8800] =	vst v3;
	s4 =	smov.u32 s13  }
0x219: {  	v3 =	vld [tilespmem:s4+$0x8800]  }
.Ltmp10:
0x21a: {  	(pc) =	sbr.rel @p0 .LBB2_23-.Ltmp10, $4  }
0x21b: {  	_ = 	snop  }
0x21c: {  	s5 =	sadd.s32 $0x80, s5  }
0x21d: {  	s14 =	sand.u32 $0x1C00, s5  }
0x21e: {  	s13 =	sand.u32 $0x70, s12;
	s12 =	sadd.s32 $0x10, s12;
	s14 =	sor.u32 s14, s19;
	v3 =	vadd.f32 v4, v3  }
0x21f: {  	s5 =	sor.u32 s13, s14  }
0x220: {  	v4 =	vld [tilespmem:s5+$0xC800];
	[tilespmem:s4+$0x8800] =	vst v3  }
0x221: {  	v3 =	vld [tilespmem:s5+$0x8800]  }
0x222: {  	s1 =	sadd.s32 $0x1, s1  }
0x223: {  	p0 =	sne.s32 s1, $0x10  }
.Ltmp11:
0x224: {  	_ = 	snop;
	(pc) =	sbr.rel @p0 .LBB2_22-.Ltmp11, $3  }
0x225: {  	_ = 	snop  }
0x226: {  	v3 =	vadd.f32 v4, v3;
	_ =	sdelay $0x1  }
0x227: {  	[tilespmem:s5+$0x8800] =	vst v3  }
0x228: {  	s0 =	simm.s32 $0x0;
	s1 =	rddreg [dreg:$0xa]  }
0x229: {  	[hbm4b:s1+s0] =	stream.linear.scatter [tilespmem:s11], [sflag:$0x3], $0x4000, $0x38;
	[tilespmem:$0x10800] =	vst v63  }
0x22a: {  	_ =	swait.ge [sflag:s18], $0x4000  }
0x22b: {  	[sflag:s18] =	ssyncset.done $0x0  }
0x22c: {  	[sflag:s18] =	ssyncadd.s32 $0xFFFFC000  }
0x22d: {  	_ =	swait.ge [sflag:s10], $0x4000  }
0x22e: {  	[sflag:s10] =	ssyncset.done $0x0  }
0x22f: {  	[sflag:s10] =	ssyncadd.s32 $0xFFFFC000  }
0x230: {  	_ =	swait.ge [sflag:s10], $0x4000  }
0x231: {  	[sflag:s10] =	ssyncset.done $0x0  }
0x232: {  	[sflag:s10] =	ssyncadd.s32 $0xFFFFC000  }
0x233: {  	v3 =	vld [tilespmem:$0x380];
	_ =	sdelay $0x4  }
0x234: {  	v4 =	vshll.u32 v3, $0x3  }
0x235: {  	v3 =	vand.u32 $0x7, v3;
	v4 =	vand.u32 $0xFFFFFFC0, v4  }
0x236: {  	v3 =	vor.u32 v3, v4  }
0x237: {  	v4 =	vperm.xlane v3, v0;
	_ =	sdelay $0x1  }
0x238: {  	v4 =	vadd.s32 v1, v4;
	_ =	sdelay $0x4  }
0x239: {  	[tilespmem:s11], [sflag:$0x2] =	stream.indirect_vreg.gather [hbm4b:s3+s0], $0x80, v4, vm0, $0xb8;
	[tilespmem:$0x10800] =	vst v63  }
0x23a: {  	s13 =	simm.s32 $0x9000;
	v3 =	vperm.xlane v3, v2  }
0x23b: {  	[tilespmem:s13], [sflag:$0x2] =	stream.indirect_vreg.gather [hbm4b:s6+s0], $0x80, v4, vm0, $0xb8;
	[tilespmem:$0x10800] =	vst v63  }
0x23c: {  	s14 =	simm.s32 $0x9800;
	v3 =	vadd.s32 v1, v3  }
0x23d: {  	[tilespmem:s14], [sflag:$0x2] =	stream.indirect_vreg.gather [hbm4b:s7+s0], $0x80, v4, vm0, $0xb8;
	[tilespmem:$0x10800] =	vst v63  }
0x23e: {  	s19 =	simm.s32 $0xA000  }
0x23f: {  	[tilespmem:s19], [sflag:$0x2] =	stream.indirect_vreg.gather [hbm4b:s8+s0], $0x80, v4, vm0, $0xb8;
	[tilespmem:$0x10800] =	vst v63  }
0x240: {  	_ = 	snop  }
0x241: {  	[tilespmem:s15], [sflag:$0x2] =	stream.indirect_vreg.gather [hbm4b:s3+s0], $0x80, v3, vm0, $0xb8;
	[tilespmem:$0x10800] =	vst v63  }
0x242: {  	_ = 	snop  }
0x243: {  	[tilespmem:s16], [sflag:$0x2] =	stream.indirect_vreg.gather [hbm4b:s6+s0], $0x80, v3, vm0, $0xb8;
	[tilespmem:$0x10800] =	vst v63  }
0x244: {  	_ = 	snop  }
0x245: {  	[tilespmem:s17], [sflag:$0x2] =	stream.indirect_vreg.gather [hbm4b:s7+s0], $0x80, v3, vm0, $0xb8;
	[tilespmem:$0x10800] =	vst v63  }
0x246: {  	_ = 	snop  }
0x247: {  	[tilespmem:s9], [sflag:$0x2] =	stream.indirect_vreg.gather [hbm4b:s8+s0], $0x80, v3, vm0, $0xb8;
	[tilespmem:$0x10800] =	vst v63  }
0x248: {  	v3 =	vld [tilespmem:$0x780];
	_ =	sdelay $0x4  }
0x249: {  	v63 =	vshll.u32 v3, $0x3  }
0x24a: {  	v3 =	vand.u32 $0x7, v3;
	v4 =	vand.u32 $0xFFFFFFC0, v63  }
0x24b: {  	v3 =	vor.u32 v3, v4  }
0x24c: {  	v4 =	vperm.xlane v3, v0;
	_ =	sdelay $0x1  }
0x24d: {  	v4 =	vadd.s32 v1, v4;
	_ =	sdelay $0x4  }
0x24e: {  	[tilespmem:s21], [sflag:$0x2] =	stream.indirect_vreg.gather [hbm4b:s3+s0], $0x80, v4, vm0, $0xb8;
	[tilespmem:$0x10800] =	vst v63  }
0x24f: {  	v3 =	vperm.xlane v3, v2  }
0x250: {  	[tilespmem:s22], [sflag:$0x2] =	stream.indirect_vreg.gather [hbm4b:s6+s0], $0x80, v4, vm0, $0xb8;
	[tilespmem:$0x10800] =	vst v63  }
0x251: {  	v3 =	vadd.s32 v1, v3  }
0x252: {  	[tilespmem:s23], [sflag:$0x2] =	stream.indirect_vreg.gather [hbm4b:s7+s0], $0x80, v4, vm0, $0xb8;
	[tilespmem:$0x10800] =	vst v63  }
0x253: {  	_ = 	snop  }
0x254: {  	[tilespmem:s24], [sflag:$0x2] =	stream.indirect_vreg.gather [hbm4b:s8+s0], $0x80, v4, vm0, $0xb8;
	[tilespmem:$0x10800] =	vst v63  }
0x255: {  	_ = 	snop  }
0x256: {  	[tilespmem:s25], [sflag:$0x2] =	stream.indirect_vreg.gather [hbm4b:s3+s0], $0x80, v3, vm0, $0xb8;
	[tilespmem:$0x10800] =	vst v63  }
0x257: {  	_ = 	snop  }
0x258: {  	[tilespmem:s26], [sflag:$0x2] =	stream.indirect_vreg.gather [hbm4b:s6+s0], $0x80, v3, vm0, $0xb8;
	[tilespmem:$0x10800] =	vst v63  }
0x259: {  	_ = 	snop  }
0x25a: {  	[tilespmem:s28], [sflag:$0x2] =	stream.indirect_vreg.gather [hbm4b:s7+s0], $0x80, v3, vm0, $0xb8;
	[tilespmem:$0x10800] =	vst v63  }
0x25b: {  	s1 =	simm.s32 $0x0  }
0x25c: {  	[tilespmem:s29], [sflag:$0x2] =	stream.indirect_vreg.gather [hbm4b:s8+s0], $0x80, v3, vm0, $0xb8;
	[tilespmem:$0x10800] =	vst v63  }
.LBB2_26:
0x25d: {  	s4 =	sshll.u32 s1, $0xA;
	s5 =	sshll.u32 s1, $0x7  }
0x25e: {  	s4 =	sand.u32 $0x2000, s4;
	s5 =	sand.u32 $0x380, s5  }
0x25f: {  	s13 =	sand.u32 $0x1C00, s0;
	s19 =	sor.u32 s4, s5  }
0x260: {  	s14 =	sand.u32 $0x70, s0;
	s4 =	sor.u32 s13, s19  }
0x261: {  	s4 =	sor.u32 s14, s4  }
0x262: {  	v3 =	vld [tilespmem:s4+$0x4800]  }
0x263: {  	v4 =	vld [tilespmem:s4+$0x800];
	_ =	sdelay $0x2  }
0x264: {  	s5 =	simm.s32 $0x80  }
0x265: {  	s12 =	simm.s32 $0x10;
	s14 =	sand.u32 $0x1C00, s5  }
0x266: {  	s13 =	sand.u32 $0x70, s12;
	s12 =	simm.s32 $0x20;
	s14 =	sor.u32 s14, s19;
	v3 =	vadd.f32 v3, v4  }
.LBB2_27:
0x267: {  	p0 =	sne.s32 s12, $0x3F0;
	s13 =	sor.u32 s13, s14  }
0x268: {  	v4 =	vld [tilespmem:s13+$0x4800];
	[tilespmem:s4+$0x800] =	vst v3;
	s4 =	smov.u32 s13  }
0x269: {  	v3 =	vld [tilespmem:s4+$0x800]  }
.Ltmp12:
0x26a: {  	(pc) =	sbr.rel @p0 .LBB2_27-.Ltmp12, $4  }
0x26b: {  	_ = 	snop  }
0x26c: {  	s5 =	sadd.s32 $0x80, s5  }
0x26d: {  	s14 =	sand.u32 $0x1C00, s5  }
0x26e: {  	s13 =	sand.u32 $0x70, s12;
	s12 =	sadd.s32 $0x10, s12;
	s14 =	sor.u32 s14, s19;
	v3 =	vadd.f32 v4, v3  }
0x26f: {  	s5 =	sor.u32 s13, s14  }
0x270: {  	v4 =	vld [tilespmem:s5+$0x4800];
	[tilespmem:s4+$0x800] =	vst v3  }
0x271: {  	v3 =	vld [tilespmem:s5+$0x800]  }
0x272: {  	s1 =	sadd.s32 $0x1, s1  }
0x273: {  	p0 =	sne.s32 s1, $0x10  }
.Ltmp13:
0x274: {  	_ = 	snop;
	(pc) =	sbr.rel @p0 .LBB2_26-.Ltmp13, $3  }
0x275: {  	_ = 	snop  }
0x276: {  	v3 =	vadd.f32 v4, v3;
	_ =	sdelay $0x1  }
0x277: {  	[tilespmem:s5+$0x800] =	vst v3  }
0x278: {  	s0 =	simm.s32 $0x0;
	s1 =	rddreg [dreg:$0xb]  }
0x279: {  	[hbm4b:s1+s0] =	stream.linear.scatter [tilespmem:s20], [sflag:$0x3], $0x4000, $0x38;
	[tilespmem:$0x10800] =	vst v63  }
0x27a: {  	_ =	swait.ge [sflag:s18], $0x4000  }
0x27b: {  	[sflag:s18] =	ssyncset.done $0x0  }
0x27c: {  	[sflag:s18] =	ssyncadd.s32 $0xFFFFC000  }
0x27d: {  	_ =	swait.ge [sflag:s30], $0x4000  }
0x27e: {  	[sflag:s30] =	ssyncset.done $0x0  }
0x27f: {  	[sflag:s30] =	ssyncadd.s32 $0xFFFFC000  }
0x280: {  	_ =	swait.ge [sflag:s30], $0x4000  }
0x281: {  	[sflag:s30] =	ssyncset.done $0x0  }
0x282: {  	s1 =	simm.s32 $0x0;
	[sflag:s30] =	ssyncadd.s32 $0xFFFFC000  }
.LBB2_30:
0x283: {  	s4 =	sshll.u32 s1, $0xA;
	s5 =	sshll.u32 s1, $0x7  }
0x284: {  	s4 =	sand.u32 $0x2000, s4;
	s5 =	sand.u32 $0x380, s5  }
0x285: {  	s13 =	sand.u32 $0x1C00, s0;
	s19 =	sor.u32 s4, s5  }
0x286: {  	s14 =	sand.u32 $0x70, s0;
	s4 =	sor.u32 s13, s19  }
0x287: {  	s4 =	sor.u32 s14, s4  }
0x288: {  	v3 =	vld [tilespmem:s4+$0xC800]  }
0x289: {  	v4 =	vld [tilespmem:s4+$0x8800];
	_ =	sdelay $0x2  }
0x28a: {  	s5 =	simm.s32 $0x80  }
0x28b: {  	s12 =	simm.s32 $0x10;
	s14 =	sand.u32 $0x1C00, s5  }
0x28c: {  	s13 =	sand.u32 $0x70, s12;
	s12 =	simm.s32 $0x20;
	s14 =	sor.u32 s14, s19;
	v3 =	vadd.f32 v3, v4  }
.LBB2_31:
0x28d: {  	p0 =	sne.s32 s12, $0x3F0;
	s13 =	sor.u32 s13, s14  }
0x28e: {  	v4 =	vld [tilespmem:s13+$0xC800];
	[tilespmem:s4+$0x8800] =	vst v3;
	s4 =	smov.u32 s13  }
0x28f: {  	v3 =	vld [tilespmem:s4+$0x8800]  }
.Ltmp14:
0x290: {  	(pc) =	sbr.rel @p0 .LBB2_31-.Ltmp14, $4  }
0x291: {  	_ = 	snop  }
0x292: {  	s5 =	sadd.s32 $0x80, s5  }
0x293: {  	s14 =	sand.u32 $0x1C00, s5  }
0x294: {  	s13 =	sand.u32 $0x70, s12;
	s12 =	sadd.s32 $0x10, s12;
	s14 =	sor.u32 s14, s19;
	v3 =	vadd.f32 v4, v3  }
0x295: {  	s5 =	sor.u32 s13, s14  }
0x296: {  	v4 =	vld [tilespmem:s5+$0xC800];
	[tilespmem:s4+$0x8800] =	vst v3  }
0x297: {  	v3 =	vld [tilespmem:s5+$0x8800]  }
0x298: {  	s1 =	sadd.s32 $0x1, s1  }
0x299: {  	p0 =	sne.s32 s1, $0x10  }
.Ltmp15:
0x29a: {  	_ = 	snop;
	(pc) =	sbr.rel @p0 .LBB2_30-.Ltmp15, $3  }
0x29b: {  	_ = 	snop  }
0x29c: {  	v3 =	vadd.f32 v4, v3;
	_ =	sdelay $0x1  }
0x29d: {  	[tilespmem:s5+$0x8800] =	vst v3  }
0x29e: {  	s0 =	rddreg [dreg:$0xc]  }
0x29f: {  	[hbm4b:s0+s2] =	stream.linear.scatter [tilespmem:s11], [sflag:$0x3], $0x4000, $0x38;
	[tilespmem:$0x10800] =	vst v63  }
0x2a0: {  	_ =	swait.ge [sflag:s18], $0x4000  }
0x2a1: {  	s31 =	sadd.s32 $0x1, s31;
	s19 =	rddreg [dreg:$0xd]  }
0x2a2: {  	p0 =	sne.s32 s31, s19  }
.Ltmp16:
0x2a3: {  	_ = 	snop;
	(pc) =	sbr.rel @p0 .LBB2_1-.Ltmp16, $3  }
0x2a4: {  	_ =	sdelay $0x1  }
0x2a5: {  	[sflag:s18] =	ssyncset.done $0x0  }
0x2a6: {  	[sflag:s18] =	ssyncadd.s32 $0xFFFFC000  }
0x2a7: {  	_ =	sfence.sel $0x180000  }
0x2a8: {  	[bflag:$0x0] =	sbarrier.arrive $0xFFFF  }
0x2a9: {  	_ =	strace $0x9000004A  }
0x2aa: {  	s0 =	stileid.u32;
	[bflag:$0x2] =	sbarrier.arrive $0xFFFF  }
0x2ab: {  	p0 =	sne.s32 s0, $0x0;
	s0 =	rddreg [dreg:$0x2]  }
0x2ac: {  	s0 =	sadd.s32 @!p0 $0x100000, s0  }
0x2ad: {  	[sflag:s0] =	ssyncadd.tile.s32 @!p0 $0x1;
	_ =	shalt  }
.Lfunc_end2:
_tile_overlayer_lowered:
.L_overlay_start_2:
0x2ae: {  	(tag) =	ssettag $0x2  }
0x2af: {  	s0 =	rddreg [dreg:$0x0];
	s2 =	stileid.u32  }
0x2b0: {  	s1 =	rddreg [dreg:$0x1];
	p0 =	sne.s32 s2, $0x0  }
0x2b1: {  	s3 =	rddreg [dreg:$0x2];
	[bflag:$0x3] =	sbarrier.arrive $0xFFFF;
	s2 =	simm.s32 @!p0 $0x1C03  }
0x2b2: {  	[timem:s3], [sflag:s2] =	dma.local @!p0 [hbm:s0], s1  }
0x2b3: {  	s0 =	simm.s32 @!p0 $0x3  }
0x2b4: {  	_ =	swait.ge @!p0 [sflag:s0], s1  }
0x2b5: {  	s1 =	ssub.s32 @!p0 $0x0, s1;
	[sflag:s0] =	ssyncset.done @!p0 $0x0  }
0x2b6: {  	[sflag:s0] =	ssyncadd.s32 @!p0 s1  }
0x2b7: {  	[bflag:$0x3] =	sbarrier.arrive $0xFFFF  }
0x2b8: {  	_ =	shalt  }

// kernel: kernel.7.cloned.1.call-start
scs
__scs_entry_jumppad:
0x0: {  	(pc) =	sbr.rel $0x88, $3  }
0x1: {  	(tag) =	ssettag $0x0;
	lr =	simm.s32 $0x1  }
0x2: {  	[smem:$0x3F9C] =	sst lr;
	_ =	strace $0xD0000000  }
0x3: {  	_ = 	snop  }
0x4: {  	_ = 	snop  }
0x5: {  	_ = 	snop  }
0x6: {  	_ = 	snop  }
0x7: {  	_ = 	snop  }
__scs_overlays_trampoline_lowered:
0x8: {  	[smem:$0x3FAB] =	sst s0  }
0x9: {  	[smem:$0x3FAC] =	sst s1  }
0xa: {  	[smem:$0x3FAD] =	sst s2  }
0xb: {  	[smem:$0x3FAE] =	sst s3  }
0xc: {  	[smem:$0x3FAF] =	sst s4  }
0xd: {  	[smem:$0x3FB0] =	sst s5  }
0xe: {  	[smem:$0x3FB1] =	sst s6  }
0xf: {  	[smem:$0x3FB2] =	sst s7  }
0x10: {  	[smem:$0x3FB3] =	sst s8  }
0x11: {  	[smem:$0x3FB4] =	sst s9;
	s0 =	simm.s32 @!p0 $0x0  }
0x12: {  	s1 =	sld [smem:$0x3F9A];
	s0 =	simm.s32 @p0 $0x1  }
0x13: {  	[smem:$0x3FB5] =	sst s0;
	s0 =	simm.s32 @!p1 $0x0  }
0x14: {  	s2 =	sld [smem:$0x3F99];
	s0 =	simm.s32 @p1 $0x1  }
0x15: {  	[smem:$0x3FB6] =	sst s0;
	s0 =	simm.s32 @!p2 $0x0  }
0x16: {  	s3 =	sld [smem:$0x3FDB];
	s0 =	simm.s32 @p2 $0x1  }
0x17: {  	s4 =	simm.s32 $0x1BF5;
	[smem:$0x3FB8] =	sst s0  }
0x18: {  	s0 =	sld [smem:$0x3F9B];
	_ =	swait.ge [sflag:s4], $0x0  }
0x19: {  	s7 =	sld [smem:$0x3F9C]  }
0x1a: {  	s8 =	sadd.s32 $0xFFFFE003, lr  }
0x1b: {  	s9 =	sadd.s32 $0xFFFFFEF7, lr;
	s5 =	simm.s32 $0xFFFFFFFF;
	p2 =	slt.u32 s8, $0xFFFFF086  }
0x1c: {  	p1 =	slt.u32 s9, $0xF7A;
	s5 =	simm.s32 @!p2 $0x0  }
0x1d: {  	s5 =	simm.s32 @p1 $0x1;
	p0 =	seq.s32 s7, s2  }
0x1e: {  	s7 =	smul.u32 @!p0 $0xF7A, s2;
	p2 =	seq.s32 @!p0 s5, $0x0  }
0x1f: {  	s9 =	smul.u32 $0xF7A, s1;
	s8 =	simm.s32 @!p0 $0x1BF5;
	p2 =	por !p2, p0  }
0x20: {  	[sflag:s8] =	ssyncset.s32 @!p0 $0xFFFFF086;
	s6 =	sadd.s32 @!p0 s3, s7;
	s7 =	simm.s32 @!p0 $0x108  }
0x21: {  	s3 =	sadd.s32 s3, s9;
	s6 =	sadd.s32 @!p0 $0x88, s6;
	s7 =	simm.s32 @p2 $0x1082  }
0x22: {  	[simem:s7], [sflag:s8] =	dma.local @!p0 [hbm:s6], $0xF7A  }
0x23: {  	s9 =	sor.u32 $0xD0000000, s2;
	s6 =	simm.s32 $0x108;
	_ =	swait.ge @!p0 [sflag:s8], $0x0  }
0x24: {  	s3 =	sadd.s32 $0x88, s3;
	s6 =	simm.s32 @!p1 $0x1082;
	[sflag:s4] =	ssyncset.s32 $0xFFFFF086  }
0x25: {  	[simem:s6], [sflag:s4] =	dma.local [hbm:s3], $0xF7A  }
0x26: {  	[smem:$0x3F9C] =	sst s1;
	(tag) =	ssettag s2;
	_ =	strace s9  }
0x27: {  	s1 =	sld [smem:$0x3FAC]  }
0x28: {  	s2 =	sld [smem:$0x3FAD]  }
0x29: {  	s4 =	sld [smem:$0x3FAF]  }
0x2a: {  	p0 =	seq.s32 s5, $0x0;
	s5 =	sld [smem:$0x3FB0]  }
0x2b: {  	s6 =	sld [smem:$0x3FB1]  }
0x2c: {  	s7 =	sld [smem:$0x3FB2]  }
0x2d: {  	s3 =	simm.s32 $0x108;
	s8 =	sld [smem:$0x3FB3]  }
0x2e: {  	s3 =	simm.s32 @!p0 $0x1082;
	s9 =	sld [smem:$0x3FB4]  }
0x2f: {  	lr =	sadd.s32 s0, s3;
	s0 =	sld [smem:$0x3FAB]  }
0x30: {  	s3 =	sld [smem:$0x3FAE]  }
0x31: {  	[smem:$0x3FB7] =	sst s10  }
0x32: {  	s10 =	sld [smem:$0x3FB5];
	_ =	sdelay $0x3  }
0x33: {  	p0 =	seq.s32 s10, $0x1;
	s10 =	sld [smem:$0x3FB7];
	_ =	sdelay $0x3  }
0x34: {  	[smem:$0x3FB7] =	sst s10  }
0x35: {  	s10 =	sld [smem:$0x3FB6];
	_ =	sdelay $0x3  }
0x36: {  	p1 =	seq.s32 s10, $0x1;
	s10 =	sld [smem:$0x3FB7];
	_ =	sdelay $0x3  }
0x37: {  	[smem:$0x3FB7] =	sst s10  }
0x38: {  	s10 =	sld [smem:$0x3FB8]  }
0x39: {  	_ = 	snop;
	(pc) =	sbr.ind lr, $3  }
0x3a: {  	_ = 	snop  }
0x3b: {  	_ = 	snop  }
0x3c: {  	p2 =	seq.s32 s10, $0x1;
	s10 =	sld [smem:$0x3FB7]  }
0x3d: {  	_ =	shalt  }
0x3e: {  	_ =	shalt  }
0x3f: {  	_ =	shalt  }
0x40: {  	_ =	shalt  }
0x41: {  	_ =	shalt  }
0x42: {  	_ =	shalt  }
0x43: {  	_ =	shalt  }
0x44: {  	_ =	shalt  }
0x45: {  	_ =	shalt  }
0x46: {  	_ =	shalt  }
0x47: {  	_ =	shalt  }
0x48: {  	_ =	shalt  }
0x49: {  	_ =	shalt  }
0x4a: {  	_ =	shalt  }
0x4b: {  	_ =	shalt  }
0x4c: {  	_ =	shalt  }
0x4d: {  	_ =	shalt  }
0x4e: {  	_ =	shalt  }
0x4f: {  	_ =	shalt  }
0x50: {  	_ =	shalt  }
0x51: {  	_ =	shalt  }
0x52: {  	_ =	shalt  }
0x53: {  	_ =	shalt  }
0x54: {  	_ =	shalt  }
0x55: {  	_ =	shalt  }
0x56: {  	_ =	shalt  }
0x57: {  	_ =	shalt  }
0x58: {  	_ =	shalt  }
0x59: {  	_ =	shalt  }
0x5a: {  	_ =	shalt  }
0x5b: {  	_ =	shalt  }
0x5c: {  	_ =	shalt  }
0x5d: {  	_ =	shalt  }
0x5e: {  	_ =	shalt  }
0x5f: {  	_ =	shalt  }
0x60: {  	_ =	shalt  }
0x61: {  	_ =	shalt  }
0x62: {  	_ =	shalt  }
0x63: {  	_ =	shalt  }
0x64: {  	_ =	shalt  }
0x65: {  	_ =	shalt  }
0x66: {  	_ =	shalt  }
0x67: {  	_ =	shalt  }
0x68: {  	_ =	shalt  }
0x69: {  	_ =	shalt  }
0x6a: {  	_ =	shalt  }
0x6b: {  	_ =	shalt  }
0x6c: {  	_ =	shalt  }
0x6d: {  	_ =	shalt  }
0x6e: {  	_ =	shalt  }
0x6f: {  	_ =	shalt  }
0x70: {  	_ =	shalt  }
0x71: {  	_ =	shalt  }
0x72: {  	_ =	shalt  }
0x73: {  	_ =	shalt  }
0x74: {  	_ =	shalt  }
0x75: {  	_ =	shalt  }
0x76: {  	_ =	shalt  }
0x77: {  	_ =	shalt  }
0x78: {  	_ =	shalt  }
0x79: {  	_ =	shalt  }
0x7a: {  	_ =	shalt  }
0x7b: {  	_ =	shalt  }
0x7c: {  	_ =	shalt  }
0x7d: {  	_ =	shalt  }
0x7e: {  	_ =	shalt  }
0x7f: {  	_ =	shalt  }
0x80: {  	_ =	shalt  }
0x81: {  	_ =	shalt  }
0x82: {  	_ =	shalt  }
0x83: {  	_ =	shalt  }
0x84: {  	_ =	shalt  }
0x85: {  	_ =	shalt  }
0x86: {  	_ =	shalt  }
0x87: {  	_ =	shalt  }
.Lfunc_end0:
.L_simem_size_0:
called_computation_lowered:
.L_overlay_start_0:
0x88: {  	s2 =	sld [smem:$0x3FD9]  }
0x89: {  	s3 =	sld [smem:$0x3FFE];
	_ =	sdelay $0x1  }
0x8a: {  	s1 =	srdreg.scid  }
0x8b: {  	s0 =	sand.u32 $0x1, s1  }
0x8c: {  	s17 =	sshll.u32 s0, $0xA;
	s2 =	sadd.s32 s3, s2  }
0x8d: {  	s2 =	sadd.s32 s2, s17  }
0x8e: {  	[smem:$0x3FC3] =	sst s2  }
0x8f: {  	_ = 	snop  }
0x90: {  	s2 =	sld [smem:$0x3FC9];
	(tm) =	ssettm $0x1  }
0x91: {  	s18 =	sld [smem:$0x3FFB];
	_ =	sdelay $0x3  }
0x92: {  	_ =	strace s18  }
0x93: {  	s3 =	sld [smem:$0x3FFC];
	_ =	sdelay $0x3  }
0x94: {  	_ =	strace s3  }
0x95: {  	s3 =	sld [smem:$0x3FFD];
	_ =	sdelay $0x3  }
0x96: {  	_ =	strace s3  }
0x97: {  	_ =	strace $0x8FFFFFFF  }
0x98: {  	s19 =	sld [smem:$0x3FDB];
	_ =	sdelay $0x1  }
0x99: {  	s4 =	simm.s32 $_scs_section_size  }
0x9a: {  	s5 =	simm.s32 $_size__tile_overlayer_lowered;
	s6 =	simm.s32 $_tile_overlayer_lowered  }
0x9b: {  	s22 =	simm.s32 $0x1BFF;
	s21 =	sshll.u32 s6, $0x1;
	s3 =	sadd.s32 s4, s19  }
0x9c: {  	s7 =	simm.s32 $0x0;
	s20 =	sshll.u32 s5, $0x1;
	s5 =	sadd.s32 s21, s3  }
0x9d: {  	[timem:s7], [sflag:s22] =	dma.local [hbm:s5], s20  }
0x9e: {  	_ =	swait.ge [sflag:s22], s20  }
0x9f: {  	s4 =	ssub.s32 $0x0, s20;
	[sflag:s22] =	ssyncset.done $0x0  }
0xa0: {  	[sflag:s22] =	ssyncadd.s32 s4;
	_ =	sdelay $0x1  }
0xa1: {  	s23 =	simm.s32 $0x1B8B  }
0xa2: {  	_ =	swait.ge [sflag:s23], $0x1  }
0xa3: {  	[sflag:s23] =	ssyncset.done $0x0  }
0xa4: {  	s25 =	simm.s32 $0x1B8E;
	s24 =	sld [smem:$0x3FFE];
	[sflag:s23] =	ssyncadd.s32 $0xFFFFFFFF  }
0xa5: {  	s26 =	simm.s32 $execute0_lowered;
	[smem:$0x3FD2] =	sst s25  }
0xa6: {  	s5 =	sshll.u32 s26, $0x1;
	_ =	strace $0x80000046;
	[dreg:$0x1] =	wrdreg $0xFFFFFFFF  }
0xa7: {  	s28 =	simm.s32 $_size_execute0_lowered;
	s3 =	sadd.s32 s3, s5;
	[dreg:$0x0] =	wrdreg $0x0  }
0xa8: {  	s5 =	sshll.u32 s28, $0x1;
	[dreg:$0x2] =	wrdreg s3  }
0xa9: {  	[dreg:$0x3] =	wrdreg s5  }
0xaa: {  	[dreg:$0x4] =	wrdreg $0xC0  }
0xab: {  	_ =	task [dreg:s7], $0x5FFFF  }
0xac: {  	[dreg:$0x1] =	wrdreg $0xFFFFFFFF  }
0xad: {  	[dreg:$0x0] =	wrdreg $0x60  }
0xae: {  	[dreg:$0x2] =	wrdreg s2  }
0xaf: {  	[dreg:$0x3] =	wrdreg s24  }
0xb0: {  	[dreg:$0x4] =	wrdreg $0x9  }
0xb1: {  	_ =	task.clear_ibuf [dreg:s7], $0x5FFFF;
	_ =	strace $0x90000046  }
0xb2: {  	s29 =	simm.s32 $0x9;
	_ =	strace $0x80000048  }
0xb3: {  	_ =	swait.ge [sflag:s29], $0x1  }
0xb4: {  	[sflag:s29] =	ssyncadd.s32 $0xFFFFFFFF  }
0xb5: {  	_ =	strace $0x90000048  }
0xb6: {  	_ =	sfence  }
0xb7: {  	s30 =	sld [smem:$0x0];
	_ =	sdelay $0x2  }
0xb8: {  	s31 =	sshll.u32 s1, $0xD;
	s1 =	sshrl.u32 s1, $0x2  }
0xb9: {  	s3 =	sand.u32 $0x4000, s31;
	s1 =	sadd.s32 s1, s30  }
0xba: {  	s0 =	sor.u32 s3, s0;
	s1 =	sshll.u32 s1, $0x11  }
0xbb: {  	s0 =	sor.u32 s1, s0  }
0xbc: {  	s0 =	sadd.s32 $0x8F2B, s0  }
0xbd: {  	[sflag:s0] =	ssyncadd.remote.s32 $0x1  }
0xbe: {  	_ =	sfence.sel $0xFFFF  }
0xbf: {  	[dreg:$0x0] =	wrdreg $0xFFFFFFFF;
	(pc) =	sbr.abs _section_cstart, $3  }
0xc0: {  	[dreg:$0x1] =	wrdreg $0xFFFFFFFF  }
0xc1: {  	_ =	task.clear_ibuf [dreg:s7], $0x2FFFF;
	_ =	strace $0x9FFFFFFF  }
0xc2: {  	(tm) =	ssettm $0x7FFFFFFF  }
0xc3: {  	_ =	shalt  }
tec
execute0_lowered:
.L_overlay_start_1:
0x0: {  	(tag) =	ssettag $0x1  }
0x1: {  	s0 =	rddreg [dreg:$0x0]  }
0x2: {  	s1 =	rddreg [dreg:$0x1];
	s2 =	simm.s32 $0x0;
	s3 =	srdreg.scid  }
0x3: {  	s5 =	stileid.u32;
	s26 =	simm.s32 $0x200;
	s10 =	simm.s32 $0x3  }
0x4: {  	s21 =	simm.s32 $0x2;
	s28 =	simm.s32 $0x400;
	s29 =	simm.s32 $0x2C00  }
0x5: {  	s30 =	simm.s32 $0x3400;
	s31 =	simm.s32 $0x3C00;
	s17 =	simm.s32 $0x8400  }
0x6: {  	[smem:$0x7FF] =	sst s2;
	s4 =	sand.u32 $0x1, s3;
	s23 =	sshll.u32 s5, $0x1  }
0x7: {  	s3 =	sadd.s32 $0x1000, s1;
	s8 =	sadd.s32 $0x1300, s1;
	s5 =	sor.u32 s4, s23  }
0x8: {  	_ =	strace $0x80000047;
	s4 =	ssub.s32 $0x2, s4;
	s6 =	sshll.u32 s5, $0x6  }
0x9: {  	[dreg:$0x7] =	wrdreg s26;
	s5 =	sshll.u32 s5, $0xE;
	s6 =	sadd.s32 s1, s6  }
0xa: {  	s26 =	simm.s32 $0x1;
	s5 =	sadd.s32 s0, s5;
	[dreg:$0x8] =	wrdreg s6  }
0xb: {  	s7 =	sshrl.u32 s4, $0x1;
	s6 =	sadd.s32 $0x800, s6;
	[dreg:$0x9] =	wrdreg s5  }
0xc: {  	s4 =	ssub.s32 s4, s7;
	s0 =	sadd.s32 $0x1000, s5;
	[dreg:$0x3] =	wrdreg s6  }
0xd: {  	v2 =	vlaneseq.u32;
	s7 =	sadd.s32 $0x1200, s1;
	s24 =	sadd.s32 $0x2000, s5;
	[dreg:$0x4] =	wrdreg s0  }
0xe: {  	vm0 =	vmmov $0xffff;
	v1 =	vshrl.u32 v2, $0x3;
	s25 =	sadd.s32 $0x3000, s5;
	s9 =	smax.u32 s4, $0x1;
	[dreg:$0x5] =	wrdreg s24  }
0xf: {  	v0 =	vand.u32 $0x7, v2;
	v2 =	vor.u32 $0x8, v2;
	v1 =	vmul.u32 $0x8, v1;
	s6 =	sadd.s32 $0x1100, s1;
	[dreg:$0x6] =	wrdreg s25;
	s24 =	simm.s32 $0xCC00  }
.LBB2_1:
0x10: {  	s22 =	rddreg [dreg:$0x8]  }
0x11: {  	[tilespmem:s2], [sflag:$0x3] =	stream.linear.gather [hbm4b:s22+s2], $0x200, $0x38;
	[tilespmem:$0x10400] =	vst v63  }
0x12: {  	_ =	swait.ge [sflag:s10], $0x200  }
0x13: {  	s1 =	rddreg [dreg:$0x3];
	[sflag:s10] =	ssyncset.done $0x0  }
0x14: {  	s23 =	rddreg [dreg:$0x7];
	[sflag:s10] =	ssyncadd.s32 $0xFFFFFE00  }
0x15: {  	[tilespmem:s23], [sflag:$0x3] =	stream.linear.gather [hbm4b:s1+s2], $0x200, $0x38;
	[tilespmem:$0x10400] =	vst v63  }
0x16: {  	_ =	swait.ge [sflag:s10], $0x200  }
0x17: {  	[sflag:s10] =	ssyncset.done $0x0  }
0x18: {  	s4 =	rddreg [dreg:$0x9];
	[sflag:s10] =	ssyncadd.s32 $0xFFFFFE00  }
0x19: {  	[tilespmem:s28], [sflag:$0x3] =	stream.linear.gather [hbm4b:s4+s2], $0x8000, $0x38;
	[tilespmem:$0x10400] =	vst v63  }
0x1a: {  	_ =	swait.ge [sflag:s10], $0x8000  }
0x1b: {  	[sflag:s10] =	ssyncset.done $0x0  }
0x1c: {  	[sflag:s10] =	ssyncadd.s32 $0xFFFF8000  }
0x1d: {  	v3 =	vld [tilespmem:$0x0];
	_ =	sdelay $0x4  }
0x1e: {  	v4 =	vshll.u32 v3, $0x3  }
0x1f: {  	v3 =	vand.u32 $0x7, v3;
	v4 =	vand.u32 $0xFFFFFFC0, v4  }
0x20: {  	v3 =	vor.u32 v3, v4  }
0x21: {  	v4 =	vperm.xlane v3, v0;
	_ =	sdelay $0x1  }
0x22: {  	v4 =	vadd.s32 v1, v4;
	_ =	sdelay $0x4  }
0x23: {  	[hbm4b:s3+s2] =	stream.indirect_vreg.scatter [tilespmem:s28], [sflag:$0x1], $0x80, v4, vm0, $0xb8;
	[tilespmem:$0x10400] =	vst v63  }
0x24: {  	s23 =	simm.s32 $0xC00;
	v3 =	vperm.xlane v3, v2  }
0x25: {  	[hbm4b:s6+s2] =	stream.indirect_vreg.scatter [tilespmem:s23], [sflag:$0x1], $0x80, v4, vm0, $0xb8;
	[tilespmem:$0x10400] =	vst v63  }
0x26: {  	s0 =	simm.s32 $0x1400;
	v3 =	vadd.s32 v1, v3  }
0x27: {  	[hbm4b:s7+s2] =	stream.indirect_vreg.scatter [tilespmem:s0], [sflag:$0x1], $0x80, v4, vm0, $0xb8;
	[tilespmem:$0x10400] =	vst v63  }
0x28: {  	s5 =	simm.s32 $0x1C00  }
0x29: {  	[hbm4b:s8+s2] =	stream.indirect_vreg.scatter [tilespmem:s5], [sflag:$0x1], $0x80, v4, vm0, $0xb8;
	[tilespmem:$0x10400] =	vst v63  }
0x2a: {  	s11 =	simm.s32 $0x2400  }
0x2b: {  	[hbm4b:s3+s2] =	stream.indirect_vreg.scatter [tilespmem:s11], [sflag:$0x1], $0x80, v3, vm0, $0xb8;
	[tilespmem:$0x10400] =	vst v63  }
0x2c: {  	_ = 	snop  }
0x2d: {  	[hbm4b:s6+s2] =	stream.indirect_vreg.scatter [tilespmem:s29], [sflag:$0x1], $0x80, v3, vm0, $0xb8;
	[tilespmem:$0x10400] =	vst v63  }
0x2e: {  	_ = 	snop  }
0x2f: {  	[hbm4b:s7+s2] =	stream.indirect_vreg.scatter [tilespmem:s30], [sflag:$0x1], $0x80, v3, vm0, $0xb8;
	[tilespmem:$0x10400] =	vst v63  }
0x30: {  	_ = 	snop  }
0x31: {  	[hbm4b:s8+s2] =	stream.indirect_vreg.scatter [tilespmem:s31], [sflag:$0x1], $0x80, v3, vm0, $0xb8;
	[tilespmem:$0x10400] =	vst v63  }
0x32: {  	v3 =	vld [tilespmem:$0x10];
	_ =	sdelay $0x4  }
0x33: {  	v49 =	vshll.u32 v3, $0x3  }
0x34: {  	v3 =	vand.u32 $0x7, v3;
	v4 =	vand.u32 $0xFFFFFFC0, v49  }
0x35: {  	v3 =	vor.u32 v3, v4  }
0x36: {  	v4 =	vperm.xlane v3, v0;
	_ =	sdelay $0x1  }
0x37: {  	v4 =	vadd.s32 v1, v4;
	_ =	sdelay $0x3  }
0x38: {  	s19 =	simm.s32 $0x4400  }
0x39: {  	[hbm4b:s3+s2] =	stream.indirect_vreg.scatter [tilespmem:s19], [sflag:$0x1], $0x80, v4, vm0, $0xb8;
	[tilespmem:$0x10400] =	vst v63  }
0x3a: {  	s12 =	simm.s32 $0x4C00;
	v3 =	vperm.xlane v3, v2  }
0x3b: {  	[hbm4b:s6+s2] =	stream.indirect_vreg.scatter [tilespmem:s12], [sflag:$0x1], $0x80, v4, vm0, $0xb8;
	[tilespmem:$0x10400] =	vst v63  }
0x3c: {  	s13 =	simm.s32 $0x5400;
	v3 =	vadd.s32 v1, v3  }
0x3d: {  	[hbm4b:s7+s2] =	stream.indirect_vreg.scatter [tilespmem:s13], [sflag:$0x1], $0x80, v4, vm0, $0xb8;
	[tilespmem:$0x10400] =	vst v63  }
0x3e: {  	s14 =	simm.s32 $0x5C00  }
0x3f: {  	[hbm4b:s8+s2] =	stream.indirect_vreg.scatter [tilespmem:s14], [sflag:$0x1], $0x80, v4, vm0, $0xb8;
	[tilespmem:$0x10400] =	vst v63  }
0x40: {  	s15 =	simm.s32 $0x6400  }
0x41: {  	[hbm4b:s3+s2] =	stream.indirect_vreg.scatter [tilespmem:s15], [sflag:$0x1], $0x80, v3, vm0, $0xb8;
	[tilespmem:$0x10400] =	vst v63  }
0x42: {  	s18 =	simm.s32 $0x6C00  }
0x43: {  	[hbm4b:s6+s2] =	stream.indirect_vreg.scatter [tilespmem:s18], [sflag:$0x1], $0x80, v3, vm0, $0xb8;
	[tilespmem:$0x10400] =	vst v63  }
0x44: {  	s20 =	simm.s32 $0x7400  }
0x45: {  	[hbm4b:s7+s2] =	stream.indirect_vreg.scatter [tilespmem:s20], [sflag:$0x1], $0x80, v3, vm0, $0xb8;
	[tilespmem:$0x10400] =	vst v63  }
0x46: {  	s22 =	simm.s32 $0x7C00  }
0x47: {  	[hbm4b:s8+s2] =	stream.indirect_vreg.scatter [tilespmem:s22], [sflag:$0x1], $0x80, v3, vm0, $0xb8;
	[tilespmem:$0x10400] =	vst v63  }
0x48: {  	v3 =	vld [tilespmem:$0x200];
	_ =	sdelay $0x4  }
0x49: {  	v50 =	vshll.u32 v3, $0x3  }
0x4a: {  	v3 =	vand.u32 $0x7, v3;
	v4 =	vand.u32 $0xFFFFFFC0, v50  }
0x4b: {  	v3 =	vor.u32 v3, v4  }
0x4c: {  	v4 =	vperm.xlane v3, v0;
	_ =	sdelay $0x1  }
0x4d: {  	v4 =	vadd.s32 v1, v4;
	_ =	sdelay $0x4  }
0x4e: {  	[hbm4b:s3+s2] =	stream.indirect_vreg.scatter [tilespmem:s28], [sflag:$0x1], $0x80, v4, vm0, $0xb8;
	[tilespmem:$0x10400] =	vst v63  }
0x4f: {  	v3 =	vperm.xlane v3, v2  }
0x50: {  	[hbm4b:s6+s2] =	stream.indirect_vreg.scatter [tilespmem:s23], [sflag:$0x1], $0x80, v4, vm0, $0xb8;
	[tilespmem:$0x10400] =	vst v63  }
0x51: {  	s1 =	simm.s32 $0x1400;
	v3 =	vadd.s32 v1, v3  }
0x52: {  	[hbm4b:s7+s2] =	stream.indirect_vreg.scatter [tilespmem:s1], [sflag:$0x1], $0x80, v4, vm0, $0xb8;
	[tilespmem:$0x10400] =	vst v63  }
0x53: {  	s4 =	simm.s32 $0x1C00  }
0x54: {  	[hbm4b:s8+s2] =	stream.indirect_vreg.scatter [tilespmem:s4], [sflag:$0x1], $0x80, v4, vm0, $0xb8;
	[tilespmem:$0x10400] =	vst v63  }
0x55: {  	s5 =	simm.s32 $0x2400  }
0x56: {  	[hbm4b:s3+s2] =	stream.indirect_vreg.scatter [tilespmem:s5], [sflag:$0x1], $0x80, v3, vm0, $0xb8;
	[tilespmem:$0x10400] =	vst v63  }
0x57: {  	_ = 	snop  }
0x58: {  	[hbm4b:s6+s2] =	stream.indirect_vreg.scatter [tilespmem:s29], [sflag:$0x1], $0x80, v3, vm0, $0xb8;
	[tilespmem:$0x10400] =	vst v63  }
0x59: {  	_ = 	snop  }
0x5a: {  	[hbm4b:s7+s2] =	stream.indirect_vreg.scatter [tilespmem:s30], [sflag:$0x1], $0x80, v3, vm0, $0xb8;
	[tilespmem:$0x10400] =	vst v63  }
0x5b: {  	_ = 	snop  }
0x5c: {  	[hbm4b:s8+s2] =	stream.indirect_vreg.scatter [tilespmem:s31], [sflag:$0x1], $0x80, v3, vm0, $0xb8;
	[tilespmem:$0x10400] =	vst v63  }
0x5d: {  	v3 =	vld [tilespmem:$0x210];
	_ =	sdelay $0x4  }
0x5e: {  	v51 =	vshll.u32 v3, $0x3  }
0x5f: {  	v3 =	vand.u32 $0x7, v3;
	v4 =	vand.u32 $0xFFFFFFC0, v51  }
0x60: {  	v3 =	vor.u32 v3, v4  }
0x61: {  	v4 =	vperm.xlane v3, v0;
	_ =	sdelay $0x1  }
0x62: {  	v4 =	vadd.s32 v1, v4;
	_ =	sdelay $0x4  }
0x63: {  	[hbm4b:s3+s2] =	stream.indirect_vreg.scatter [tilespmem:s19], [sflag:$0x1], $0x80, v4, vm0, $0xb8;
	[tilespmem:$0x10400] =	vst v63  }
0x64: {  	s16 =	simm.s32 $0x4C00;
	v3 =	vperm.xlane v3, v2  }
0x65: {  	[hbm4b:s6+s2] =	stream.indirect_vreg.scatter [tilespmem:s16], [sflag:$0x1], $0x80, v4, vm0, $0xb8;
	[tilespmem:$0x10400] =	vst v63  }
0x66: {  	s11 =	simm.s32 $0x5400;
	v3 =	vadd.s32 v1, v3  }
0x67: {  	[hbm4b:s7+s2] =	stream.indirect_vreg.scatter [tilespmem:s11], [sflag:$0x1], $0x80, v4, vm0, $0xb8;
	[tilespmem:$0x10400] =	vst v63  }
0x68: {  	s12 =	simm.s32 $0x5C00  }
0x69: {  	[hbm4b:s8+s2] =	stream.indirect_vreg.scatter [tilespmem:s12], [sflag:$0x1], $0x80, v4, vm0, $0xb8;
	[tilespmem:$0x10400] =	vst v63  }
0x6a: {  	s13 =	simm.s32 $0x6400  }
0x6b: {  	[hbm4b:s3+s2] =	stream.indirect_vreg.scatter [tilespmem:s13], [sflag:$0x1], $0x80, v3, vm0, $0xb8;
	[tilespmem:$0x10400] =	vst v63  }
0x6c: {  	s14 =	simm.s32 $0x6C00  }
0x6d: {  	[hbm4b:s6+s2] =	stream.indirect_vreg.scatter [tilespmem:s14], [sflag:$0x1], $0x80, v3, vm0, $0xb8;
	[tilespmem:$0x10400] =	vst v63  }
0x6e: {  	s15 =	simm.s32 $0x7400  }
0x6f: {  	[hbm4b:s7+s2] =	stream.indirect_vreg.scatter [tilespmem:s15], [sflag:$0x1], $0x80, v3, vm0, $0xb8;
	[tilespmem:$0x10400] =	vst v63  }
0x70: {  	s25 =	simm.s32 $0x7C00  }
0x71: {  	[hbm4b:s8+s2] =	stream.indirect_vreg.scatter [tilespmem:s25], [sflag:$0x1], $0x80, v3, vm0, $0xb8;
	[tilespmem:$0x10400] =	vst v63  }
0x72: {  	s16 =	rddreg [dreg:$0x4]  }
0x73: {  	[tilespmem:s17], [sflag:$0x3] =	stream.linear.gather [hbm4b:s16+s2], $0x8000, $0x38;
	[tilespmem:$0x10400] =	vst v63  }
0x74: {  	_ =	swait.ge [sflag:s10], $0x8000  }
0x75: {  	[sflag:s10] =	ssyncset.done $0x0  }
0x76: {  	[sflag:s10] =	ssyncadd.s32 $0xFFFF8000  }
0x77: {  	v3 =	vld [tilespmem:$0x80];
	_ =	sdelay $0x4  }
0x78: {  	v52 =	vshll.u32 v3, $0x3  }
0x79: {  	v3 =	vand.u32 $0x7, v3;
	v4 =	vand.u32 $0xFFFFFFC0, v52  }
0x7a: {  	v3 =	vor.u32 v3, v4  }
0x7b: {  	v4 =	vperm.xlane v3, v0;
	_ =	sdelay $0x1  }
0x7c: {  	v4 =	vadd.s32 v1, v4;
	_ =	sdelay $0x4  }
0x7d: {  	[hbm4b:s3+s2] =	stream.indirect_vreg.scatter [tilespmem:s17], [sflag:$0x2], $0x80, v4, vm0, $0xb8;
	[tilespmem:$0x10400] =	vst v63  }
0x7e: {  	s18 =	simm.s32 $0x8C00;
	v3 =	vperm.xlane v3, v2  }
0x7f: {  	[hbm4b:s6+s2] =	stream.indirect_vreg.scatter [tilespmem:s18], [sflag:$0x2], $0x80, v4, vm0, $0xb8;
	[tilespmem:$0x10400] =	vst v63  }
0x80: {  	s20 =	simm.s32 $0x9400;
	v3 =	vadd.s32 v1, v3  }
0x81: {  	[hbm4b:s7+s2] =	stream.indirect_vreg.scatter [tilespmem:s20], [sflag:$0x2], $0x80, v4, vm0, $0xb8;
	[tilespmem:$0x10400] =	vst v63  }
0x82: {  	s22 =	simm.s32 $0x9C00  }
0x83: {  	[hbm4b:s8+s2] =	stream.indirect_vreg.scatter [tilespmem:s22], [sflag:$0x2], $0x80, v4, vm0, $0xb8;
	[tilespmem:$0x10400] =	vst v63  }
0x84: {  	s1 =	simm.s32 $0xA400  }
0x85: {  	[hbm4b:s3+s2] =	stream.indirect_vreg.scatter [tilespmem:s1], [sflag:$0x2], $0x80, v3, vm0, $0xb8;
	[tilespmem:$0x10400] =	vst v63  }
0x86: {  	s4 =	simm.s32 $0xAC00  }
0x87: {  	[hbm4b:s6+s2] =	stream.indirect_vreg.scatter [tilespmem:s4], [sflag:$0x2], $0x80, v3, vm0, $0xb8;
	[tilespmem:$0x10400] =	vst v63  }
0x88: {  	s5 =	simm.s32 $0xB400  }
0x89: {  	[hbm4b:s7+s2] =	stream.indirect_vreg.scatter [tilespmem:s5], [sflag:$0x2], $0x80, v3, vm0, $0xb8;
	[tilespmem:$0x10400] =	vst v63  }
0x8a: {  	s11 =	simm.s32 $0xBC00  }
0x8b: {  	[hbm4b:s8+s2] =	stream.indirect_vreg.scatter [tilespmem:s11], [sflag:$0x2], $0x80, v3, vm0, $0xb8;
	[tilespmem:$0x10400] =	vst v63  }
0x8c: {  	v3 =	vld [tilespmem:$0x90];
	_ =	sdelay $0x4  }
0x8d: {  	v53 =	vshll.u32 v3, $0x3  }
0x8e: {  	v3 =	vand.u32 $0x7, v3;
	v4 =	vand.u32 $0xFFFFFFC0, v53  }
0x8f: {  	v3 =	vor.u32 v3, v4  }
0x90: {  	v4 =	vperm.xlane v3, v0;
	_ =	sdelay $0x1  }
0x91: {  	v4 =	vadd.s32 v1, v4;
	_ =	sdelay $0x3  }
0x92: {  	s12 =	simm.s32 $0xC400  }
0x93: {  	[hbm4b:s3+s2] =	stream.indirect_vreg.scatter [tilespmem:s12], [sflag:$0x2], $0x80, v4, vm0, $0xb8;
	[tilespmem:$0x10400] =	vst v63  }
0x94: {  	s13 =	simm.s32 $0xCC00;
	v3 =	vperm.xlane v3, v2  }
0x95: {  	[hbm4b:s6+s2] =	stream.indirect_vreg.scatter [tilespmem:s13], [sflag:$0x2], $0x80, v4, vm0, $0xb8;
	[tilespmem:$0x10400] =	vst v63  }
0x96: {  	s4 =	simm.s32 $0xD400;
	v3 =	vadd.s32 v1, v3  }
0x97: {  	[hbm4b:s7+s2] =	stream.indirect_vreg.scatter [tilespmem:s4], [sflag:$0x2], $0x80, v4, vm0, $0xb8;
	[tilespmem:$0x10400] =	vst v63  }
0x98: {  	s5 =	simm.s32 $0xDC00  }
0x99: {  	[hbm4b:s8+s2] =	stream.indirect_vreg.scatter [tilespmem:s5], [sflag:$0x2], $0x80, v4, vm0, $0xb8;
	[tilespmem:$0x10400] =	vst v63  }
0x9a: {  	s11 =	simm.s32 $0xE400  }
0x9b: {  	[hbm4b:s3+s2] =	stream.indirect_vreg.scatter [tilespmem:s11], [sflag:$0x2], $0x80, v3, vm0, $0xb8;
	[tilespmem:$0x10400] =	vst v63  }
0x9c: {  	s12 =	simm.s32 $0xEC00  }
0x9d: {  	[hbm4b:s6+s2] =	stream.indirect_vreg.scatter [tilespmem:s12], [sflag:$0x2], $0x80, v3, vm0, $0xb8;
	[tilespmem:$0x10400] =	vst v63  }
0x9e: {  	s13 =	simm.s32 $0xF400  }
0x9f: {  	[hbm4b:s7+s2] =	stream.indirect_vreg.scatter [tilespmem:s13], [sflag:$0x2], $0x80, v3, vm0, $0xb8;
	[tilespmem:$0x10400] =	vst v63  }
0xa0: {  	s22 =	simm.s32 $0xFC00  }
0xa1: {  	[hbm4b:s8+s2] =	stream.indirect_vreg.scatter [tilespmem:s22], [sflag:$0x2], $0x80, v3, vm0, $0xb8;
	[tilespmem:$0x10400] =	vst v63  }
0xa2: {  	v3 =	vld [tilespmem:$0x280];
	_ =	sdelay $0x4  }
0xa3: {  	v54 =	vshll.u32 v3, $0x3  }
0xa4: {  	v3 =	vand.u32 $0x7, v3;
	v4 =	vand.u32 $0xFFFFFFC0, v54  }
0xa5: {  	v3 =	vor.u32 v3, v4  }
0xa6: {  	v4 =	vperm.xlane v3, v0;
	_ =	sdelay $0x1  }
0xa7: {  	v4 =	vadd.s32 v1, v4;
	_ =	sdelay $0x4  }
0xa8: {  	[hbm4b:s3+s2] =	stream.indirect_vreg.scatter [tilespmem:s17], [sflag:$0x2], $0x80, v4, vm0, $0xb8;
	[tilespmem:$0x10400] =	vst v63  }
0xa9: {  	s25 =	simm.s32 $0x8C00;
	v3 =	vperm.xlane v3, v2  }
0xaa: {  	[hbm4b:s6+s2] =	stream.indirect_vreg.scatter [tilespmem:s25], [sflag:$0x2], $0x80, v4, vm0, $0xb8;
	[tilespmem:$0x10400] =	vst v63  }
0xab: {  	s14 =	simm.s32 $0x9400;
	v3 =	vadd.s32 v1, v3  }
0xac: {  	[hbm4b:s7+s2] =	stream.indirect_vreg.scatter [tilespmem:s14], [sflag:$0x2], $0x80, v4, vm0, $0xb8;
	[tilespmem:$0x10400] =	vst v63  }
0xad: {  	s15 =	simm.s32 $0x9C00  }
0xae: {  	[hbm4b:s8+s2] =	stream.indirect_vreg.scatter [tilespmem:s15], [sflag:$0x2], $0x80, v4, vm0, $0xb8;
	[tilespmem:$0x10400] =	vst v63  }
0xaf: {  	s16 =	simm.s32 $0xA400  }
0xb0: {  	[hbm4b:s3+s2] =	stream.indirect_vreg.scatter [tilespmem:s16], [sflag:$0x2], $0x80, v3, vm0, $0xb8;
	[tilespmem:$0x10400] =	vst v63  }
0xb1: {  	s0 =	simm.s32 $0xAC00  }
0xb2: {  	[hbm4b:s6+s2] =	stream.indirect_vreg.scatter [tilespmem:s0], [sflag:$0x2], $0x80, v3, vm0, $0xb8;
	[tilespmem:$0x10400] =	vst v63  }
0xb3: {  	s1 =	simm.s32 $0xB400  }
0xb4: {  	[hbm4b:s7+s2] =	stream.indirect_vreg.scatter [tilespmem:s1], [sflag:$0x2], $0x80, v3, vm0, $0xb8;
	[tilespmem:$0x10400] =	vst v63  }
0xb5: {  	s20 =	simm.s32 $0xBC00  }
0xb6: {  	[hbm4b:s8+s2] =	stream.indirect_vreg.scatter [tilespmem:s20], [sflag:$0x2], $0x80, v3, vm0, $0xb8;
	[tilespmem:$0x10400] =	vst v63  }
0xb7: {  	v3 =	vld [tilespmem:$0x290];
	_ =	sdelay $0x4  }
0xb8: {  	v55 =	vshll.u32 v3, $0x3  }
0xb9: {  	v3 =	vand.u32 $0x7, v3;
	v4 =	vand.u32 $0xFFFFFFC0, v55  }
0xba: {  	v3 =	vor.u32 v3, v4  }
0xbb: {  	v4 =	vperm.xlane v3, v0;
	_ =	sdelay $0x1  }
0xbc: {  	v4 =	vadd.s32 v1, v4;
	_ =	sdelay $0x3  }
0xbd: {  	s18 =	simm.s32 $0xC400  }
0xbe: {  	[hbm4b:s3+s2] =	stream.indirect_vreg.scatter [tilespmem:s18], [sflag:$0x2], $0x80, v4, vm0, $0xb8;
	[tilespmem:$0x10400] =	vst v63  }
0xbf: {  	v3 =	vperm.xlane v3, v2  }
0xc0: {  	[hbm4b:s6+s2] =	stream.indirect_vreg.scatter [tilespmem:s24], [sflag:$0x2], $0x80, v4, vm0, $0xb8;
	[tilespmem:$0x10400] =	vst v63  }
0xc1: {  	s4 =	simm.s32 $0xD400;
	v3 =	vadd.s32 v1, v3  }
0xc2: {  	[hbm4b:s7+s2] =	stream.indirect_vreg.scatter [tilespmem:s4], [sflag:$0x2], $0x80, v4, vm0, $0xb8;
	[tilespmem:$0x10400] =	vst v63  }
0xc3: {  	s5 =	simm.s32 $0xDC00  }
0xc4: {  	[hbm4b:s8+s2] =	stream.indirect_vreg.scatter [tilespmem:s5], [sflag:$0x2], $0x80, v4, vm0, $0xb8;
	[tilespmem:$0x10400] =	vst v63  }
0xc5: {  	s11 =	simm.s32 $0xE400  }
0xc6: {  	[hbm4b:s3+s2] =	stream.indirect_vreg.scatter [tilespmem:s11], [sflag:$0x2], $0x80, v3, vm0, $0xb8;
	[tilespmem:$0x10400] =	vst v63  }
0xc7: {  	s12 =	simm.s32 $0xEC00  }
0xc8: {  	[hbm4b:s6+s2] =	stream.indirect_vreg.scatter [tilespmem:s12], [sflag:$0x2], $0x80, v3, vm0, $0xb8;
	[tilespmem:$0x10400] =	vst v63  }
0xc9: {  	s13 =	simm.s32 $0xF400  }
0xca: {  	[hbm4b:s7+s2] =	stream.indirect_vreg.scatter [tilespmem:s13], [sflag:$0x2], $0x80, v3, vm0, $0xb8;
	[tilespmem:$0x10400] =	vst v63  }
0xcb: {  	s22 =	simm.s32 $0xFC00  }
0xcc: {  	[hbm4b:s8+s2] =	stream.indirect_vreg.scatter [tilespmem:s22], [sflag:$0x2], $0x80, v3, vm0, $0xb8;
	[tilespmem:$0x10400] =	vst v63  }
0xcd: {  	_ =	swait.ge [sflag:s26], $0x8000  }
0xce: {  	[sflag:s26] =	ssyncset.done $0x0  }
0xcf: {  	[sflag:s26] =	ssyncadd.s32 $0xFFFF8000  }
0xd0: {  	_ =	swait.ge [sflag:s26], $0x8000  }
0xd1: {  	[sflag:s26] =	ssyncset.done $0x0  }
0xd2: {  	s1 =	rddreg [dreg:$0x5];
	[sflag:s26] =	ssyncadd.s32 $0xFFFF8000  }
0xd3: {  	[tilespmem:s28], [sflag:$0x3] =	stream.linear.gather [hbm4b:s1+s2], $0x8000, $0x38;
	[tilespmem:$0x10400] =	vst v63  }
0xd4: {  	_ =	swait.ge [sflag:s10], $0x8000  }
0xd5: {  	[sflag:s10] =	ssyncset.done $0x0  }
0xd6: {  	[sflag:s10] =	ssyncadd.s32 $0xFFFF8000  }
0xd7: {  	v3 =	vld [tilespmem:$0x100];
	_ =	sdelay $0x4  }
0xd8: {  	v56 =	vshll.u32 v3, $0x3  }
0xd9: {  	v3 =	vand.u32 $0x7, v3;
	v4 =	vand.u32 $0xFFFFFFC0, v56  }
0xda: {  	v3 =	vor.u32 v3, v4  }
0xdb: {  	v4 =	vperm.xlane v3, v0;
	_ =	sdelay $0x1  }
0xdc: {  	v4 =	vadd.s32 v1, v4;
	_ =	sdelay $0x4  }
0xdd: {  	[hbm4b:s3+s2] =	stream.indirect_vreg.scatter [tilespmem:s28], [sflag:$0x1], $0x80, v4, vm0, $0xb8;
	[tilespmem:$0x10400] =	vst v63  }
0xde: {  	v3 =	vperm.xlane v3, v2  }
0xdf: {  	[hbm4b:s6+s2] =	stream.indirect_vreg.scatter [tilespmem:s23], [sflag:$0x1], $0x80, v4, vm0, $0xb8;
	[tilespmem:$0x10400] =	vst v63  }
0xe0: {  	s4 =	simm.s32 $0x1400;
	v3 =	vadd.s32 v1, v3  }
0xe1: {  	[hbm4b:s7+s2] =	stream.indirect_vreg.scatter [tilespmem:s4], [sflag:$0x1], $0x80, v4, vm0, $0xb8;
	[tilespmem:$0x10400] =	vst v63  }
0xe2: {  	s5 =	simm.s32 $0x1C00  }
0xe3: {  	[hbm4b:s8+s2] =	stream.indirect_vreg.scatter [tilespmem:s5], [sflag:$0x1], $0x80, v4, vm0, $0xb8;
	[tilespmem:$0x10400] =	vst v63  }
0xe4: {  	s11 =	simm.s32 $0x2400  }
0xe5: {  	[hbm4b:s3+s2] =	stream.indirect_vreg.scatter [tilespmem:s11], [sflag:$0x1], $0x80, v3, vm0, $0xb8;
	[tilespmem:$0x10400] =	vst v63  }
0xe6: {  	_ = 	snop  }
0xe7: {  	[hbm4b:s6+s2] =	stream.indirect_vreg.scatter [tilespmem:s29], [sflag:$0x1], $0x80, v3, vm0, $0xb8;
	[tilespmem:$0x10400] =	vst v63  }
0xe8: {  	_ = 	snop  }
0xe9: {  	[hbm4b:s7+s2] =	stream.indirect_vreg.scatter [tilespmem:s30], [sflag:$0x1], $0x80, v3, vm0, $0xb8;
	[tilespmem:$0x10400] =	vst v63  }
0xea: {  	_ = 	snop  }
0xeb: {  	[hbm4b:s8+s2] =	stream.indirect_vreg.scatter [tilespmem:s31], [sflag:$0x1], $0x80, v3, vm0, $0xb8;
	[tilespmem:$0x10400] =	vst v63  }
0xec: {  	v3 =	vld [tilespmem:$0x110];
	_ =	sdelay $0x4  }
0xed: {  	v57 =	vshll.u32 v3, $0x3  }
0xee: {  	v3 =	vand.u32 $0x7, v3;
	v4 =	vand.u32 $0xFFFFFFC0, v57  }
0xef: {  	v3 =	vor.u32 v3, v4  }
0xf0: {  	v4 =	vperm.xlane v3, v0;
	_ =	sdelay $0x1  }
0xf1: {  	v4 =	vadd.s32 v1, v4;
	_ =	sdelay $0x4  }
0xf2: {  	[hbm4b:s3+s2] =	stream.indirect_vreg.scatter [tilespmem:s19], [sflag:$0x1], $0x80, v4, vm0, $0xb8;
	[tilespmem:$0x10400] =	vst v63  }
0xf3: {  	s12 =	simm.s32 $0x4C00;
	v3 =	vperm.xlane v3, v2  }
0xf4: {  	[hbm4b:s6+s2] =	stream.indirect_vreg.scatter [tilespmem:s12], [sflag:$0x1], $0x80, v4, vm0, $0xb8;
	[tilespmem:$0x10400] =	vst v63  }
0xf5: {  	s13 =	simm.s32 $0x5400;
	v3 =	vadd.s32 v1, v3  }
0xf6: {  	[hbm4b:s7+s2] =	stream.indirect_vreg.scatter [tilespmem:s13], [sflag:$0x1], $0x80, v4, vm0, $0xb8;
	[tilespmem:$0x10400] =	vst v63  }
0xf7: {  	s14 =	simm.s32 $0x5C00  }
0xf8: {  	[hbm4b:s8+s2] =	stream.indirect_vreg.scatter [tilespmem:s14], [sflag:$0x1], $0x80, v4, vm0, $0xb8;
	[tilespmem:$0x10400] =	vst v63  }
0xf9: {  	s16 =	simm.s32 $0x6400  }
0xfa: {  	[hbm4b:s3+s2] =	stream.indirect_vreg.scatter [tilespmem:s16], [sflag:$0x1], $0x80, v3, vm0, $0xb8;
	[tilespmem:$0x10400] =	vst v63  }
0xfb: {  	s18 =	simm.s32 $0x6C00  }
0xfc: {  	[hbm4b:s6+s2] =	stream.indirect_vreg.scatter [tilespmem:s18], [sflag:$0x1], $0x80, v3, vm0, $0xb8;
	[tilespmem:$0x10400] =	vst v63  }
0xfd: {  	s20 =	simm.s32 $0x7400  }
0xfe: {  	[hbm4b:s7+s2] =	stream.indirect_vreg.scatter [tilespmem:s20], [sflag:$0x1], $0x80, v3, vm0, $0xb8;
	[tilespmem:$0x10400] =	vst v63  }
0xff: {  	s22 =	simm.s32 $0x7C00  }
0x100: {  	[hbm4b:s8+s2] =	stream.indirect_vreg.scatter [tilespmem:s22], [sflag:$0x1], $0x80, v3, vm0, $0xb8;
	[tilespmem:$0x10400] =	vst v63  }
0x101: {  	v3 =	vld [tilespmem:$0x300];
	_ =	sdelay $0x4  }
0x102: {  	v58 =	vshll.u32 v3, $0x3  }
0x103: {  	v3 =	vand.u32 $0x7, v3;
	v4 =	vand.u32 $0xFFFFFFC0, v58  }
0x104: {  	v3 =	vor.u32 v3, v4  }
0x105: {  	v4 =	vperm.xlane v3, v0;
	_ =	sdelay $0x1  }
0x106: {  	v4 =	vadd.s32 v1, v4;
	_ =	sdelay $0x4  }
0x107: {  	[hbm4b:s3+s2] =	stream.indirect_vreg.scatter [tilespmem:s28], [sflag:$0x1], $0x80, v4, vm0, $0xb8;
	[tilespmem:$0x10400] =	vst v63  }
0x108: {  	v3 =	vperm.xlane v3, v2  }
0x109: {  	[hbm4b:s6+s2] =	stream.indirect_vreg.scatter [tilespmem:s23], [sflag:$0x1], $0x80, v4, vm0, $0xb8;
	[tilespmem:$0x10400] =	vst v63  }
0x10a: {  	v3 =	vadd.s32 v1, v3  }
0x10b: {  	[hbm4b:s7+s2] =	stream.indirect_vreg.scatter [tilespmem:s4], [sflag:$0x1], $0x80, v4, vm0, $0xb8;
	[tilespmem:$0x10400] =	vst v63  }
0x10c: {  	_ = 	snop  }
0x10d: {  	[hbm4b:s8+s2] =	stream.indirect_vreg.scatter [tilespmem:s5], [sflag:$0x1], $0x80, v4, vm0, $0xb8;
	[tilespmem:$0x10400] =	vst v63  }
0x10e: {  	_ = 	snop  }
0x10f: {  	[hbm4b:s3+s2] =	stream.indirect_vreg.scatter [tilespmem:s11], [sflag:$0x1], $0x80, v3, vm0, $0xb8;
	[tilespmem:$0x10400] =	vst v63  }
0x110: {  	_ = 	snop  }
0x111: {  	[hbm4b:s6+s2] =	stream.indirect_vreg.scatter [tilespmem:s29], [sflag:$0x1], $0x80, v3, vm0, $0xb8;
	[tilespmem:$0x10400] =	vst v63  }
0x112: {  	_ = 	snop  }
0x113: {  	[hbm4b:s7+s2] =	stream.indirect_vreg.scatter [tilespmem:s30], [sflag:$0x1], $0x80, v3, vm0, $0xb8;
	[tilespmem:$0x10400] =	vst v63  }
0x114: {  	_ = 	snop  }
0x115: {  	[hbm4b:s8+s2] =	stream.indirect_vreg.scatter [tilespmem:s31], [sflag:$0x1], $0x80, v3, vm0, $0xb8;
	[tilespmem:$0x10400] =	vst v63  }
0x116: {  	v3 =	vld [tilespmem:$0x310];
	_ =	sdelay $0x4  }
0x117: {  	v59 =	vshll.u32 v3, $0x3  }
0x118: {  	v3 =	vand.u32 $0x7, v3;
	v4 =	vand.u32 $0xFFFFFFC0, v59  }
0x119: {  	v3 =	vor.u32 v3, v4  }
0x11a: {  	v4 =	vperm.xlane v3, v0;
	_ =	sdelay $0x1  }
0x11b: {  	v4 =	vadd.s32 v1, v4;
	_ =	sdelay $0x4  }
0x11c: {  	[hbm4b:s3+s2] =	stream.indirect_vreg.scatter [tilespmem:s19], [sflag:$0x1], $0x80, v4, vm0, $0xb8;
	[tilespmem:$0x10400] =	vst v63  }
0x11d: {  	v3 =	vperm.xlane v3, v2  }
0x11e: {  	[hbm4b:s6+s2] =	stream.indirect_vreg.scatter [tilespmem:s12], [sflag:$0x1], $0x80, v4, vm0, $0xb8;
	[tilespmem:$0x10400] =	vst v63  }
0x11f: {  	v3 =	vadd.s32 v1, v3  }
0x120: {  	[hbm4b:s7+s2] =	stream.indirect_vreg.scatter [tilespmem:s13], [sflag:$0x1], $0x80, v4, vm0, $0xb8;
	[tilespmem:$0x10400] =	vst v63  }
0x121: {  	_ = 	snop  }
0x122: {  	[hbm4b:s8+s2] =	stream.indirect_vreg.scatter [tilespmem:s14], [sflag:$0x1], $0x80, v4, vm0, $0xb8;
	[tilespmem:$0x10400] =	vst v63  }
0x123: {  	_ = 	snop  }
0x124: {  	[hbm4b:s3+s2] =	stream.indirect_vreg.scatter [tilespmem:s16], [sflag:$0x1], $0x80, v3, vm0, $0xb8;
	[tilespmem:$0x10400] =	vst v63  }
0x125: {  	_ = 	snop  }
0x126: {  	[hbm4b:s6+s2] =	stream.indirect_vreg.scatter [tilespmem:s18], [sflag:$0x1], $0x80, v3, vm0, $0xb8;
	[tilespmem:$0x10400] =	vst v63  }
0x127: {  	_ = 	snop  }
0x128: {  	[hbm4b:s7+s2] =	stream.indirect_vreg.scatter [tilespmem:s20], [sflag:$0x1], $0x80, v3, vm0, $0xb8;
	[tilespmem:$0x10400] =	vst v63  }
0x129: {  	_ = 	snop  }
0x12a: {  	[hbm4b:s8+s2] =	stream.indirect_vreg.scatter [tilespmem:s22], [sflag:$0x1], $0x80, v3, vm0, $0xb8;
	[tilespmem:$0x10400] =	vst v63  }
0x12b: {  	_ =	swait.ge [sflag:s21], $0x8000  }
0x12c: {  	[sflag:s21] =	ssyncset.done $0x0  }
0x12d: {  	[sflag:s21] =	ssyncadd.s32 $0xFFFF8000  }
0x12e: {  	_ =	swait.ge [sflag:s21], $0x8000  }
0x12f: {  	[sflag:s21] =	ssyncset.done $0x0  }
0x130: {  	s14 =	rddreg [dreg:$0x6];
	[sflag:s21] =	ssyncadd.s32 $0xFFFF8000  }
0x131: {  	[tilespmem:s17], [sflag:$0x3] =	stream.linear.gather [hbm4b:s14+s2], $0x8000, $0x38;
	[tilespmem:$0x10400] =	vst v63  }
0x132: {  	_ =	swait.ge [sflag:s10], $0x8000  }
0x133: {  	[sflag:s10] =	ssyncset.done $0x0  }
0x134: {  	[sflag:s10] =	ssyncadd.s32 $0xFFFF8000  }
0x135: {  	v3 =	vld [tilespmem:$0x180];
	_ =	sdelay $0x4  }
0x136: {  	v60 =	vshll.u32 v3, $0x3  }
0x137: {  	v3 =	vand.u32 $0x7, v3;
	v4 =	vand.u32 $0xFFFFFFC0, v60  }
0x138: {  	v3 =	vor.u32 v3, v4  }
0x139: {  	v4 =	vperm.xlane v3, v0;
	_ =	sdelay $0x1  }
0x13a: {  	v4 =	vadd.s32 v1, v4;
	_ =	sdelay $0x4  }
0x13b: {  	[hbm4b:s3+s2] =	stream.indirect_vreg.scatter [tilespmem:s17], [sflag:$0x2], $0x80, v4, vm0, $0xb8;
	[tilespmem:$0x10400] =	vst v63  }
0x13c: {  	s25 =	simm.s32 $0x8C00;
	v3 =	vperm.xlane v3, v2  }
0x13d: {  	[hbm4b:s6+s2] =	stream.indirect_vreg.scatter [tilespmem:s25], [sflag:$0x2], $0x80, v4, vm0, $0xb8;
	[tilespmem:$0x10400] =	vst v63  }
0x13e: {  	s15 =	simm.s32 $0x9400;
	v3 =	vadd.s32 v1, v3  }
0x13f: {  	[hbm4b:s7+s2] =	stream.indirect_vreg.scatter [tilespmem:s15], [sflag:$0x2], $0x80, v4, vm0, $0xb8;
	[tilespmem:$0x10400] =	vst v63  }
0x140: {  	s16 =	simm.s32 $0x9C00  }
0x141: {  	[hbm4b:s8+s2] =	stream.indirect_vreg.scatter [tilespmem:s16], [sflag:$0x2], $0x80, v4, vm0, $0xb8;
	[tilespmem:$0x10400] =	vst v63  }
0x142: {  	s0 =	simm.s32 $0xA400  }
0x143: {  	[hbm4b:s3+s2] =	stream.indirect_vreg.scatter [tilespmem:s0], [sflag:$0x2], $0x80, v3, vm0, $0xb8;
	[tilespmem:$0x10400] =	vst v63  }
0x144: {  	s1 =	simm.s32 $0xAC00  }
0x145: {  	[hbm4b:s6+s2] =	stream.indirect_vreg.scatter [tilespmem:s1], [sflag:$0x2], $0x80, v3, vm0, $0xb8;
	[tilespmem:$0x10400] =	vst v63  }
0x146: {  	s19 =	simm.s32 $0xB400  }
0x147: {  	[hbm4b:s7+s2] =	stream.indirect_vreg.scatter [tilespmem:s19], [sflag:$0x2], $0x80, v3, vm0, $0xb8;
	[tilespmem:$0x10400] =	vst v63  }
0x148: {  	s18 =	simm.s32 $0xBC00  }
0x149: {  	[hbm4b:s8+s2] =	stream.indirect_vreg.scatter [tilespmem:s18], [sflag:$0x2], $0x80, v3, vm0, $0xb8;
	[tilespmem:$0x10400] =	vst v63  }
0x14a: {  	v3 =	vld [tilespmem:$0x190];
	_ =	sdelay $0x4  }
0x14b: {  	v61 =	vshll.u32 v3, $0x3  }
0x14c: {  	v3 =	vand.u32 $0x7, v3;
	v4 =	vand.u32 $0xFFFFFFC0, v61  }
0x14d: {  	v3 =	vor.u32 v3, v4  }
0x14e: {  	v4 =	vperm.xlane v3, v0;
	_ =	sdelay $0x1  }
0x14f: {  	v4 =	vadd.s32 v1, v4;
	_ =	sdelay $0x3  }
0x150: {  	s20 =	simm.s32 $0xC400  }
0x151: {  	[hbm4b:s3+s2] =	stream.indirect_vreg.scatter [tilespmem:s20], [sflag:$0x2], $0x80, v4, vm0, $0xb8;
	[tilespmem:$0x10400] =	vst v63  }
0x152: {  	s4 =	simm.s32 $0xCC00;
	v3 =	vperm.xlane v3, v2  }
0x153: {  	[hbm4b:s6+s2] =	stream.indirect_vreg.scatter [tilespmem:s4], [sflag:$0x2], $0x80, v4, vm0, $0xb8;
	[tilespmem:$0x10400] =	vst v63  }
0x154: {  	s5 =	simm.s32 $0xD400;
	v3 =	vadd.s32 v1, v3  }
0x155: {  	[hbm4b:s7+s2] =	stream.indirect_vreg.scatter [tilespmem:s5], [sflag:$0x2], $0x80, v4, vm0, $0xb8;
	[tilespmem:$0x10400] =	vst v63  }
0x156: {  	s11 =	simm.s32 $0xDC00  }
0x157: {  	[hbm4b:s8+s2] =	stream.indirect_vreg.scatter [tilespmem:s11], [sflag:$0x2], $0x80, v4, vm0, $0xb8;
	[tilespmem:$0x10400] =	vst v63  }
0x158: {  	s12 =	simm.s32 $0xE400  }
0x159: {  	[hbm4b:s3+s2] =	stream.indirect_vreg.scatter [tilespmem:s12], [sflag:$0x2], $0x80, v3, vm0, $0xb8;
	[tilespmem:$0x10400] =	vst v63  }
0x15a: {  	s13 =	simm.s32 $0xEC00  }
0x15b: {  	[hbm4b:s6+s2] =	stream.indirect_vreg.scatter [tilespmem:s13], [sflag:$0x2], $0x80, v3, vm0, $0xb8;
	[tilespmem:$0x10400] =	vst v63  }
0x15c: {  	s22 =	simm.s32 $0xF400  }
0x15d: {  	[hbm4b:s7+s2] =	stream.indirect_vreg.scatter [tilespmem:s22], [sflag:$0x2], $0x80, v3, vm0, $0xb8;
	[tilespmem:$0x10400] =	vst v63  }
0x15e: {  	s23 =	simm.s32 $0xFC00  }
0x15f: {  	[hbm4b:s8+s2] =	stream.indirect_vreg.scatter [tilespmem:s23], [sflag:$0x2], $0x80, v3, vm0, $0xb8;
	[tilespmem:$0x10400] =	vst v63  }
0x160: {  	v3 =	vld [tilespmem:$0x380];
	_ =	sdelay $0x4  }
0x161: {  	v62 =	vshll.u32 v3, $0x3  }
0x162: {  	v3 =	vand.u32 $0x7, v3;
	v4 =	vand.u32 $0xFFFFFFC0, v62  }
0x163: {  	v3 =	vor.u32 v3, v4  }
0x164: {  	v4 =	vperm.xlane v3, v0;
	_ =	sdelay $0x1  }
0x165: {  	v4 =	vadd.s32 v1, v4;
	_ =	sdelay $0x4  }
0x166: {  	[hbm4b:s3+s2] =	stream.indirect_vreg.scatter [tilespmem:s17], [sflag:$0x2], $0x80, v4, vm0, $0xb8;
	[tilespmem:$0x10400] =	vst v63  }
0x167: {  	v3 =	vperm.xlane v3, v2  }
0x168: {  	[hbm4b:s6+s2] =	stream.indirect_vreg.scatter [tilespmem:s25], [sflag:$0x2], $0x80, v4, vm0, $0xb8;
	[tilespmem:$0x10400] =	vst v63  }
0x169: {  	v3 =	vadd.s32 v1, v3  }
0x16a: {  	[hbm4b:s7+s2] =	stream.indirect_vreg.scatter [tilespmem:s15], [sflag:$0x2], $0x80, v4, vm0, $0xb8;
	[tilespmem:$0x10400] =	vst v63  }
0x16b: {  	_ = 	snop  }
0x16c: {  	[hbm4b:s8+s2] =	stream.indirect_vreg.scatter [tilespmem:s16], [sflag:$0x2], $0x80, v4, vm0, $0xb8;
	[tilespmem:$0x10400] =	vst v63  }
0x16d: {  	_ = 	snop  }
0x16e: {  	[hbm4b:s3+s2] =	stream.indirect_vreg.scatter [tilespmem:s0], [sflag:$0x2], $0x80, v3, vm0, $0xb8;
	[tilespmem:$0x10400] =	vst v63  }
0x16f: {  	_ = 	snop  }
0x170: {  	[hbm4b:s6+s2] =	stream.indirect_vreg.scatter [tilespmem:s1], [sflag:$0x2], $0x80, v3, vm0, $0xb8;
	[tilespmem:$0x10400] =	vst v63  }
0x171: {  	_ = 	snop  }
0x172: {  	[hbm4b:s7+s2] =	stream.indirect_vreg.scatter [tilespmem:s19], [sflag:$0x2], $0x80, v3, vm0, $0xb8;
	[tilespmem:$0x10400] =	vst v63  }
0x173: {  	_ = 	snop  }
0x174: {  	[hbm4b:s8+s2] =	stream.indirect_vreg.scatter [tilespmem:s18], [sflag:$0x2], $0x80, v3, vm0, $0xb8;
	[tilespmem:$0x10400] =	vst v63  }
0x175: {  	v3 =	vld [tilespmem:$0x390];
	_ =	sdelay $0x4  }
0x176: {  	v63 =	vshll.u32 v3, $0x3  }
0x177: {  	v3 =	vand.u32 $0x7, v3;
	v4 =	vand.u32 $0xFFFFFFC0, v63  }
0x178: {  	v3 =	vor.u32 v3, v4  }
0x179: {  	v4 =	vperm.xlane v3, v0;
	_ =	sdelay $0x1  }
0x17a: {  	v4 =	vadd.s32 v1, v4;
	_ =	sdelay $0x4  }
0x17b: {  	[hbm4b:s3+s2] =	stream.indirect_vreg.scatter [tilespmem:s20], [sflag:$0x2], $0x80, v4, vm0, $0xb8;
	[tilespmem:$0x10400] =	vst v63  }
0x17c: {  	v3 =	vperm.xlane v3, v2  }
0x17d: {  	[hbm4b:s6+s2] =	stream.indirect_vreg.scatter [tilespmem:s4], [sflag:$0x2], $0x80, v4, vm0, $0xb8;
	[tilespmem:$0x10400] =	vst v63  }
0x17e: {  	v3 =	vadd.s32 v1, v3  }
0x17f: {  	[hbm4b:s7+s2] =	stream.indirect_vreg.scatter [tilespmem:s5], [sflag:$0x2], $0x80, v4, vm0, $0xb8;
	[tilespmem:$0x10400] =	vst v63  }
0x180: {  	_ = 	snop  }
0x181: {  	[hbm4b:s8+s2] =	stream.indirect_vreg.scatter [tilespmem:s11], [sflag:$0x2], $0x80, v4, vm0, $0xb8;
	[tilespmem:$0x10400] =	vst v63  }
0x182: {  	_ = 	snop  }
0x183: {  	[hbm4b:s3+s2] =	stream.indirect_vreg.scatter [tilespmem:s12], [sflag:$0x2], $0x80, v3, vm0, $0xb8;
	[tilespmem:$0x10400] =	vst v63  }
0x184: {  	_ = 	snop  }
0x185: {  	[hbm4b:s6+s2] =	stream.indirect_vreg.scatter [tilespmem:s13], [sflag:$0x2], $0x80, v3, vm0, $0xb8;
	[tilespmem:$0x10400] =	vst v63  }
0x186: {  	_ = 	snop  }
0x187: {  	[hbm4b:s7+s2] =	stream.indirect_vreg.scatter [tilespmem:s22], [sflag:$0x2], $0x80, v3, vm0, $0xb8;
	[tilespmem:$0x10400] =	vst v63  }
0x188: {  	_ = 	snop  }
0x189: {  	[hbm4b:s8+s2] =	stream.indirect_vreg.scatter [tilespmem:s23], [sflag:$0x2], $0x80, v3, vm0, $0xb8;
	[tilespmem:$0x10400] =	vst v63  }
0x18a: {  	_ =	swait.ge [sflag:s26], $0x8000  }
0x18b: {  	[sflag:s26] =	ssyncset.done $0x0  }
0x18c: {  	[sflag:s26] =	ssyncadd.s32 $0xFFFF8000  }
0x18d: {  	_ =	swait.ge [sflag:s26], $0x8000  }
0x18e: {  	[sflag:s26] =	ssyncset.done $0x0  }
0x18f: {  	[sflag:s26] =	ssyncadd.s32 $0xFFFF8000  }
0x190: {  	p0 =	sne.s32 s9, $0x1;
	_ =	swait.ge [sflag:s21], $0x8000  }
.Ltmp0:
0x191: {  	[sflag:s21] =	ssyncset.done $0x0;
	(pc) =	sbr.rel @p0 .LBB2_1-.Ltmp0, $4  }
0x192: {  	[sflag:s21] =	ssyncadd.s32 $0xFFFF8000  }
0x193: {  	_ =	swait.ge [sflag:s21], $0x8000  }
0x194: {  	[sflag:s21] =	ssyncset.done $0x0  }
0x195: {  	s9 =	sadd.s32 $0xFFFFFFFF, s9;
	[sflag:s21] =	ssyncadd.s32 $0xFFFF8000  }
0x196: {  	_ =	sfence.sel $0x180000  }
0x197: {  	[bflag:$0x0] =	sbarrier.arrive $0xFFFF  }
0x198: {  	_ =	strace $0x90000047  }
0x199: {  	s0 =	stileid.u32;
	[bflag:$0x2] =	sbarrier.arrive $0xFFFF  }
0x19a: {  	p0 =	sne.s32 s0, $0x0;
	s0 =	rddreg [dreg:$0x2]  }
0x19b: {  	s0 =	sadd.s32 @!p0 $0x100000, s0  }
0x19c: {  	[sflag:s0] =	ssyncadd.tile.s32 @!p0 $0x1;
	_ =	shalt  }
.Lfunc_end2:
_tile_overlayer_lowered:
.L_overlay_start_2:
0x19d: {  	(tag) =	ssettag $0x2  }
0x19e: {  	s0 =	rddreg [dreg:$0x0];
	s2 =	stileid.u32  }
0x19f: {  	s1 =	rddreg [dreg:$0x1];
	p0 =	sne.s32 s2, $0x0  }
0x1a0: {  	s3 =	rddreg [dreg:$0x2];
	[bflag:$0x3] =	sbarrier.arrive $0xFFFF;
	s2 =	simm.s32 @!p0 $0x1C03  }
0x1a1: {  	[timem:s3], [sflag:s2] =	dma.local @!p0 [hbm:s0], s1  }
0x1a2: {  	s0 =	simm.s32 @!p0 $0x3  }
0x1a3: {  	_ =	swait.ge @!p0 [sflag:s0], s1  }
0x1a4: {  	s1 =	ssub.s32 @!p0 $0x0, s1;
	[sflag:s0] =	ssyncset.done @!p0 $0x0  }
0x1a5: {  	[sflag:s0] =	ssyncadd.s32 @!p0 s1  }
0x1a6: {  	[bflag:$0x3] =	sbarrier.arrive $0xFFFF  }
0x1a7: {  	_ =	shalt  }

</sc_bundles>
